<compile_context>
chip_gen: v7x
topology: tpu7x:2x2x1
jax: 0.10.2.dev20260603
libtpu: 0.0.44.dev20260713+nightly
codegen_flags: <defaults>
</compile_context>

<pallas_src>
import functools

import jax
import jax.numpy as jnp
from jax import lax
from jax.experimental import pallas as pl
from jax.experimental.pallas import tpu as pltpu
from jax.experimental.pallas import tpu_sc as plsc

_NC = 2
_NS = 16
_NW = _NC * _NS
_LANES = 16
_CHUNK = 120



def _msg_body(x_ref, w_ref, b_ref, o_ref):
    m = jnp.tanh(
        jnp.dot(x_ref[...], w_ref[...], preferred_element_type=jnp.float32)
        + b_ref[...])
    o_ref[...] = jnp.maximum(m, 0.0)


def _tc_msg(x, w, b, bn):
    n, d = x.shape
    return pl.pallas_call(
        _msg_body,
        grid=(n // bn,),
        in_specs=[
            pl.BlockSpec((bn, d), lambda i: (i, 0)),
            pl.BlockSpec((d, d), lambda i: (0, 0)),
            pl.BlockSpec((1, d), lambda i: (0, 0)),
        ],
        out_specs=pl.BlockSpec((bn, d), lambda i: (i, 0)),
        out_shape=jax.ShapeDtypeStruct((n, d), jnp.float32),
    )(x, w, b.reshape(1, d))


def _upd_body(with_psum, with_msg, x_ref, a0_ref, a1_ref, w1_ref, b1_ref,
              w2_ref, b2_ref, g_ref, be_ref, *refs):
    nin = 2 if with_msg else 0
    out_refs = refs[nin:]
    x = x_ref[...]
    agg = a0_ref[...] + a1_ref[...]
    h = jnp.concatenate([x, agg], axis=1)
    h = jnp.tanh(
        jnp.dot(h, w1_ref[...], preferred_element_type=jnp.float32)
        + b1_ref[...])
    h = jnp.dot(h, w2_ref[...], preferred_element_type=jnp.float32) + b2_ref[...]
    mu = jnp.mean(h, axis=-1, keepdims=True)
    c = h - mu
    var = jnp.mean(c * c, axis=-1, keepdims=True)
    xn = g_ref[...] * c / jnp.sqrt(var + 1e-5) + be_ref[...]
    out_refs[0][...] = xn
    if with_msg:
        wm_ref, bm_ref = refs[0], refs[1]
        m = jnp.tanh(
            jnp.dot(xn, wm_ref[...], preferred_element_type=jnp.float32)
            + bm_ref[...])
        out_refs[1][...] = jnp.maximum(m, 0.0)
    if with_psum:
        out_refs[-1][...] = jnp.sum(xn, axis=0)[None, None, :]


def _tc_update(x, a0, a1, w1, b1, w2, b2, ln_g, ln_b, bn, with_psum,
               wmsg=None, bmsg=None):
    n, d = x.shape
    grid = n // bn
    with_msg = wmsg is not None
    out_shape = [jax.ShapeDtypeStruct((n, d), jnp.float32)]
    out_specs = [pl.BlockSpec((bn, d), lambda i: (i, 0))]
    if with_msg:
        out_shape.append(jax.ShapeDtypeStruct((n, d), jnp.float32))
        out_specs.append(pl.BlockSpec((bn, d), lambda i: (i, 0)))
    if with_psum:
        out_shape.append(jax.ShapeDtypeStruct((grid, 1, d), jnp.float32))
        out_specs.append(pl.BlockSpec((1, 1, d), lambda i: (i, 0, 0)))
    in_specs = [
        pl.BlockSpec((bn, d), lambda i: (i, 0)),
        pl.BlockSpec((bn, d), lambda i: (i, 0)),
        pl.BlockSpec((bn, d), lambda i: (i, 0)),
        pl.BlockSpec((2 * d, d), lambda i: (0, 0)),
        pl.BlockSpec((1, d), lambda i: (0, 0)),
        pl.BlockSpec((d, d), lambda i: (0, 0)),
        pl.BlockSpec((1, d), lambda i: (0, 0)),
        pl.BlockSpec((1, d), lambda i: (0, 0)),
        pl.BlockSpec((1, d), lambda i: (0, 0)),
    ]
    args = [x, a0, a1, w1, b1.reshape(1, d), w2, b2.reshape(1, d),
            ln_g.reshape(1, d), ln_b.reshape(1, d)]
    if with_msg:
        in_specs += [pl.BlockSpec((d, d), lambda i: (0, 0)),
                     pl.BlockSpec((1, d), lambda i: (0, 0))]
        args += [wmsg, bmsg.reshape(1, d)]
    res = pl.pallas_call(
        functools.partial(_upd_body, with_psum, with_msg),
        grid=(grid,),
        in_specs=in_specs,
        out_specs=out_specs,
        out_shape=out_shape,
    )(*args)
    xn = res[0]
    msg = res[1] if with_msg else None
    psum = res[-1] if with_psum else None
    return xn, msg, psum


def _heads_body(n_total, x_ref, ps_ref, gf_ref, wg_ref, bg_ref,
                wm1_ref, bm1_ref, wm2_ref, bm2_ref,
                wh1_ref, bh1_ref, wh2_ref, bh2_ref,
                wa1_ref, ba1_ref, wa2_ref, ba2_ref,
                om_ref, oh_ref, oa_ref):
    total = jnp.sum(ps_ref[...], axis=(0, 1))[None, :] * (1.0 / n_total)
    g = jnp.tanh(
        jnp.dot(total, wg_ref[...], preferred_element_type=jnp.float32)
        + bg_ref[...] + gf_ref[...])
    x = x_ref[...]
    feat = jnp.concatenate(
        [x, jnp.broadcast_to(g, (x.shape[0], g.shape[1]))], axis=1)
    hm = jnp.tanh(
        jnp.dot(feat, wm1_ref[...], preferred_element_type=jnp.float32)
        + bm1_ref[...])
    om_ref[...] = jnp.tanh(
        jnp.dot(hm, wm2_ref[...], preferred_element_type=jnp.float32)
        + bm2_ref[...])
    hh = jnp.tanh(
        jnp.dot(feat, wh1_ref[...], preferred_element_type=jnp.float32)
        + bh1_ref[...])
    oh_ref[...] = jnp.tanh(
        jnp.dot(hh, wh2_ref[...], preferred_element_type=jnp.float32)
        + bh2_ref[...])
    ha = jnp.tanh(
        jnp.dot(feat, wa1_ref[...], preferred_element_type=jnp.float32)
        + ba1_ref[...])
    oa_ref[...] = jnp.tanh(
        jnp.dot(ha, wa2_ref[...], preferred_element_type=jnp.float32)
        + ba2_ref[...])


def _tc_heads(x, psum, gf, wg, bg, wm1, bm1, wm2, bm2, wh1, bh1, wh2, bh2,
              wa1, ba1, wa2, ba2, bn):
    n, d = x.shape
    grid = n // bn
    nb = psum.shape[0]
    g_dim = gf.shape[1]
    h_dim = wm1.shape[1]
    dg = d + g_dim
    move_w = wm2.shape[1]
    wspec = lambda a, b: pl.BlockSpec((a, b), lambda i: (0, 0))
    return pl.pallas_call(
        functools.partial(_heads_body, n),
        grid=(grid,),
        in_specs=[
            pl.BlockSpec((bn, d), lambda i: (i, 0)),
            pl.BlockSpec((nb, 1, d), lambda i: (0, 0, 0)),
            wspec(1, g_dim), wspec(d, g_dim), wspec(1, g_dim),
            wspec(dg, h_dim), wspec(1, h_dim), wspec(h_dim, move_w),
            wspec(1, move_w),
            wspec(dg, h_dim), wspec(1, h_dim), wspec(h_dim, 1), wspec(1, 1),
            wspec(dg, h_dim), wspec(1, h_dim), wspec(h_dim, 1), wspec(1, 1),
        ],
        out_specs=[
            pl.BlockSpec((bn, move_w), lambda i: (i, 0)),
            pl.BlockSpec((bn, 1), lambda i: (i, 0)),
            pl.BlockSpec((bn, 1), lambda i: (i, 0)),
        ],
        out_shape=[
            jax.ShapeDtypeStruct((n, move_w), jnp.float32),
            jax.ShapeDtypeStruct((n, 1), jnp.float32),
            jax.ShapeDtypeStruct((n, 1), jnp.float32),
        ],
    )(x, psum, gf, wg, bg.reshape(1, g_dim),
      wm1, bm1.reshape(1, h_dim), wm2, bm2.reshape(1, move_w),
      wh1, bh1.reshape(1, h_dim), wh2, bh2.reshape(1, 1),
      wa1, ba1.reshape(1, h_dim), wa2, ba2.reshape(1, 1))



_NBUF = 3
_IRING = 6


def _sc_edge_agg(msg, src1d, dst1d, zeros_tile):
    n, d = msg.shape
    n_chunks = src1d.shape[0] // _CHUNK
    cpw = n_chunks // _NW
    rows_per_tile = ((n // _NS + 7) // 8) * 8
    n_pad = rows_per_tile * _NS
    mesh = plsc.VectorSubcoreMesh(core_axis_name="c", subcore_axis_name="s")

    @functools.partial(
        pl.kernel,
        out_type=(jax.ShapeDtypeStruct((n_pad, d), jnp.float32),
                  jax.ShapeDtypeStruct((n_pad, d), jnp.float32)),
        mesh=mesh,
        scratch_types=[
            pltpu.VMEM((_IRING, _CHUNK), jnp.int32),
            pltpu.VMEM((_IRING, _CHUNK), jnp.int32),
            pltpu.VMEM((_NBUF, _CHUNK, d), jnp.float32),
            pltpu.VMEM_SHARED((n_pad, d), jnp.float32),
            pltpu.SemaphoreType.DMA((_IRING,)),
            pltpu.SemaphoreType.DMA((_NBUF,)),
            pltpu.SemaphoreType.DMA((_NBUF,)),
        ],
        compiler_params=pltpu.CompilerParams(needs_layout_passes=False),
    )
    def k(msg_hbm, src_hbm, dst_hbm, zero_hbm, out0_hbm, out1_hbm,
          sidx, didx, rows, acc, isem, gsem, ssem):
        c = lax.axis_index("c")
        s = lax.axis_index("s")
        wid = s * _NC + c
        base0 = wid * cpw * _CHUNK

        def prefetch_idx(t):
            @pl.when(t < cpw)
            def _():
                sl = lax.rem(t, _IRING)
                base = base0 + t * _CHUNK
                pltpu.async_copy(src_hbm.at[pl.ds(base, _CHUNK)],
                                 sidx.at[sl], isem.at[sl])
                pltpu.async_copy(dst_hbm.at[pl.ds(base, _CHUNK)],
                                 didx.at[sl], isem.at[sl])

        prefetch_idx(0)
        prefetch_idx(1)
        pltpu.sync_copy(zero_hbm, acc.at[pl.ds(s * rows_per_tile, rows_per_tile)])
        plsc.subcore_barrier()

        def step(j, carry):
            @pl.when(j < cpw)
            def _():
                b = lax.rem(j, _NBUF)
                sl = lax.rem(j, _IRING)

                @pl.when(j >= _NBUF)
                def _():
                    pltpu.make_async_copy(rows.at[b], acc.at[didx.at[0]],
                                          ssem.at[b]).wait()

                pltpu.make_async_copy(src_hbm.at[pl.ds(0, _CHUNK)],
                                      sidx.at[sl], isem.at[sl]).wait()
                pltpu.make_async_copy(dst_hbm.at[pl.ds(0, _CHUNK)],
                                      didx.at[sl], isem.at[sl]).wait()
                pltpu.async_copy(msg_hbm.at[sidx.at[sl]], rows.at[b],
                                 gsem.at[b])
                prefetch_idx(j + 2)

            jj = j - 1

            @pl.when((jj >= 0) & (jj < cpw))
            def _():
                bb = lax.rem(jj, _NBUF)
                sl2 = lax.rem(jj, _IRING)
                pltpu.make_async_copy(msg_hbm.at[sidx.at[0]], rows.at[bb],
                                      gsem.at[bb]).wait()
                pltpu.async_copy(rows.at[bb], acc.at[didx.at[sl2]],
                                 ssem.at[bb], add=True)

            return carry

        lax.fori_loop(0, cpw + 1, step, 0)
        for b in range(_NBUF):
            pltpu.make_async_copy(rows.at[b], acc.at[didx.at[0]],
                                  ssem.at[b]).wait()
        plsc.subcore_barrier()

        @pl.when(c == 0)
        def _():
            pltpu.sync_copy(
                acc.at[pl.ds(s * rows_per_tile, rows_per_tile)],
                out0_hbm.at[pl.ds(s * rows_per_tile, rows_per_tile)])

        @pl.when(c == 1)
        def _():
            pltpu.sync_copy(
                acc.at[pl.ds(s * rows_per_tile, rows_per_tile)],
                out1_hbm.at[pl.ds(s * rows_per_tile, rows_per_tile)])

    return k(msg, src1d, dst1d, zeros_tile), n_pad


def _sc_heads_gather(mtab, htab, atab, ally_pad, adst_pad, move_w):
    tn = htab.shape[0]
    apad = ally_pad.shape[0]
    epad = adst_pad.shape[0]
    ept = epad // _NW
    mpt = apad * move_w // _NW
    hpt = apad // _NW
    mesh = plsc.VectorSubcoreMesh(core_axis_name="c", subcore_axis_name="s")

    @functools.partial(
        pl.kernel,
        out_type=(
            jax.ShapeDtypeStruct((apad * move_w,), jnp.float32),
            jax.ShapeDtypeStruct((apad,), jnp.float32),
            jax.ShapeDtypeStruct((epad,), jnp.float32),
        ),
        mesh=mesh,
        scratch_types=[
            pltpu.VMEM((tn * move_w,), jnp.float32),
            pltpu.VMEM((tn,), jnp.float32),
            pltpu.VMEM((tn,), jnp.float32),
            pltpu.VMEM((apad,), jnp.int32),
            pltpu.VMEM((ept,), jnp.int32),
            pltpu.VMEM((mpt,), jnp.float32),
            pltpu.VMEM((hpt,), jnp.float32),
            pltpu.VMEM((ept,), jnp.float32),
        ],
        compiler_params=pltpu.CompilerParams(needs_layout_passes=False),
    )
    def k(mtab_hbm, htab_hbm, atab_hbm, ally_hbm, adst_hbm,
          mv_hbm, ho_hbm, at_hbm,
          mtab_v, htab_v, atab_v, ally_v, adst_v, mv_v, ho_v, at_v):
        c = lax.axis_index("c")
        s = lax.axis_index("s")
        wid = s * _NC + c
        pltpu.sync_copy(mtab_hbm, mtab_v)
        pltpu.sync_copy(htab_hbm, htab_v)
        pltpu.sync_copy(atab_hbm, atab_v)
        pltpu.sync_copy(ally_hbm, ally_v)
        pltpu.sync_copy(adst_hbm.at[pl.ds(wid * ept, ept)], adst_v)
        iota = lax.iota(jnp.int32, _LANES)

        mbase = wid * mpt
        for kk in range(mpt // _LANES):
            p = jnp.full((_LANES,), mbase + kk * _LANES, jnp.int32) + iota
            j = p // move_w
            cc = p - j * move_w
            a = plsc.load_gather(ally_v, [j])
            v = plsc.load_gather(mtab_v, [a * move_w + cc])
            mv_v[pl.ds(kk * _LANES, _LANES)] = v
        pltpu.sync_copy(mv_v, mv_hbm.at[pl.ds(mbase, mpt)])

        hbase = wid * hpt
        for kk in range(hpt // _LANES):
            p = jnp.full((_LANES,), hbase + kk * _LANES, jnp.int32) + iota
            a = plsc.load_gather(ally_v, [p])
            v = plsc.load_gather(htab_v, [a])
            ho_v[pl.ds(kk * _LANES, _LANES)] = v
        pltpu.sync_copy(ho_v, ho_hbm.at[pl.ds(hbase, hpt)])

        def abody(kk, carry):
            d16 = adst_v[pl.ds(kk * _LANES, _LANES)]
            v = plsc.load_gather(atab_v, [d16])
            at_v[pl.ds(kk * _LANES, _LANES)] = v
            return carry

        lax.fori_loop(0, ept // _LANES, abody, 0)
        pltpu.sync_copy(at_v, at_hbm.at[pl.ds(wid * ept, ept)])

    return k(mtab, htab, atab, ally_pad, adst_pad)



def kernel(node_feature, global_feature, edge_index, attack_edge_index,
           ally_indices, W_msg, b_msg, W_u1, b_u1, W_u2, b_u2, ln_g, ln_b,
           W_glob, b_glob, W_m1, b_m1, W_m2, b_m2, W_h1, b_h1, W_h2, b_h2,
           W_a1, b_a1, W_a2, b_a2):
    n, d = node_feature.shape
    ea = attack_edge_index.shape[1]
    ally = ally_indices.shape[0]
    move_w = W_m2.shape[1]
    nlayers = W_msg.shape[0]
    bn = 1000

    e = edge_index.shape[1]
    rows_per_tile = ((n // _NS + 7) // 8) * 8
    n_pad = rows_per_tile * _NS
    zeros_tile = jnp.zeros((rows_per_tile, d), jnp.float32)

    e_unit = _NW * _CHUNK * 8
    e_pad = ((e + e_unit - 1) // e_unit) * e_unit
    pad = e_pad - e
    pad_ar = jnp.arange(pad, dtype=jnp.int32)
    src1d = jnp.concatenate([edge_index[0], pad_ar % n])
    dst1d = jnp.concatenate([edge_index[1], n + pad_ar % (n_pad - n)])

    x = node_feature
    psum = None
    msg = _tc_msg(x, W_msg[0], b_msg[0], bn)
    for l in range(nlayers):
        (agg0, agg1), n_pad = _sc_edge_agg(msg, src1d, dst1d, zeros_tile)
        last = l == nlayers - 1
        x, msg, psum = _tc_update(
            x, agg0, agg1, W_u1[l], b_u1[l],
            W_u2[l], b_u2[l], ln_g[l], ln_b[l], bn,
            with_psum=last,
            wmsg=None if last else W_msg[l + 1],
            bmsg=None if last else b_msg[l + 1])

    move_n, hold_n, atk_n = _tc_heads(
        x, psum, global_feature, W_glob, b_glob,
        W_m1, b_m1, W_m2, b_m2, W_h1, b_h1, W_h2, b_h2,
        W_a1, b_a1, W_a2, b_a2, bn)

    apad = ((ally + _NW * _LANES - 1) // (_NW * _LANES)) * _NW * _LANES
    epad = ((ea + _NW * _LANES - 1) // (_NW * _LANES)) * _NW * _LANES
    ally_pad = jnp.zeros((apad,), jnp.int32).at[:ally].set(ally_indices)
    adst_pad = jnp.zeros((epad,), jnp.int32).at[:ea].set(attack_edge_index[1])

    mv, ho, at = _sc_heads_gather(
        move_n.reshape(-1), hold_n.reshape(-1), atk_n.reshape(-1),
        ally_pad, adst_pad, move_w)
    return (mv[:ally * move_w].reshape(ally, move_w),
            ho[:ally].reshape(ally, 1),
            at[:ea])

# --- scband reference (transcript-rebuilt; emitter-appended) ---
"""Pipeline reference for scband-actor-3264175145547 (READ-ONLY COPY).

The authoritative reference and input builder live on the scoring server;
editing this copy changes nothing except your own understanding.
"""

import jax, jax.numpy as jnp
import numpy as np

N = 10000
E = 320000
EA = 100000
D = 128
G = 32
L = 2
ALLY = 2000
H = 128
MOVE = 4


def setup_inputs(seed: int = 0) -> dict:
    key = jax.random.key(seed)

    def p(i, shape, scale=0.05):
        return jax.random.normal(jax.random.fold_in(key, i), shape, jnp.float32) * scale

    def ri(i, shape, hi):
        return jax.random.randint(jax.random.fold_in(key, 1000 + i), shape, 0, hi, jnp.int32)

    inp = {
        "node_feature": p(0, (N, D), 1.0),
        "global_feature": p(1, (1, G), 1.0),
        "edge_index": ri(0, (2, E), N),
        "attack_edge_index": ri(1, (2, EA), N),
        "ally_indices": ri(2, (ALLY,), N),
        "W_msg": p(2, (L, D, D)), "b_msg": p(3, (L, D)),
        "W_u1": p(4, (L, 2 * D, D)), "b_u1": p(5, (L, D)),
        "W_u2": p(6, (L, D, D)), "b_u2": p(7, (L, D)),
        "ln_g": jnp.ones((L, D), jnp.float32), "ln_b": jnp.zeros((L, D), jnp.float32),
        "W_glob": p(8, (D, G)), "b_glob": p(9, (G,)),
        "W_m1": p(10, (D + G, H)), "b_m1": p(11, (H,)),
        "W_m2": p(12, (H, MOVE)), "b_m2": p(13, (MOVE,)),
        "W_h1": p(14, (D + G, H)), "b_h1": p(15, (H,)),
        "W_h2": p(16, (H, 1)), "b_h2": p(17, (1,)),
        "W_a1": p(18, (D + G, H)), "b_a1": p(19, (H,)),
        "W_a2": p(20, (H, 1)), "b_a2": p(21, (1,)),
    }
    return inp


def reference(node_feature, global_feature, edge_index, attack_edge_index, ally_indices,
              W_msg, b_msg, W_u1, b_u1, W_u2, b_u2, ln_g, ln_b, W_glob, b_glob,
              W_m1, b_m1, W_m2, b_m2, W_h1, b_h1, W_h2, b_h2, W_a1, b_a1, W_a2, b_a2):
    src = edge_index[0]
    dst = edge_index[1]
    x = node_feature
    # RelationalNetwork: L rounds of message passing with relu pooling,
    # tanh-MLP node update and layer norm (use_norm=True)
    for l in range(L):
        msg = jnp.tanh(x @ W_msg[l] + b_msg[l])
        m = jax.nn.relu(jnp.take(msg, src, axis=0))
        agg = jax.ops.segment_sum(m, dst, num_segments=N)
        h = jnp.concatenate([x, agg], axis=-1)
        h = jnp.tanh(h @ W_u1[l] + b_u1[l])
        h = h @ W_u2[l] + b_u2[l]
        mu = jnp.mean(h, axis=-1, keepdims=True)
        var = jnp.var(h, axis=-1, keepdims=True)
        x = ln_g[l] * (h - mu) / jnp.sqrt(var + 1e-5) + ln_b[l]
    # global update (single graph): mean-pool nodes, combine with global feature
    g = jnp.tanh(jnp.mean(x, axis=0) @ W_glob + b_glob + global_feature[0])
    # global_updated repeated over nodes, concat -> module_input_dim = node_dim + global_dim
    feat = jnp.concatenate([x, jnp.broadcast_to(g[None, :], (x.shape[0], g.shape[0]))], axis=-1)
    # MoveModule / HoldModule: MLP [128] tanh hidden, tanh out
    move = jnp.tanh(jnp.tanh(feat @ W_m1 + b_m1) @ W_m2 + b_m2)
    hold = jnp.tanh(jnp.tanh(feat @ W_h1 + b_h1) @ W_h2 + b_h2)
    # AttackModule: per attack-edge logit from gathered target node features
    ef = jnp.take(feat, attack_edge_index[1], axis=0)
    atk = jnp.tanh(jnp.tanh(ef @ W_a1 + b_a1) @ W_a2 + b_a2)[:, 0]
    move_arg = jnp.take(move, ally_indices, axis=0)
    hold_arg = jnp.take(hold, ally_indices, axis=0)
    return (move_arg, hold_arg, atk)

if __name__ == "__main__":
    import jax
    _d = setup_inputs()
    print(jax.jit(kernel)(*tuple(_d.values())))

</pallas_src>

<mosaic_0001>
#map = affine_map<(d0, d1) -> (0, 0)>
#map1 = affine_map<(d0, d1) -> (0)>
module attributes {stable_mosaic.version = 14 : i64} {
  func.func @k(%arg0: i32, %arg1: i32, %arg2: memref<10000x128xf32, #tpu.memory_space<hbm>>, %arg3: memref<337920xi32, #tpu.memory_space<hbm>>, %arg4: memref<337920xi32, #tpu.memory_space<hbm>>, %arg5: memref<632x128xf32, #tpu.memory_space<hbm>>, %arg6: memref<10112x128xf32, #tpu.memory_space<hbm>>, %arg7: memref<10112x128xf32, #tpu.memory_space<hbm>>, %arg8: memref<6x120xi32, #tpu.memory_space<vmem>>, %arg9: memref<6x120xi32, #tpu.memory_space<vmem>>, %arg10: memref<3x120x128xf32, #tpu.memory_space<vmem>>, %arg11: memref<10112x128xf32, #tpu.memory_space<vmem_shared>>, %arg12: memref<6x!tpu.dma_semaphore, #tpu.memory_space<semaphore_mem>>, %arg13: memref<3x!tpu.dma_semaphore, #tpu.memory_space<semaphore_mem>>, %arg14: memref<3x!tpu.dma_semaphore, #tpu.memory_space<semaphore_mem>>) attributes {dimension_semantics = [#tpu.dimension_semantics<core_parallel>, #tpu.dimension_semantics<subcore_parallel>], iteration_bounds = array<i64: 2, 16>, scalar_prefetch = 0 : i64, scratch_operands = 7 : i64, tpu.core_type = #tpu.core_type<sc_vector_subcore>, window_params = [{transform_indices = #map}, {transform_indices = #map1}, {transform_indices = #map1}, {transform_indices = #map}, {transform_indices = #map}, {transform_indices = #map}]} {
    %mul3A = arith.constant 2 : i32
    %mul3A_0 = arith.muli %arg1, %mul3A : i32
    %add3A = arith.addi %mul3A_0, %arg0 : i32
    %mul3A_1 = arith.constant 88 : i32
    %mul3A_2 = arith.muli %add3A, %mul3A_1 : i32
    %mul3A_3 = arith.constant 120 : i32
    %mul3A_4 = arith.muli %mul3A_2, %mul3A_3 : i32
    %rem3A = arith.constant 0 : i32
    %rem3A_5 = arith.constant 6 : i32
    %rem3A_6 = arith.remsi %rem3A, %rem3A_5 : i32
    %add3A_7 = arith.constant 0 : i32
    %add3A_8 = arith.addi %mul3A_4, %add3A_7 : i32
    %dma_start3A = arith.constant 0 : i32
    %dma_start3A_9 = tpu.memref_slice %arg8[%rem3A_6, %dma_start3A] : memref<6x120xi32, #tpu.memory_space<vmem>> -> memref<1x120xi32, #tpu.memory_space<vmem>>
    %dma_start3A_10 = tpu.memref_squeeze %dma_start3A_9 : memref<1x120xi32, #tpu.memory_space<vmem>> -> memref<120xi32, #tpu.memory_space<vmem>>
    %dma_start3A_11 = tpu.memref_slice %arg3[%add3A_8] : memref<337920xi32, #tpu.memory_space<hbm>> -> memref<120xi32, #tpu.memory_space<hbm>>
    %dma_start3A_12 = tpu.memref_slice %arg12[%rem3A_6] : memref<6x!tpu.dma_semaphore, #tpu.memory_space<semaphore_mem>> -> memref<1x!tpu.dma_semaphore, #tpu.memory_space<semaphore_mem>>
    %dma_start3A_13 = tpu.memref_squeeze %dma_start3A_12 : memref<1x!tpu.dma_semaphore, #tpu.memory_space<semaphore_mem>> -> memref<!tpu.dma_semaphore, #tpu.memory_space<semaphore_mem>>
    %dma_start3A_14 = arith.constant 0 : i32
    %dma_start3A_15 = tpu.memref_slice %arg8[%rem3A_6, %dma_start3A_14] : memref<6x120xi32, #tpu.memory_space<vmem>> -> memref<1x120xi32, #tpu.memory_space<vmem>>
    %dma_start3A_16 = tpu.memref_squeeze %dma_start3A_15 : memref<1x120xi32, #tpu.memory_space<vmem>> -> memref<120xi32, #tpu.memory_space<vmem>>
    %dma_start3A_17 = tpu.memref_slice %arg3[%add3A_8] : memref<337920xi32, #tpu.memory_space<hbm>> -> memref<120xi32, #tpu.memory_space<hbm>>
    tpu.enqueue_dma source(%dma_start3A_17 : memref<120xi32, #tpu.memory_space<hbm>>) target(%dma_start3A_16 : memref<120xi32, #tpu.memory_space<vmem>>) target_semaphore(%dma_start3A_13 : memref<!tpu.dma_semaphore, #tpu.memory_space<semaphore_mem>>)
    %dma_start3A_18 = arith.constant 0 : i32
    %dma_start3A_19 = tpu.memref_slice %arg9[%rem3A_6, %dma_start3A_18] : memref<6x120xi32, #tpu.memory_space<vmem>> -> memref<1x120xi32, #tpu.memory_space<vmem>>
    %dma_start3A_20 = tpu.memref_squeeze %dma_start3A_19 : memref<1x120xi32, #tpu.memory_space<vmem>> -> memref<120xi32, #tpu.memory_space<vmem>>
    %dma_start3A_21 = tpu.memref_slice %arg4[%add3A_8] : memref<337920xi32, #tpu.memory_space<hbm>> -> memref<120xi32, #tpu.memory_space<hbm>>
    %dma_start3A_22 = tpu.memref_slice %arg12[%rem3A_6] : memref<6x!tpu.dma_semaphore, #tpu.memory_space<semaphore_mem>> -> memref<1x!tpu.dma_semaphore, #tpu.memory_space<semaphore_mem>>
    %dma_start3A_23 = tpu.memref_squeeze %dma_start3A_22 : memref<1x!tpu.dma_semaphore, #tpu.memory_space<semaphore_mem>> -> memref<!tpu.dma_semaphore, #tpu.memory_space<semaphore_mem>>
    %dma_start3A_24 = arith.constant 0 : i32
    %dma_start3A_25 = tpu.memref_slice %arg9[%rem3A_6, %dma_start3A_24] : memref<6x120xi32, #tpu.memory_space<vmem>> -> memref<1x120xi32, #tpu.memory_space<vmem>>
    %dma_start3A_26 = tpu.memref_squeeze %dma_start3A_25 : memref<1x120xi32, #tpu.memory_space<vmem>> -> memref<120xi32, #tpu.memory_space<vmem>>
    %dma_start3A_27 = tpu.memref_slice %arg4[%add3A_8] : memref<337920xi32, #tpu.memory_space<hbm>> -> memref<120xi32, #tpu.memory_space<hbm>>
    tpu.enqueue_dma source(%dma_start3A_27 : memref<120xi32, #tpu.memory_space<hbm>>) target(%dma_start3A_26 : memref<120xi32, #tpu.memory_space<vmem>>) target_semaphore(%dma_start3A_23 : memref<!tpu.dma_semaphore, #tpu.memory_space<semaphore_mem>>)
    %rem3A_28 = arith.constant 1 : i32
    %rem3A_29 = arith.constant 6 : i32
    %rem3A_30 = arith.remsi %rem3A_28, %rem3A_29 : i32
    %add3A_31 = arith.constant 120 : i32
    %add3A_32 = arith.addi %mul3A_4, %add3A_31 : i32
    %dma_start3A_33 = arith.constant 0 : i32
    %dma_start3A_34 = tpu.memref_slice %arg8[%rem3A_30, %dma_start3A_33] : memref<6x120xi32, #tpu.memory_space<vmem>> -> memref<1x120xi32, #tpu.memory_space<vmem>>
    %dma_start3A_35 = tpu.memref_squeeze %dma_start3A_34 : memref<1x120xi32, #tpu.memory_space<vmem>> -> memref<120xi32, #tpu.memory_space<vmem>>
    %dma_start3A_36 = tpu.memref_slice %arg3[%add3A_32] : memref<337920xi32, #tpu.memory_space<hbm>> -> memref<120xi32, #tpu.memory_space<hbm>>
    %dma_start3A_37 = tpu.memref_slice %arg12[%rem3A_30] : memref<6x!tpu.dma_semaphore, #tpu.memory_space<semaphore_mem>> -> memref<1x!tpu.dma_semaphore, #tpu.memory_space<semaphore_mem>>
    %dma_start3A_38 = tpu.memref_squeeze %dma_start3A_37 : memref<1x!tpu.dma_semaphore, #tpu.memory_space<semaphore_mem>> -> memref<!tpu.dma_semaphore, #tpu.memory_space<semaphore_mem>>
    %dma_start3A_39 = arith.constant 0 : i32
    %dma_start3A_40 = tpu.memref_slice %arg8[%rem3A_30, %dma_start3A_39] : memref<6x120xi32, #tpu.memory_space<vmem>> -> memref<1x120xi32, #tpu.memory_space<vmem>>
    %dma_start3A_41 = tpu.memref_squeeze %dma_start3A_40 : memref<1x120xi32, #tpu.memory_space<vmem>> -> memref<120xi32, #tpu.memory_space<vmem>>
    %dma_start3A_42 = tpu.memref_slice %arg3[%add3A_32] : memref<337920xi32, #tpu.memory_space<hbm>> -> memref<120xi32, #tpu.memory_space<hbm>>
    tpu.enqueue_dma source(%dma_start3A_42 : memref<120xi32, #tpu.memory_space<hbm>>) target(%dma_start3A_41 : memref<120xi32, #tpu.memory_space<vmem>>) target_semaphore(%dma_start3A_38 : memref<!tpu.dma_semaphore, #tpu.memory_space<semaphore_mem>>)
    %dma_start3A_43 = arith.constant 0 : i32
    %dma_start3A_44 = tpu.memref_slice %arg9[%rem3A_30, %dma_start3A_43] : memref<6x120xi32, #tpu.memory_space<vmem>> -> memref<1x120xi32, #tpu.memory_space<vmem>>
    %dma_start3A_45 = tpu.memref_squeeze %dma_start3A_44 : memref<1x120xi32, #tpu.memory_space<vmem>> -> memref<120xi32, #tpu.memory_space<vmem>>
    %dma_start3A_46 = tpu.memref_slice %arg4[%add3A_32] : memref<337920xi32, #tpu.memory_space<hbm>> -> memref<120xi32, #tpu.memory_space<hbm>>
    %dma_start3A_47 = tpu.memref_slice %arg12[%rem3A_30] : memref<6x!tpu.dma_semaphore, #tpu.memory_space<semaphore_mem>> -> memref<1x!tpu.dma_semaphore, #tpu.memory_space<semaphore_mem>>
    %dma_start3A_48 = tpu.memref_squeeze %dma_start3A_47 : memref<1x!tpu.dma_semaphore, #tpu.memory_space<semaphore_mem>> -> memref<!tpu.dma_semaphore, #tpu.memory_space<semaphore_mem>>
    %dma_start3A_49 = arith.constant 0 : i32
    %dma_start3A_50 = tpu.memref_slice %arg9[%rem3A_30, %dma_start3A_49] : memref<6x120xi32, #tpu.memory_space<vmem>> -> memref<1x120xi32, #tpu.memory_space<vmem>>
    %dma_start3A_51 = tpu.memref_squeeze %dma_start3A_50 : memref<1x120xi32, #tpu.memory_space<vmem>> -> memref<120xi32, #tpu.memory_space<vmem>>
    %dma_start3A_52 = tpu.memref_slice %arg4[%add3A_32] : memref<337920xi32, #tpu.memory_space<hbm>> -> memref<120xi32, #tpu.memory_space<hbm>>
    tpu.enqueue_dma source(%dma_start3A_52 : memref<120xi32, #tpu.memory_space<hbm>>) target(%dma_start3A_51 : memref<120xi32, #tpu.memory_space<vmem>>) target_semaphore(%dma_start3A_48 : memref<!tpu.dma_semaphore, #tpu.memory_space<semaphore_mem>>)
    %mul3A_53 = arith.constant 632 : i32
    %mul3A_54 = arith.muli %arg1, %mul3A_53 : i32
    "tpu.region"() ({
      %run_scoped3A = tpu.sem_alloc : memref<!tpu.dma_semaphore, #tpu.memory_space<semaphore_mem>>
      %dma_start3A_112 = arith.constant 0 : i32
      %dma_start3A_113 = tpu.memref_slice %arg11[%mul3A_54, %dma_start3A_112] : memref<10112x128xf32, #tpu.memory_space<vmem_shared>> -> memref<632x128xf32, #tpu.memory_space<vmem_shared>>
      tpu.enqueue_dma source(%arg5 : memref<632x128xf32, #tpu.memory_space<hbm>>) target(%dma_start3A_113 : memref<632x128xf32, #tpu.memory_space<vmem_shared>>) target_semaphore(%run_scoped3A : memref<!tpu.dma_semaphore, #tpu.memory_space<semaphore_mem>>)
      %dma_wait3A_114 = arith.constant 0 : i32
      %dma_wait3A_115 = tpu.memref_slice %arg11[%mul3A_54, %dma_wait3A_114] : memref<10112x128xf32, #tpu.memory_space<vmem_shared>> -> memref<632x128xf32, #tpu.memory_space<vmem_shared>>
      tpu.wait_dma2 semaphore(%run_scoped3A : memref<!tpu.dma_semaphore, #tpu.memory_space<semaphore_mem>>) src(%arg5 : memref<632x128xf32, #tpu.memory_space<hbm>>) dst(%dma_wait3A_115 : memref<632x128xf32, #tpu.memory_space<vmem_shared>>)
      tpu.yield
    }) : () -> ()
    %barrier3A = arith.constant 0 : index
    tpu.barrier barrier_id(%barrier3A)
    %scan3A = arith.constant 0 : i32
    %scan3A_55 = arith.constant 0 : i32
    %scan3A_56 = arith.constant 89 : i32
    %scan3A_57 = arith.addi %scan3A_55, %scan3A_56 : i32
    %scan3A_58 = arith.constant 1 : i32
    scf.for %scan3A_112 = %scan3A_55 to %scan3A_57 step %scan3A_58  : i32 {
      %lt3A = arith.constant 88 : i32
      %lt3A_113 = arith.cmpi slt, %scan3A_112, %lt3A : i32
      %convert_element_type3A_114 = arith.extui %lt3A_113 : i1 to i32
      %cond3A_115 = arith.constant 0 : i32
      %cond3A_116 = arith.cmpi ne, %convert_element_type3A_114, %cond3A_115 : i32
      scf.if %cond3A_116 {
        %rem3A_124 = arith.constant 3 : i32
        %rem3A_125 = arith.remsi %scan3A_112, %rem3A_124 : i32
        %rem3A_126 = arith.constant 6 : i32
        %rem3A_127 = arith.remsi %scan3A_112, %rem3A_126 : i32
        %ge3A_128 = arith.constant 3 : i32
        %ge3A_129 = arith.cmpi sge, %scan3A_112, %ge3A_128 : i32
        %convert_element_type3A_130 = arith.extui %ge3A_129 : i1 to i32
        %cond3A_131 = arith.constant 0 : i32
        %cond3A_132 = arith.cmpi ne, %convert_element_type3A_130, %cond3A_131 : i32
        scf.if %cond3A_132 {
          %dma_wait3A_176 = arith.constant 0 : i32
          %dma_wait3A_177 = arith.constant 0 : i32
          %dma_wait3A_178 = arith.constant 0 : i32
          %dma_wait3A_179 = tpu.memref_slice %arg10[%rem3A_125, %dma_wait3A_177, %dma_wait3A_178] : memref<3x120x128xf32, #tpu.memory_space<vmem>> -> memref<1x120x128xf32, #tpu.memory_space<vmem>>
          %dma_wait3A_180 = tpu.memref_squeeze %dma_wait3A_179 : memref<1x120x128xf32, #tpu.memory_space<vmem>> -> memref<120x128xf32, #tpu.memory_space<vmem>>
          %dma_wait3A_181 = arith.constant 0 : i32
          %dma_wait3A_182 = tpu.memref_slice %arg9[%dma_wait3A_176, %dma_wait3A_181] : memref<6x120xi32, #tpu.memory_space<vmem>> -> memref<1x120xi32, #tpu.memory_space<vmem>>
          %dma_wait3A_183 = tpu.memref_squeeze %dma_wait3A_182 : memref<1x120xi32, #tpu.memory_space<vmem>> -> memref<120xi32, #tpu.memory_space<vmem>>
          %dma_wait3A_184 = arith.constant 0 : i32
          %dma_wait3A_185 = arith.constant 0 : i32
          %dma_wait3A_186 = tpu.memref_slice %arg11[%dma_wait3A_184, %dma_wait3A_185] : memref<10112x128xf32, #tpu.memory_space<vmem_shared>> -> memref<10112x128xf32, #tpu.memory_space<vmem_shared>>
          %dma_wait3A_187 = tpu.memref_slice %arg14[%rem3A_125] : memref<3x!tpu.dma_semaphore, #tpu.memory_space<semaphore_mem>> -> memref<1x!tpu.dma_semaphore, #tpu.memory_space<semaphore_mem>>
          %dma_wait3A_188 = tpu.memref_squeeze %dma_wait3A_187 : memref<1x!tpu.dma_semaphore, #tpu.memory_space<semaphore_mem>> -> memref<!tpu.dma_semaphore, #tpu.memory_space<semaphore_mem>>
          tpu.wait_indirect_dma semaphore(%dma_wait3A_188 : memref<!tpu.dma_semaphore, #tpu.memory_space<semaphore_mem>>) src(%dma_wait3A_180 : memref<120x128xf32, #tpu.memory_space<vmem>>) dst(%dma_wait3A_186 : memref<10112x128xf32, #tpu.memory_space<vmem_shared>>)
        } else {
        }
        %dma_wait3A_133 = arith.constant 0 : i32
        %dma_wait3A_134 = tpu.memref_slice %arg8[%rem3A_127, %dma_wait3A_133] : memref<6x120xi32, #tpu.memory_space<vmem>> -> memref<1x120xi32, #tpu.memory_space<vmem>>
        %dma_wait3A_135 = tpu.memref_squeeze %dma_wait3A_134 : memref<1x120xi32, #tpu.memory_space<vmem>> -> memref<120xi32, #tpu.memory_space<vmem>>
        %dma_wait3A_136 = arith.constant 0 : i32
        %dma_wait3A_137 = tpu.memref_slice %arg3[%dma_wait3A_136] : memref<337920xi32, #tpu.memory_space<hbm>> -> memref<120xi32, #tpu.memory_space<hbm>>
        %dma_wait3A_138 = tpu.memref_slice %arg12[%rem3A_127] : memref<6x!tpu.dma_semaphore, #tpu.memory_space<semaphore_mem>> -> memref<1x!tpu.dma_semaphore, #tpu.memory_space<semaphore_mem>>
        %dma_wait3A_139 = tpu.memref_squeeze %dma_wait3A_138 : memref<1x!tpu.dma_semaphore, #tpu.memory_space<semaphore_mem>> -> memref<!tpu.dma_semaphore, #tpu.memory_space<semaphore_mem>>
        %dma_wait3A_140 = arith.constant 0 : i32
        %dma_wait3A_141 = tpu.memref_slice %arg8[%rem3A_127, %dma_wait3A_140] : memref<6x120xi32, #tpu.memory_space<vmem>> -> memref<1x120xi32, #tpu.memory_space<vmem>>
        %dma_wait3A_142 = tpu.memref_squeeze %dma_wait3A_141 : memref<1x120xi32, #tpu.memory_space<vmem>> -> memref<120xi32, #tpu.memory_space<vmem>>
        %dma_wait3A_143 = arith.constant 0 : i32
        %dma_wait3A_144 = tpu.memref_slice %arg3[%dma_wait3A_143] : memref<337920xi32, #tpu.memory_space<hbm>> -> memref<120xi32, #tpu.memory_space<hbm>>
        tpu.wait_dma2 semaphore(%dma_wait3A_139 : memref<!tpu.dma_semaphore, #tpu.memory_space<semaphore_mem>>) src(%dma_wait3A_144 : memref<120xi32, #tpu.memory_space<hbm>>) dst(%dma_wait3A_142 : memref<120xi32, #tpu.memory_space<vmem>>)
        %dma_wait3A_145 = arith.constant 0 : i32
        %dma_wait3A_146 = tpu.memref_slice %arg9[%rem3A_127, %dma_wait3A_145] : memref<6x120xi32, #tpu.memory_space<vmem>> -> memref<1x120xi32, #tpu.memory_space<vmem>>
        %dma_wait3A_147 = tpu.memref_squeeze %dma_wait3A_146 : memref<1x120xi32, #tpu.memory_space<vmem>> -> memref<120xi32, #tpu.memory_space<vmem>>
        %dma_wait3A_148 = arith.constant 0 : i32
        %dma_wait3A_149 = tpu.memref_slice %arg4[%dma_wait3A_148] : memref<337920xi32, #tpu.memory_space<hbm>> -> memref<120xi32, #tpu.memory_space<hbm>>
        %dma_wait3A_150 = tpu.memref_slice %arg12[%rem3A_127] : memref<6x!tpu.dma_semaphore, #tpu.memory_space<semaphore_mem>> -> memref<1x!tpu.dma_semaphore, #tpu.memory_space<semaphore_mem>>
        %dma_wait3A_151 = tpu.memref_squeeze %dma_wait3A_150 : memref<1x!tpu.dma_semaphore, #tpu.memory_space<semaphore_mem>> -> memref<!tpu.dma_semaphore, #tpu.memory_space<semaphore_mem>>
        %dma_wait3A_152 = arith.constant 0 : i32
        %dma_wait3A_153 = tpu.memref_slice %arg9[%rem3A_127, %dma_wait3A_152] : memref<6x120xi32, #tpu.memory_space<vmem>> -> memref<1x120xi32, #tpu.memory_space<vmem>>
        %dma_wait3A_154 = tpu.memref_squeeze %dma_wait3A_153 : memref<1x120xi32, #tpu.memory_space<vmem>> -> memref<120xi32, #tpu.memory_space<vmem>>
        %dma_wait3A_155 = arith.constant 0 : i32
        %dma_wait3A_156 = tpu.memref_slice %arg4[%dma_wait3A_155] : memref<337920xi32, #tpu.memory_space<hbm>> -> memref<120xi32, #tpu.memory_space<hbm>>
        tpu.wait_dma2 semaphore(%dma_wait3A_151 : memref<!tpu.dma_semaphore, #tpu.memory_space<semaphore_mem>>) src(%dma_wait3A_156 : memref<120xi32, #tpu.memory_space<hbm>>) dst(%dma_wait3A_154 : memref<120xi32, #tpu.memory_space<vmem>>)
        %dma_start3A_157 = arith.constant 0 : i32
        %dma_start3A_158 = arith.constant 0 : i32
        %dma_start3A_159 = tpu.memref_slice %arg10[%rem3A_125, %dma_start3A_157, %dma_start3A_158] : memref<3x120x128xf32, #tpu.memory_space<vmem>> -> memref<1x120x128xf32, #tpu.memory_space<vmem>>
        %dma_start3A_160 = tpu.memref_squeeze %dma_start3A_159 : memref<1x120x128xf32, #tpu.memory_space<vmem>> -> memref<120x128xf32, #tpu.memory_space<vmem>>
        %dma_start3A_161 = arith.constant 0 : i32
        %dma_start3A_162 = tpu.memref_slice %arg8[%rem3A_127, %dma_start3A_161] : memref<6x120xi32, #tpu.memory_space<vmem>> -> memref<1x120xi32, #tpu.memory_space<vmem>>
        %dma_start3A_163 = tpu.memref_squeeze %dma_start3A_162 : memref<1x120xi32, #tpu.memory_space<vmem>> -> memref<120xi32, #tpu.memory_space<vmem>>
        %dma_start3A_164 = arith.constant 0 : i32
        %dma_start3A_165 = arith.constant 0 : i32
        %dma_start3A_166 = tpu.memref_slice %arg2[%dma_start3A_164, %dma_start3A_165] : memref<10000x128xf32, #tpu.memory_space<hbm>> -> memref<10000x128xf32, #tpu.memory_space<hbm>>
        %dma_start3A_167 = tpu.memref_slice %arg13[%rem3A_125] : memref<3x!tpu.dma_semaphore, #tpu.memory_space<semaphore_mem>> -> memref<1x!tpu.dma_semaphore, #tpu.memory_space<semaphore_mem>>
        %dma_start3A_168 = tpu.memref_squeeze %dma_start3A_167 : memref<1x!tpu.dma_semaphore, #tpu.memory_space<semaphore_mem>> -> memref<!tpu.dma_semaphore, #tpu.memory_space<semaphore_mem>>
        tpu.enqueue_indirect_dma source(%dma_start3A_166 : memref<10000x128xf32, #tpu.memory_space<hbm>>) target(%dma_start3A_160 : memref<120x128xf32, #tpu.memory_space<vmem>>) offsets(%dma_start3A_163 : memref<120xi32, #tpu.memory_space<vmem>>) semaphore(%dma_start3A_168 : memref<!tpu.dma_semaphore, #tpu.memory_space<semaphore_mem>>)
        %add3A_169 = arith.constant 2 : i32
        %add3A_170 = arith.addi %scan3A_112, %add3A_169 : i32
        %lt3A_171 = arith.constant 88 : i32
        %lt3A_172 = arith.cmpi slt, %add3A_170, %lt3A_171 : i32
        %convert_element_type3A_173 = arith.extui %lt3A_172 : i1 to i32
        %cond3A_174 = arith.constant 0 : i32
        %cond3A_175 = arith.cmpi ne, %convert_element_type3A_173, %cond3A_174 : i32
        scf.if %cond3A_175 {
          %rem3A_176 = arith.constant 6 : i32
          %rem3A_177 = arith.remsi %add3A_170, %rem3A_176 : i32
          %mul3A_178 = arith.constant 120 : i32
          %mul3A_179 = arith.muli %add3A_170, %mul3A_178 : i32
          %add3A_180 = arith.addi %mul3A_4, %mul3A_179 : i32
          %dma_start3A_181 = arith.constant 0 : i32
          %dma_start3A_182 = tpu.memref_slice %arg8[%rem3A_177, %dma_start3A_181] : memref<6x120xi32, #tpu.memory_space<vmem>> -> memref<1x120xi32, #tpu.memory_space<vmem>>
          %dma_start3A_183 = tpu.memref_squeeze %dma_start3A_182 : memref<1x120xi32, #tpu.memory_space<vmem>> -> memref<120xi32, #tpu.memory_space<vmem>>
          %dma_start3A_184 = tpu.memref_slice %arg3[%add3A_180] : memref<337920xi32, #tpu.memory_space<hbm>> -> memref<120xi32, #tpu.memory_space<hbm>>
          %dma_start3A_185 = tpu.memref_slice %arg12[%rem3A_177] : memref<6x!tpu.dma_semaphore, #tpu.memory_space<semaphore_mem>> -> memref<1x!tpu.dma_semaphore, #tpu.memory_space<semaphore_mem>>
          %dma_start3A_186 = tpu.memref_squeeze %dma_start3A_185 : memref<1x!tpu.dma_semaphore, #tpu.memory_space<semaphore_mem>> -> memref<!tpu.dma_semaphore, #tpu.memory_space<semaphore_mem>>
          %dma_start3A_187 = arith.constant 0 : i32
          %dma_start3A_188 = tpu.memref_slice %arg8[%rem3A_177, %dma_start3A_187] : memref<6x120xi32, #tpu.memory_space<vmem>> -> memref<1x120xi32, #tpu.memory_space<vmem>>
          %dma_start3A_189 = tpu.memref_squeeze %dma_start3A_188 : memref<1x120xi32, #tpu.memory_space<vmem>> -> memref<120xi32, #tpu.memory_space<vmem>>
          %dma_start3A_190 = tpu.memref_slice %arg3[%add3A_180] : memref<337920xi32, #tpu.memory_space<hbm>> -> memref<120xi32, #tpu.memory_space<hbm>>
          tpu.enqueue_dma source(%dma_start3A_190 : memref<120xi32, #tpu.memory_space<hbm>>) target(%dma_start3A_189 : memref<120xi32, #tpu.memory_space<vmem>>) target_semaphore(%dma_start3A_186 : memref<!tpu.dma_semaphore, #tpu.memory_space<semaphore_mem>>)
          %dma_start3A_191 = arith.constant 0 : i32
          %dma_start3A_192 = tpu.memref_slice %arg9[%rem3A_177, %dma_start3A_191] : memref<6x120xi32, #tpu.memory_space<vmem>> -> memref<1x120xi32, #tpu.memory_space<vmem>>
          %dma_start3A_193 = tpu.memref_squeeze %dma_start3A_192 : memref<1x120xi32, #tpu.memory_space<vmem>> -> memref<120xi32, #tpu.memory_space<vmem>>
          %dma_start3A_194 = tpu.memref_slice %arg4[%add3A_180] : memref<337920xi32, #tpu.memory_space<hbm>> -> memref<120xi32, #tpu.memory_space<hbm>>
          %dma_start3A_195 = tpu.memref_slice %arg12[%rem3A_177] : memref<6x!tpu.dma_semaphore, #tpu.memory_space<semaphore_mem>> -> memref<1x!tpu.dma_semaphore, #tpu.memory_space<semaphore_mem>>
          %dma_start3A_196 = tpu.memref_squeeze %dma_start3A_195 : memref<1x!tpu.dma_semaphore, #tpu.memory_space<semaphore_mem>> -> memref<!tpu.dma_semaphore, #tpu.memory_space<semaphore_mem>>
          %dma_start3A_197 = arith.constant 0 : i32
          %dma_start3A_198 = tpu.memref_slice %arg9[%rem3A_177, %dma_start3A_197] : memref<6x120xi32, #tpu.memory_space<vmem>> -> memref<1x120xi32, #tpu.memory_space<vmem>>
          %dma_start3A_199 = tpu.memref_squeeze %dma_start3A_198 : memref<1x120xi32, #tpu.memory_space<vmem>> -> memref<120xi32, #tpu.memory_space<vmem>>
          %dma_start3A_200 = tpu.memref_slice %arg4[%add3A_180] : memref<337920xi32, #tpu.memory_space<hbm>> -> memref<120xi32, #tpu.memory_space<hbm>>
          tpu.enqueue_dma source(%dma_start3A_200 : memref<120xi32, #tpu.memory_space<hbm>>) target(%dma_start3A_199 : memref<120xi32, #tpu.memory_space<vmem>>) target_semaphore(%dma_start3A_196 : memref<!tpu.dma_semaphore, #tpu.memory_space<semaphore_mem>>)
        } else {
        }
      } else {
      }
      %sub3A = arith.constant 1 : i32
      %sub3A_117 = arith.subi %scan3A_112, %sub3A : i32
      %ge3A = arith.constant 0 : i32
      %ge3A_118 = arith.cmpi sge, %sub3A_117, %ge3A : i32
      %lt3A_119 = arith.constant 88 : i32
      %lt3A_120 = arith.cmpi slt, %sub3A_117, %lt3A_119 : i32
      %and3A = arith.andi %ge3A_118, %lt3A_120 : i1
      %convert_element_type3A_121 = arith.extui %and3A : i1 to i32
      %cond3A_122 = arith.constant 0 : i32
      %cond3A_123 = arith.cmpi ne, %convert_element_type3A_121, %cond3A_122 : i32
      scf.if %cond3A_123 {
        %rem3A_124 = arith.constant 3 : i32
        %rem3A_125 = arith.remsi %sub3A_117, %rem3A_124 : i32
        %rem3A_126 = arith.constant 6 : i32
        %rem3A_127 = arith.remsi %sub3A_117, %rem3A_126 : i32
        %dma_wait3A_128 = arith.constant 0 : i32
        %dma_wait3A_129 = arith.constant 0 : i32
        %dma_wait3A_130 = arith.constant 0 : i32
        %dma_wait3A_131 = tpu.memref_slice %arg10[%rem3A_125, %dma_wait3A_129, %dma_wait3A_130] : memref<3x120x128xf32, #tpu.memory_space<vmem>> -> memref<1x120x128xf32, #tpu.memory_space<vmem>>
        %dma_wait3A_132 = tpu.memref_squeeze %dma_wait3A_131 : memref<1x120x128xf32, #tpu.memory_space<vmem>> -> memref<120x128xf32, #tpu.memory_space<vmem>>
        %dma_wait3A_133 = arith.constant 0 : i32
        %dma_wait3A_134 = tpu.memref_slice %arg8[%dma_wait3A_128, %dma_wait3A_133] : memref<6x120xi32, #tpu.memory_space<vmem>> -> memref<1x120xi32, #tpu.memory_space<vmem>>
        %dma_wait3A_135 = tpu.memref_squeeze %dma_wait3A_134 : memref<1x120xi32, #tpu.memory_space<vmem>> -> memref<120xi32, #tpu.memory_space<vmem>>
        %dma_wait3A_136 = arith.constant 0 : i32
        %dma_wait3A_137 = arith.constant 0 : i32
        %dma_wait3A_138 = tpu.memref_slice %arg2[%dma_wait3A_136, %dma_wait3A_137] : memref<10000x128xf32, #tpu.memory_space<hbm>> -> memref<10000x128xf32, #tpu.memory_space<hbm>>
        %dma_wait3A_139 = tpu.memref_slice %arg13[%rem3A_125] : memref<3x!tpu.dma_semaphore, #tpu.memory_space<semaphore_mem>> -> memref<1x!tpu.dma_semaphore, #tpu.memory_space<semaphore_mem>>
        %dma_wait3A_140 = tpu.memref_squeeze %dma_wait3A_139 : memref<1x!tpu.dma_semaphore, #tpu.memory_space<semaphore_mem>> -> memref<!tpu.dma_semaphore, #tpu.memory_space<semaphore_mem>>
        tpu.wait_indirect_dma semaphore(%dma_wait3A_140 : memref<!tpu.dma_semaphore, #tpu.memory_space<semaphore_mem>>) src(%dma_wait3A_138 : memref<10000x128xf32, #tpu.memory_space<hbm>>) dst(%dma_wait3A_132 : memref<120x128xf32, #tpu.memory_space<vmem>>)
        %dma_start3A_141 = arith.constant 0 : i32
        %dma_start3A_142 = arith.constant 0 : i32
        %dma_start3A_143 = tpu.memref_slice %arg10[%rem3A_125, %dma_start3A_141, %dma_start3A_142] : memref<3x120x128xf32, #tpu.memory_space<vmem>> -> memref<1x120x128xf32, #tpu.memory_space<vmem>>
        %dma_start3A_144 = tpu.memref_squeeze %dma_start3A_143 : memref<1x120x128xf32, #tpu.memory_space<vmem>> -> memref<120x128xf32, #tpu.memory_space<vmem>>
        %dma_start3A_145 = arith.constant 0 : i32
        %dma_start3A_146 = tpu.memref_slice %arg9[%rem3A_127, %dma_start3A_145] : memref<6x120xi32, #tpu.memory_space<vmem>> -> memref<1x120xi32, #tpu.memory_space<vmem>>
        %dma_start3A_147 = tpu.memref_squeeze %dma_start3A_146 : memref<1x120xi32, #tpu.memory_space<vmem>> -> memref<120xi32, #tpu.memory_space<vmem>>
        %dma_start3A_148 = arith.constant 0 : i32
        %dma_start3A_149 = arith.constant 0 : i32
        %dma_start3A_150 = tpu.memref_slice %arg11[%dma_start3A_148, %dma_start3A_149] : memref<10112x128xf32, #tpu.memory_space<vmem_shared>> -> memref<10112x128xf32, #tpu.memory_space<vmem_shared>>
        %dma_start3A_151 = tpu.memref_slice %arg14[%rem3A_125] : memref<3x!tpu.dma_semaphore, #tpu.memory_space<semaphore_mem>> -> memref<1x!tpu.dma_semaphore, #tpu.memory_space<semaphore_mem>>
        %dma_start3A_152 = tpu.memref_squeeze %dma_start3A_151 : memref<1x!tpu.dma_semaphore, #tpu.memory_space<semaphore_mem>> -> memref<!tpu.dma_semaphore, #tpu.memory_space<semaphore_mem>>
        tpu.enqueue_indirect_dma source(%dma_start3A_144 : memref<120x128xf32, #tpu.memory_space<vmem>>) target(%dma_start3A_150 : memref<10112x128xf32, #tpu.memory_space<vmem_shared>>) offsets(%dma_start3A_147 : memref<120xi32, #tpu.memory_space<vmem>>) semaphore(%dma_start3A_152 : memref<!tpu.dma_semaphore, #tpu.memory_space<semaphore_mem>>) {add = true}
      } else {
      }
    }
    %scan3A_59 = arith.constant 89 : i32
    %dma_wait3A = arith.constant 0 : i32
    %dma_wait3A_60 = arith.constant 0 : i32
    %dma_wait3A_61 = arith.constant 0 : i32
    %dma_wait3A_62 = arith.constant 0 : i32
    %dma_wait3A_63 = arith.constant 0 : i32
    %dma_wait3A_64 = tpu.memref_slice %arg10[%dma_wait3A, %dma_wait3A_62, %dma_wait3A_63] : memref<3x120x128xf32, #tpu.memory_space<vmem>> -> memref<1x120x128xf32, #tpu.memory_space<vmem>>
    %dma_wait3A_65 = tpu.memref_squeeze %dma_wait3A_64 : memref<1x120x128xf32, #tpu.memory_space<vmem>> -> memref<120x128xf32, #tpu.memory_space<vmem>>
    %dma_wait3A_66 = arith.constant 0 : i32
    %dma_wait3A_67 = tpu.memref_slice %arg9[%dma_wait3A_60, %dma_wait3A_66] : memref<6x120xi32, #tpu.memory_space<vmem>> -> memref<1x120xi32, #tpu.memory_space<vmem>>
    %dma_wait3A_68 = tpu.memref_squeeze %dma_wait3A_67 : memref<1x120xi32, #tpu.memory_space<vmem>> -> memref<120xi32, #tpu.memory_space<vmem>>
    %dma_wait3A_69 = arith.constant 0 : i32
    %dma_wait3A_70 = arith.constant 0 : i32
    %dma_wait3A_71 = tpu.memref_slice %arg11[%dma_wait3A_69, %dma_wait3A_70] : memref<10112x128xf32, #tpu.memory_space<vmem_shared>> -> memref<10112x128xf32, #tpu.memory_space<vmem_shared>>
    %dma_wait3A_72 = tpu.memref_slice %arg14[%dma_wait3A_61] : memref<3x!tpu.dma_semaphore, #tpu.memory_space<semaphore_mem>> -> memref<1x!tpu.dma_semaphore, #tpu.memory_space<semaphore_mem>>
    %dma_wait3A_73 = tpu.memref_squeeze %dma_wait3A_72 : memref<1x!tpu.dma_semaphore, #tpu.memory_space<semaphore_mem>> -> memref<!tpu.dma_semaphore, #tpu.memory_space<semaphore_mem>>
    tpu.wait_indirect_dma semaphore(%dma_wait3A_73 : memref<!tpu.dma_semaphore, #tpu.memory_space<semaphore_mem>>) src(%dma_wait3A_65 : memref<120x128xf32, #tpu.memory_space<vmem>>) dst(%dma_wait3A_71 : memref<10112x128xf32, #tpu.memory_space<vmem_shared>>)
    %dma_wait3A_74 = arith.constant 1 : i32
    %dma_wait3A_75 = arith.constant 0 : i32
    %dma_wait3A_76 = arith.constant 1 : i32
    %dma_wait3A_77 = arith.constant 0 : i32
    %dma_wait3A_78 = arith.constant 0 : i32
    %dma_wait3A_79 = tpu.memref_slice %arg10[%dma_wait3A_74, %dma_wait3A_77, %dma_wait3A_78] : memref<3x120x128xf32, #tpu.memory_space<vmem>> -> memref<1x120x128xf32, #tpu.memory_space<vmem>>
    %dma_wait3A_80 = tpu.memref_squeeze %dma_wait3A_79 : memref<1x120x128xf32, #tpu.memory_space<vmem>> -> memref<120x128xf32, #tpu.memory_space<vmem>>
    %dma_wait3A_81 = arith.constant 0 : i32
    %dma_wait3A_82 = tpu.memref_slice %arg9[%dma_wait3A_75, %dma_wait3A_81] : memref<6x120xi32, #tpu.memory_space<vmem>> -> memref<1x120xi32, #tpu.memory_space<vmem>>
    %dma_wait3A_83 = tpu.memref_squeeze %dma_wait3A_82 : memref<1x120xi32, #tpu.memory_space<vmem>> -> memref<120xi32, #tpu.memory_space<vmem>>
    %dma_wait3A_84 = arith.constant 0 : i32
    %dma_wait3A_85 = arith.constant 0 : i32
    %dma_wait3A_86 = tpu.memref_slice %arg11[%dma_wait3A_84, %dma_wait3A_85] : memref<10112x128xf32, #tpu.memory_space<vmem_shared>> -> memref<10112x128xf32, #tpu.memory_space<vmem_shared>>
    %dma_wait3A_87 = tpu.memref_slice %arg14[%dma_wait3A_76] : memref<3x!tpu.dma_semaphore, #tpu.memory_space<semaphore_mem>> -> memref<1x!tpu.dma_semaphore, #tpu.memory_space<semaphore_mem>>
    %dma_wait3A_88 = tpu.memref_squeeze %dma_wait3A_87 : memref<1x!tpu.dma_semaphore, #tpu.memory_space<semaphore_mem>> -> memref<!tpu.dma_semaphore, #tpu.memory_space<semaphore_mem>>
    tpu.wait_indirect_dma semaphore(%dma_wait3A_88 : memref<!tpu.dma_semaphore, #tpu.memory_space<semaphore_mem>>) src(%dma_wait3A_80 : memref<120x128xf32, #tpu.memory_space<vmem>>) dst(%dma_wait3A_86 : memref<10112x128xf32, #tpu.memory_space<vmem_shared>>)
    %dma_wait3A_89 = arith.constant 2 : i32
    %dma_wait3A_90 = arith.constant 0 : i32
    %dma_wait3A_91 = arith.constant 2 : i32
    %dma_wait3A_92 = arith.constant 0 : i32
    %dma_wait3A_93 = arith.constant 0 : i32
    %dma_wait3A_94 = tpu.memref_slice %arg10[%dma_wait3A_89, %dma_wait3A_92, %dma_wait3A_93] : memref<3x120x128xf32, #tpu.memory_space<vmem>> -> memref<1x120x128xf32, #tpu.memory_space<vmem>>
    %dma_wait3A_95 = tpu.memref_squeeze %dma_wait3A_94 : memref<1x120x128xf32, #tpu.memory_space<vmem>> -> memref<120x128xf32, #tpu.memory_space<vmem>>
    %dma_wait3A_96 = arith.constant 0 : i32
    %dma_wait3A_97 = tpu.memref_slice %arg9[%dma_wait3A_90, %dma_wait3A_96] : memref<6x120xi32, #tpu.memory_space<vmem>> -> memref<1x120xi32, #tpu.memory_space<vmem>>
    %dma_wait3A_98 = tpu.memref_squeeze %dma_wait3A_97 : memref<1x120xi32, #tpu.memory_space<vmem>> -> memref<120xi32, #tpu.memory_space<vmem>>
    %dma_wait3A_99 = arith.constant 0 : i32
    %dma_wait3A_100 = arith.constant 0 : i32
    %dma_wait3A_101 = tpu.memref_slice %arg11[%dma_wait3A_99, %dma_wait3A_100] : memref<10112x128xf32, #tpu.memory_space<vmem_shared>> -> memref<10112x128xf32, #tpu.memory_space<vmem_shared>>
    %dma_wait3A_102 = tpu.memref_slice %arg14[%dma_wait3A_91] : memref<3x!tpu.dma_semaphore, #tpu.memory_space<semaphore_mem>> -> memref<1x!tpu.dma_semaphore, #tpu.memory_space<semaphore_mem>>
    %dma_wait3A_103 = tpu.memref_squeeze %dma_wait3A_102 : memref<1x!tpu.dma_semaphore, #tpu.memory_space<semaphore_mem>> -> memref<!tpu.dma_semaphore, #tpu.memory_space<semaphore_mem>>
    tpu.wait_indirect_dma semaphore(%dma_wait3A_103 : memref<!tpu.dma_semaphore, #tpu.memory_space<semaphore_mem>>) src(%dma_wait3A_95 : memref<120x128xf32, #tpu.memory_space<vmem>>) dst(%dma_wait3A_101 : memref<10112x128xf32, #tpu.memory_space<vmem_shared>>)
    %barrier3A_104 = arith.constant 0 : index
    tpu.barrier barrier_id(%barrier3A_104)
    %eq3A = arith.constant 0 : i32
    %eq3A_105 = arith.cmpi eq, %arg0, %eq3A : i32
    %convert_element_type3A = arith.extui %eq3A_105 : i1 to i32
    %cond3A = arith.constant 0 : i32
    %cond3A_106 = arith.cmpi ne, %convert_element_type3A, %cond3A : i32
    scf.if %cond3A_106 {
      %mul3A_112 = arith.constant 632 : i32
      %mul3A_113 = arith.muli %arg1, %mul3A_112 : i32
      %mul3A_114 = arith.constant 632 : i32
      %mul3A_115 = arith.muli %arg1, %mul3A_114 : i32
      "tpu.region"() ({
        %run_scoped3A = tpu.sem_alloc : memref<!tpu.dma_semaphore, #tpu.memory_space<semaphore_mem>>
        %dma_start3A_116 = arith.constant 0 : i32
        %dma_start3A_117 = tpu.memref_slice %arg6[%mul3A_115, %dma_start3A_116] : memref<10112x128xf32, #tpu.memory_space<hbm>> -> memref<632x128xf32, #tpu.memory_space<hbm>>
        %dma_start3A_118 = arith.constant 0 : i32
        %dma_start3A_119 = tpu.memref_slice %arg11[%mul3A_113, %dma_start3A_118] : memref<10112x128xf32, #tpu.memory_space<vmem_shared>> -> memref<632x128xf32, #tpu.memory_space<vmem_shared>>
        tpu.enqueue_dma source(%dma_start3A_119 : memref<632x128xf32, #tpu.memory_space<vmem_shared>>) target(%dma_start3A_117 : memref<632x128xf32, #tpu.memory_space<hbm>>) target_semaphore(%run_scoped3A : memref<!tpu.dma_semaphore, #tpu.memory_space<semaphore_mem>>)
        %dma_wait3A_120 = arith.constant 0 : i32
        %dma_wait3A_121 = tpu.memref_slice %arg6[%mul3A_115, %dma_wait3A_120] : memref<10112x128xf32, #tpu.memory_space<hbm>> -> memref<632x128xf32, #tpu.memory_space<hbm>>
        %dma_wait3A_122 = arith.constant 0 : i32
        %dma_wait3A_123 = tpu.memref_slice %arg11[%mul3A_113, %dma_wait3A_122] : memref<10112x128xf32, #tpu.memory_space<vmem_shared>> -> memref<632x128xf32, #tpu.memory_space<vmem_shared>>
        tpu.wait_dma2 semaphore(%run_scoped3A : memref<!tpu.dma_semaphore, #tpu.memory_space<semaphore_mem>>) src(%dma_wait3A_123 : memref<632x128xf32, #tpu.memory_space<vmem_shared>>) dst(%dma_wait3A_121 : memref<632x128xf32, #tpu.memory_space<hbm>>)
        tpu.yield
      }) : () -> ()
    } else {
    }
    %eq3A_107 = arith.constant 1 : i32
    %eq3A_108 = arith.cmpi eq, %arg0, %eq3A_107 : i32
    %convert_element_type3A_109 = arith.extui %eq3A_108 : i1 to i32
    %cond3A_110 = arith.constant 0 : i32
    %cond3A_111 = arith.cmpi ne, %convert_element_type3A_109, %cond3A_110 : i32
    scf.if %cond3A_111 {
      %mul3A_112 = arith.constant 632 : i32
      %mul3A_113 = arith.muli %arg1, %mul3A_112 : i32
      %mul3A_114 = arith.constant 632 : i32
      %mul3A_115 = arith.muli %arg1, %mul3A_114 : i32
      "tpu.region"() ({
        %run_scoped3A = tpu.sem_alloc : memref<!tpu.dma_semaphore, #tpu.memory_space<semaphore_mem>>
        %dma_start3A_116 = arith.constant 0 : i32
        %dma_start3A_117 = tpu.memref_slice %arg7[%mul3A_115, %dma_start3A_116] : memref<10112x128xf32, #tpu.memory_space<hbm>> -> memref<632x128xf32, #tpu.memory_space<hbm>>
        %dma_start3A_118 = arith.constant 0 : i32
        %dma_start3A_119 = tpu.memref_slice %arg11[%mul3A_113, %dma_start3A_118] : memref<10112x128xf32, #tpu.memory_space<vmem_shared>> -> memref<632x128xf32, #tpu.memory_space<vmem_shared>>
        tpu.enqueue_dma source(%dma_start3A_119 : memref<632x128xf32, #tpu.memory_space<vmem_shared>>) target(%dma_start3A_117 : memref<632x128xf32, #tpu.memory_space<hbm>>) target_semaphore(%run_scoped3A : memref<!tpu.dma_semaphore, #tpu.memory_space<semaphore_mem>>)
        %dma_wait3A_120 = arith.constant 0 : i32
        %dma_wait3A_121 = tpu.memref_slice %arg7[%mul3A_115, %dma_wait3A_120] : memref<10112x128xf32, #tpu.memory_space<hbm>> -> memref<632x128xf32, #tpu.memory_space<hbm>>
        %dma_wait3A_122 = arith.constant 0 : i32
        %dma_wait3A_123 = tpu.memref_slice %arg11[%mul3A_113, %dma_wait3A_122] : memref<10112x128xf32, #tpu.memory_space<vmem_shared>> -> memref<632x128xf32, #tpu.memory_space<vmem_shared>>
        tpu.wait_dma2 semaphore(%run_scoped3A : memref<!tpu.dma_semaphore, #tpu.memory_space<semaphore_mem>>) src(%dma_wait3A_123 : memref<632x128xf32, #tpu.memory_space<vmem_shared>>) dst(%dma_wait3A_121 : memref<632x128xf32, #tpu.memory_space<hbm>>)
        tpu.yield
      }) : () -> ()
    } else {
    }
    return
  }
}

#map = affine_map<(d0, d1) -> (0, 0)>
#map1 = affine_map<(d0, d1) -> (0)>
module attributes {stable_mosaic.version = 14 : i64} {
  func.func @k(%arg0: i32, %arg1: i32, %arg2: memref<10000x128xf32, #tpu.memory_space<hbm>>, %arg3: memref<337920xi32, #tpu.memory_space<hbm>>, %arg4: memref<337920xi32, #tpu.memory_space<hbm>>, %arg5: memref<632x128xf32, #tpu.memory_space<hbm>>, %arg6: memref<10112x128xf32, #tpu.memory_space<hbm>>, %arg7: memref<10112x128xf32, #tpu.memory_space<hbm>>, %arg8: memref<6x120xi32, #tpu.memory_space<vmem>>, %arg9: memref<6x120xi32, #tpu.memory_space<vmem>>, %arg10: memref<3x120x128xf32, #tpu.memory_space<vmem>>, %arg11: memref<10112x128xf32, #tpu.memory_space<vmem_shared>>, %arg12: memref<6x!tpu.dma_semaphore, #tpu.memory_space<semaphore_mem>>, %arg13: memref<3x!tpu.dma_semaphore, #tpu.memory_space<semaphore_mem>>, %arg14: memref<3x!tpu.dma_semaphore, #tpu.memory_space<semaphore_mem>>) attributes {dimension_semantics = [#tpu.dimension_semantics<core_parallel>, #tpu.dimension_semantics<subcore_parallel>], iteration_bounds = array<i64: 2, 16>, scalar_prefetch = 0 : i64, scratch_operands = 7 : i64, tpu.core_type = #tpu.core_type<sc_vector_subcore>, window_params = [{transform_indices = #map}, {transform_indices = #map1}, {transform_indices = #map1}, {transform_indices = #map}, {transform_indices = #map}, {transform_indices = #map}]} {
    %mul3A = arith.constant 2 : i32
    %mul3A_0 = arith.muli %arg1, %mul3A : i32
    %add3A = arith.addi %mul3A_0, %arg0 : i32
    %mul3A_1 = arith.constant 88 : i32
    %mul3A_2 = arith.muli %add3A, %mul3A_1 : i32
    %mul3A_3 = arith.constant 120 : i32
    %mul3A_4 = arith.muli %mul3A_2, %mul3A_3 : i32
    %rem3A = arith.constant 0 : i32
    %rem3A_5 = arith.constant 6 : i32
    %rem3A_6 = arith.remsi %rem3A, %rem3A_5 : i32
    %add3A_7 = arith.constant 0 : i32
    %add3A_8 = arith.addi %mul3A_4, %add3A_7 : i32
    %dma_start3A = arith.constant 0 : i32
    %dma_start3A_9 = tpu.memref_slice %arg8[%rem3A_6, %dma_start3A] : memref<6x120xi32, #tpu.memory_space<vmem>> -> memref<1x120xi32, #tpu.memory_space<vmem>>
    %dma_start3A_10 = tpu.memref_squeeze %dma_start3A_9 : memref<1x120xi32, #tpu.memory_space<vmem>> -> memref<120xi32, #tpu.memory_space<vmem>>
    %dma_start3A_11 = tpu.memref_slice %arg3[%add3A_8] : memref<337920xi32, #tpu.memory_space<hbm>> -> memref<120xi32, #tpu.memory_space<hbm>>
    %dma_start3A_12 = tpu.memref_slice %arg12[%rem3A_6] : memref<6x!tpu.dma_semaphore, #tpu.memory_space<semaphore_mem>> -> memref<1x!tpu.dma_semaphore, #tpu.memory_space<semaphore_mem>>
    %dma_start3A_13 = tpu.memref_squeeze %dma_start3A_12 : memref<1x!tpu.dma_semaphore, #tpu.memory_space<semaphore_mem>> -> memref<!tpu.dma_semaphore, #tpu.memory_space<semaphore_mem>>
    %dma_start3A_14 = arith.constant 0 : i32
    %dma_start3A_15 = tpu.memref_slice %arg8[%rem3A_6, %dma_start3A_14] : memref<6x120xi32, #tpu.memory_space<vmem>> -> memref<1x120xi32, #tpu.memory_space<vmem>>
    %dma_start3A_16 = tpu.memref_squeeze %dma_start3A_15 : memref<1x120xi32, #tpu.memory_space<vmem>> -> memref<120xi32, #tpu.memory_space<vmem>>
    %dma_start3A_17 = tpu.memref_slice %arg3[%add3A_8] : memref<337920xi32, #tpu.memory_space<hbm>> -> memref<120xi32, #tpu.memory_space<hbm>>
    tpu.enqueue_dma source(%dma_start3A_17 : memref<120xi32, #tpu.memory_space<hbm>>) target(%dma_start3A_16 : memref<120xi32, #tpu.memory_space<vmem>>) target_semaphore(%dma_start3A_13 : memref<!tpu.dma_semaphore, #tpu.memory_space<semaphore_mem>>)
    %dma_start3A_18 = arith.constant 0 : i32
    %dma_start3A_19 = tpu.memref_slice %arg9[%rem3A_6, %dma_start3A_18] : memref<6x120xi32, #tpu.memory_space<vmem>> -> memref<1x120xi32, #tpu.memory_space<vmem>>
    %dma_start3A_20 = tpu.memref_squeeze %dma_start3A_19 : memref<1x120xi32, #tpu.memory_space<vmem>> -> memref<120xi32, #tpu.memory_space<vmem>>
    %dma_start3A_21 = tpu.memref_slice %arg4[%add3A_8] : memref<337920xi32, #tpu.memory_space<hbm>> -> memref<120xi32, #tpu.memory_space<hbm>>
    %dma_start3A_22 = tpu.memref_slice %arg12[%rem3A_6] : memref<6x!tpu.dma_semaphore, #tpu.memory_space<semaphore_mem>> -> memref<1x!tpu.dma_semaphore, #tpu.memory_space<semaphore_mem>>
    %dma_start3A_23 = tpu.memref_squeeze %dma_start3A_22 : memref<1x!tpu.dma_semaphore, #tpu.memory_space<semaphore_mem>> -> memref<!tpu.dma_semaphore, #tpu.memory_space<semaphore_mem>>
    %dma_start3A_24 = arith.constant 0 : i32
    %dma_start3A_25 = tpu.memref_slice %arg9[%rem3A_6, %dma_start3A_24] : memref<6x120xi32, #tpu.memory_space<vmem>> -> memref<1x120xi32, #tpu.memory_space<vmem>>
    %dma_start3A_26 = tpu.memref_squeeze %dma_start3A_25 : memref<1x120xi32, #tpu.memory_space<vmem>> -> memref<120xi32, #tpu.memory_space<vmem>>
    %dma_start3A_27 = tpu.memref_slice %arg4[%add3A_8] : memref<337920xi32, #tpu.memory_space<hbm>> -> memref<120xi32, #tpu.memory_space<hbm>>
    tpu.enqueue_dma source(%dma_start3A_27 : memref<120xi32, #tpu.memory_space<hbm>>) target(%dma_start3A_26 : memref<120xi32, #tpu.memory_space<vmem>>) target_semaphore(%dma_start3A_23 : memref<!tpu.dma_semaphore, #tpu.memory_space<semaphore_mem>>)
    %rem3A_28 = arith.constant 1 : i32
    %rem3A_29 = arith.constant 6 : i32
    %rem3A_30 = arith.remsi %rem3A_28, %rem3A_29 : i32
    %add3A_31 = arith.constant 120 : i32
    %add3A_32 = arith.addi %mul3A_4, %add3A_31 : i32
    %dma_start3A_33 = arith.constant 0 : i32
    %dma_start3A_34 = tpu.memref_slice %arg8[%rem3A_30, %dma_start3A_33] : memref<6x120xi32, #tpu.memory_space<vmem>> -> memref<1x120xi32, #tpu.memory_space<vmem>>
    %dma_start3A_35 = tpu.memref_squeeze %dma_start3A_34 : memref<1x120xi32, #tpu.memory_space<vmem>> -> memref<120xi32, #tpu.memory_space<vmem>>
    %dma_start3A_36 = tpu.memref_slice %arg3[%add3A_32] : memref<337920xi32, #tpu.memory_space<hbm>> -> memref<120xi32, #tpu.memory_space<hbm>>
    %dma_start3A_37 = tpu.memref_slice %arg12[%rem3A_30] : memref<6x!tpu.dma_semaphore, #tpu.memory_space<semaphore_mem>> -> memref<1x!tpu.dma_semaphore, #tpu.memory_space<semaphore_mem>>
    %dma_start3A_38 = tpu.memref_squeeze %dma_start3A_37 : memref<1x!tpu.dma_semaphore, #tpu.memory_space<semaphore_mem>> -> memref<!tpu.dma_semaphore, #tpu.memory_space<semaphore_mem>>
    %dma_start3A_39 = arith.constant 0 : i32
    %dma_start3A_40 = tpu.memref_slice %arg8[%rem3A_30, %dma_start3A_39] : memref<6x120xi32, #tpu.memory_space<vmem>> -> memref<1x120xi32, #tpu.memory_space<vmem>>
    %dma_start3A_41 = tpu.memref_squeeze %dma_start3A_40 : memref<1x120xi32, #tpu.memory_space<vmem>> -> memref<120xi32, #tpu.memory_space<vmem>>
    %dma_start3A_42 = tpu.memref_slice %arg3[%add3A_32] : memref<337920xi32, #tpu.memory_space<hbm>> -> memref<120xi32, #tpu.memory_space<hbm>>
    tpu.enqueue_dma source(%dma_start3A_42 : memref<120xi32, #tpu.memory_space<hbm>>) target(%dma_start3A_41 : memref<120xi32, #tpu.memory_space<vmem>>) target_semaphore(%dma_start3A_38 : memref<!tpu.dma_semaphore, #tpu.memory_space<semaphore_mem>>)
    %dma_start3A_43 = arith.constant 0 : i32
    %dma_start3A_44 = tpu.memref_slice %arg9[%rem3A_30, %dma_start3A_43] : memref<6x120xi32, #tpu.memory_space<vmem>> -> memref<1x120xi32, #tpu.memory_space<vmem>>
    %dma_start3A_45 = tpu.memref_squeeze %dma_start3A_44 : memref<1x120xi32, #tpu.memory_space<vmem>> -> memref<120xi32, #tpu.memory_space<vmem>>
    %dma_start3A_46 = tpu.memref_slice %arg4[%add3A_32] : memref<337920xi32, #tpu.memory_space<hbm>> -> memref<120xi32, #tpu.memory_space<hbm>>
    %dma_start3A_47 = tpu.memref_slice %arg12[%rem3A_30] : memref<6x!tpu.dma_semaphore, #tpu.memory_space<semaphore_mem>> -> memref<1x!tpu.dma_semaphore, #tpu.memory_space<semaphore_mem>>
    %dma_start3A_48 = tpu.memref_squeeze %dma_start3A_47 : memref<1x!tpu.dma_semaphore, #tpu.memory_space<semaphore_mem>> -> memref<!tpu.dma_semaphore, #tpu.memory_space<semaphore_mem>>
    %dma_start3A_49 = arith.constant 0 : i32
    %dma_start3A_50 = tpu.memref_slice %arg9[%rem3A_30, %dma_start3A_49] : memref<6x120xi32, #tpu.memory_space<vmem>> -> memref<1x120xi32, #tpu.memory_space<vmem>>
    %dma_start3A_51 = tpu.memref_squeeze %dma_start3A_50 : memref<1x120xi32, #tpu.memory_space<vmem>> -> memref<120xi32, #tpu.memory_space<vmem>>
    %dma_start3A_52 = tpu.memref_slice %arg4[%add3A_32] : memref<337920xi32, #tpu.memory_space<hbm>> -> memref<120xi32, #tpu.memory_space<hbm>>
    tpu.enqueue_dma source(%dma_start3A_52 : memref<120xi32, #tpu.memory_space<hbm>>) target(%dma_start3A_51 : memref<120xi32, #tpu.memory_space<vmem>>) target_semaphore(%dma_start3A_48 : memref<!tpu.dma_semaphore, #tpu.memory_space<semaphore_mem>>)
    %mul3A_53 = arith.constant 632 : i32
    %mul3A_54 = arith.muli %arg1, %mul3A_53 : i32
    "tpu.region"() ({
      %run_scoped3A = tpu.sem_alloc : memref<!tpu.dma_semaphore, #tpu.memory_space<semaphore_mem>>
      %dma_start3A_112 = arith.constant 0 : i32
      %dma_start3A_113 = tpu.memref_slice %arg11[%mul3A_54, %dma_start3A_112] : memref<10112x128xf32, #tpu.memory_space<vmem_shared>> -> memref<632x128xf32, #tpu.memory_space<vmem_shared>>
      tpu.enqueue_dma source(%arg5 : memref<632x128xf32, #tpu.memory_space<hbm>>) target(%dma_start3A_113 : memref<632x128xf32, #tpu.memory_space<vmem_shared>>) target_semaphore(%run_scoped3A : memref<!tpu.dma_semaphore, #tpu.memory_space<semaphore_mem>>)
      %dma_wait3A_114 = arith.constant 0 : i32
      %dma_wait3A_115 = tpu.memref_slice %arg11[%mul3A_54, %dma_wait3A_114] : memref<10112x128xf32, #tpu.memory_space<vmem_shared>> -> memref<632x128xf32, #tpu.memory_space<vmem_shared>>
      tpu.wait_dma2 semaphore(%run_scoped3A : memref<!tpu.dma_semaphore, #tpu.memory_space<semaphore_mem>>) src(%arg5 : memref<632x128xf32, #tpu.memory_space<hbm>>) dst(%dma_wait3A_115 : memref<632x128xf32, #tpu.memory_space<vmem_shared>>)
      tpu.yield
    }) : () -> ()
    %barrier3A = arith.constant 0 : index
    tpu.barrier barrier_id(%barrier3A)
    %scan3A = arith.constant 0 : i32
    %scan3A_55 = arith.constant 0 : i32
    %scan3A_56 = arith.constant 89 : i32
    %scan3A_57 = arith.addi %scan3A_55, %scan3A_56 : i32
    %scan3A_58 = arith.constant 1 : i32
    scf.for %scan3A_112 = %scan3A_55 to %scan3A_57 step %scan3A_58  : i32 {
      %lt3A = arith.constant 88 : i32
      %lt3A_113 = arith.cmpi slt, %scan3A_112, %lt3A : i32
      %convert_element_type3A_114 = arith.extui %lt3A_113 : i1 to i32
      %cond3A_115 = arith.constant 0 : i32
      %cond3A_116 = arith.cmpi ne, %convert_element_type3A_114, %cond3A_115 : i32
      scf.if %cond3A_116 {
        %rem3A_124 = arith.constant 3 : i32
        %rem3A_125 = arith.remsi %scan3A_112, %rem3A_124 : i32
        %rem3A_126 = arith.constant 6 : i32
        %rem3A_127 = arith.remsi %scan3A_112, %rem3A_126 : i32
        %ge3A_128 = arith.constant 3 : i32
        %ge3A_129 = arith.cmpi sge, %scan3A_112, %ge3A_128 : i32
        %convert_element_type3A_130 = arith.extui %ge3A_129 : i1 to i32
        %cond3A_131 = arith.constant 0 : i32
        %cond3A_132 = arith.cmpi ne, %convert_element_type3A_130, %cond3A_131 : i32
        scf.if %cond3A_132 {
          %dma_wait3A_176 = arith.constant 0 : i32
          %dma_wait3A_177 = arith.constant 0 : i32
          %dma_wait3A_178 = arith.constant 0 : i32
          %dma_wait3A_179 = tpu.memref_slice %arg10[%rem3A_125, %dma_wait3A_177, %dma_wait3A_178] : memref<3x120x128xf32, #tpu.memory_space<vmem>> -> memref<1x120x128xf32, #tpu.memory_space<vmem>>
          %dma_wait3A_180 = tpu.memref_squeeze %dma_wait3A_179 : memref<1x120x128xf32, #tpu.memory_space<vmem>> -> memref<120x128xf32, #tpu.memory_space<vmem>>
          %dma_wait3A_181 = arith.constant 0 : i32
          %dma_wait3A_182 = tpu.memref_slice %arg9[%dma_wait3A_176, %dma_wait3A_181] : memref<6x120xi32, #tpu.memory_space<vmem>> -> memref<1x120xi32, #tpu.memory_space<vmem>>
          %dma_wait3A_183 = tpu.memref_squeeze %dma_wait3A_182 : memref<1x120xi32, #tpu.memory_space<vmem>> -> memref<120xi32, #tpu.memory_space<vmem>>
          %dma_wait3A_184 = arith.constant 0 : i32
          %dma_wait3A_185 = arith.constant 0 : i32
          %dma_wait3A_186 = tpu.memref_slice %arg11[%dma_wait3A_184, %dma_wait3A_185] : memref<10112x128xf32, #tpu.memory_space<vmem_shared>> -> memref<10112x128xf32, #tpu.memory_space<vmem_shared>>
          %dma_wait3A_187 = tpu.memref_slice %arg14[%rem3A_125] : memref<3x!tpu.dma_semaphore, #tpu.memory_space<semaphore_mem>> -> memref<1x!tpu.dma_semaphore, #tpu.memory_space<semaphore_mem>>
          %dma_wait3A_188 = tpu.memref_squeeze %dma_wait3A_187 : memref<1x!tpu.dma_semaphore, #tpu.memory_space<semaphore_mem>> -> memref<!tpu.dma_semaphore, #tpu.memory_space<semaphore_mem>>
          tpu.wait_indirect_dma semaphore(%dma_wait3A_188 : memref<!tpu.dma_semaphore, #tpu.memory_space<semaphore_mem>>) src(%dma_wait3A_180 : memref<120x128xf32, #tpu.memory_space<vmem>>) dst(%dma_wait3A_186 : memref<10112x128xf32, #tpu.memory_space<vmem_shared>>)
        } else {
        }
        %dma_wait3A_133 = arith.constant 0 : i32
        %dma_wait3A_134 = tpu.memref_slice %arg8[%rem3A_127, %dma_wait3A_133] : memref<6x120xi32, #tpu.memory_space<vmem>> -> memref<1x120xi32, #tpu.memory_space<vmem>>
        %dma_wait3A_135 = tpu.memref_squeeze %dma_wait3A_134 : memref<1x120xi32, #tpu.memory_space<vmem>> -> memref<120xi32, #tpu.memory_space<vmem>>
        %dma_wait3A_136 = arith.constant 0 : i32
        %dma_wait3A_137 = tpu.memref_slice %arg3[%dma_wait3A_136] : memref<337920xi32, #tpu.memory_space<hbm>> -> memref<120xi32, #tpu.memory_space<hbm>>
        %dma_wait3A_138 = tpu.memref_slice %arg12[%rem3A_127] : memref<6x!tpu.dma_semaphore, #tpu.memory_space<semaphore_mem>> -> memref<1x!tpu.dma_semaphore, #tpu.memory_space<semaphore_mem>>
        %dma_wait3A_139 = tpu.memref_squeeze %dma_wait3A_138 : memref<1x!tpu.dma_semaphore, #tpu.memory_space<semaphore_mem>> -> memref<!tpu.dma_semaphore, #tpu.memory_space<semaphore_mem>>
        %dma_wait3A_140 = arith.constant 0 : i32
        %dma_wait3A_141 = tpu.memref_slice %arg8[%rem3A_127, %dma_wait3A_140] : memref<6x120xi32, #tpu.memory_space<vmem>> -> memref<1x120xi32, #tpu.memory_space<vmem>>
        %dma_wait3A_142 = tpu.memref_squeeze %dma_wait3A_141 : memref<1x120xi32, #tpu.memory_space<vmem>> -> memref<120xi32, #tpu.memory_space<vmem>>
        %dma_wait3A_143 = arith.constant 0 : i32
        %dma_wait3A_144 = tpu.memref_slice %arg3[%dma_wait3A_143] : memref<337920xi32, #tpu.memory_space<hbm>> -> memref<120xi32, #tpu.memory_space<hbm>>
        tpu.wait_dma2 semaphore(%dma_wait3A_139 : memref<!tpu.dma_semaphore, #tpu.memory_space<semaphore_mem>>) src(%dma_wait3A_144 : memref<120xi32, #tpu.memory_space<hbm>>) dst(%dma_wait3A_142 : memref<120xi32, #tpu.memory_space<vmem>>)
        %dma_wait3A_145 = arith.constant 0 : i32
        %dma_wait3A_146 = tpu.memref_slice %arg9[%rem3A_127, %dma_wait3A_145] : memref<6x120xi32, #tpu.memory_space<vmem>> -> memref<1x120xi32, #tpu.memory_space<vmem>>
        %dma_wait3A_147 = tpu.memref_squeeze %dma_wait3A_146 : memref<1x120xi32, #tpu.memory_space<vmem>> -> memref<120xi32, #tpu.memory_space<vmem>>
        %dma_wait3A_148 = arith.constant 0 : i32
        %dma_wait3A_149 = tpu.memref_slice %arg4[%dma_wait3A_148] : memref<337920xi32, #tpu.memory_space<hbm>> -> memref<120xi32, #tpu.memory_space<hbm>>
        %dma_wait3A_150 = tpu.memref_slice %arg12[%rem3A_127] : memref<6x!tpu.dma_semaphore, #tpu.memory_space<semaphore_mem>> -> memref<1x!tpu.dma_semaphore, #tpu.memory_space<semaphore_mem>>
        %dma_wait3A_151 = tpu.memref_squeeze %dma_wait3A_150 : memref<1x!tpu.dma_semaphore, #tpu.memory_space<semaphore_mem>> -> memref<!tpu.dma_semaphore, #tpu.memory_space<semaphore_mem>>
        %dma_wait3A_152 = arith.constant 0 : i32
        %dma_wait3A_153 = tpu.memref_slice %arg9[%rem3A_127, %dma_wait3A_152] : memref<6x120xi32, #tpu.memory_space<vmem>> -> memref<1x120xi32, #tpu.memory_space<vmem>>
        %dma_wait3A_154 = tpu.memref_squeeze %dma_wait3A_153 : memref<1x120xi32, #tpu.memory_space<vmem>> -> memref<120xi32, #tpu.memory_space<vmem>>
        %dma_wait3A_155 = arith.constant 0 : i32
        %dma_wait3A_156 = tpu.memref_slice %arg4[%dma_wait3A_155] : memref<337920xi32, #tpu.memory_space<hbm>> -> memref<120xi32, #tpu.memory_space<hbm>>
        tpu.wait_dma2 semaphore(%dma_wait3A_151 : memref<!tpu.dma_semaphore, #tpu.memory_space<semaphore_mem>>) src(%dma_wait3A_156 : memref<120xi32, #tpu.memory_space<hbm>>) dst(%dma_wait3A_154 : memref<120xi32, #tpu.memory_space<vmem>>)
        %dma_start3A_157 = arith.constant 0 : i32
        %dma_start3A_158 = arith.constant 0 : i32
        %dma_start3A_159 = tpu.memref_slice %arg10[%rem3A_125, %dma_start3A_157, %dma_start3A_158] : memref<3x120x128xf32, #tpu.memory_space<vmem>> -> memref<1x120x128xf32, #tpu.memory_space<vmem>>
        %dma_start3A_160 = tpu.memref_squeeze %dma_start3A_159 : memref<1x120x128xf32, #tpu.memory_space<vmem>> -> memref<120x128xf32, #tpu.memory_space<vmem>>
        %dma_start3A_161 = arith.constant 0 : i32
        %dma_start3A_162 = tpu.memref_slice %arg8[%rem3A_127, %dma_start3A_161] : memref<6x120xi32, #tpu.memory_space<vmem>> -> memref<1x120xi32, #tpu.memory_space<vmem>>
        %dma_start3A_163 = tpu.memref_squeeze %dma_start3A_162 : memref<1x120xi32, #tpu.memory_space<vmem>> -> memref<120xi32, #tpu.memory_space<vmem>>
        %dma_start3A_164 = arith.constant 0 : i32
        %dma_start3A_165 = arith.constant 0 : i32
        %dma_start3A_166 = tpu.memref_slice %arg2[%dma_start3A_164, %dma_start3A_165] : memref<10000x128xf32, #tpu.memory_space<hbm>> -> memref<10000x128xf32, #tpu.memory_space<hbm>>
        %dma_start3A_167 = tpu.memref_slice %arg13[%rem3A_125] : memref<3x!tpu.dma_semaphore, #tpu.memory_space<semaphore_mem>> -> memref<1x!tpu.dma_semaphore, #tpu.memory_space<semaphore_mem>>
        %dma_start3A_168 = tpu.memref_squeeze %dma_start3A_167 : memref<1x!tpu.dma_semaphore, #tpu.memory_space<semaphore_mem>> -> memref<!tpu.dma_semaphore, #tpu.memory_space<semaphore_mem>>
        tpu.enqueue_indirect_dma source(%dma_start3A_166 : memref<10000x128xf32, #tpu.memory_space<hbm>>) target(%dma_start3A_160 : memref<120x128xf32, #tpu.memory_space<vmem>>) offsets(%dma_start3A_163 : memref<120xi32, #tpu.memory_space<vmem>>) semaphore(%dma_start3A_168 : memref<!tpu.dma_semaphore, #tpu.memory_space<semaphore_mem>>)
        %add3A_169 = arith.constant 2 : i32
        %add3A_170 = arith.addi %scan3A_112, %add3A_169 : i32
        %lt3A_171 = arith.constant 88 : i32
        %lt3A_172 = arith.cmpi slt, %add3A_170, %lt3A_171 : i32
        %convert_element_type3A_173 = arith.extui %lt3A_172 : i1 to i32
        %cond3A_174 = arith.constant 0 : i32
        %cond3A_175 = arith.cmpi ne, %convert_element_type3A_173, %cond3A_174 : i32
        scf.if %cond3A_175 {
          %rem3A_176 = arith.constant 6 : i32
          %rem3A_177 = arith.remsi %add3A_170, %rem3A_176 : i32
          %mul3A_178 = arith.constant 120 : i32
          %mul3A_179 = arith.muli %add3A_170, %mul3A_178 : i32
          %add3A_180 = arith.addi %mul3A_4, %mul3A_179 : i32
          %dma_start3A_181 = arith.constant 0 : i32
          %dma_start3A_182 = tpu.memref_slice %arg8[%rem3A_177, %dma_start3A_181] : memref<6x120xi32, #tpu.memory_space<vmem>> -> memref<1x120xi32, #tpu.memory_space<vmem>>
          %dma_start3A_183 = tpu.memref_squeeze %dma_start3A_182 : memref<1x120xi32, #tpu.memory_space<vmem>> -> memref<120xi32, #tpu.memory_space<vmem>>
          %dma_start3A_184 = tpu.memref_slice %arg3[%add3A_180] : memref<337920xi32, #tpu.memory_space<hbm>> -> memref<120xi32, #tpu.memory_space<hbm>>
          %dma_start3A_185 = tpu.memref_slice %arg12[%rem3A_177] : memref<6x!tpu.dma_semaphore, #tpu.memory_space<semaphore_mem>> -> memref<1x!tpu.dma_semaphore, #tpu.memory_space<semaphore_mem>>
          %dma_start3A_186 = tpu.memref_squeeze %dma_start3A_185 : memref<1x!tpu.dma_semaphore, #tpu.memory_space<semaphore_mem>> -> memref<!tpu.dma_semaphore, #tpu.memory_space<semaphore_mem>>
          %dma_start3A_187 = arith.constant 0 : i32
          %dma_start3A_188 = tpu.memref_slice %arg8[%rem3A_177, %dma_start3A_187] : memref<6x120xi32, #tpu.memory_space<vmem>> -> memref<1x120xi32, #tpu.memory_space<vmem>>
          %dma_start3A_189 = tpu.memref_squeeze %dma_start3A_188 : memref<1x120xi32, #tpu.memory_space<vmem>> -> memref<120xi32, #tpu.memory_space<vmem>>
          %dma_start3A_190 = tpu.memref_slice %arg3[%add3A_180] : memref<337920xi32, #tpu.memory_space<hbm>> -> memref<120xi32, #tpu.memory_space<hbm>>
          tpu.enqueue_dma source(%dma_start3A_190 : memref<120xi32, #tpu.memory_space<hbm>>) target(%dma_start3A_189 : memref<120xi32, #tpu.memory_space<vmem>>) target_semaphore(%dma_start3A_186 : memref<!tpu.dma_semaphore, #tpu.memory_space<semaphore_mem>>)
          %dma_start3A_191 = arith.constant 0 : i32
          %dma_start3A_192 = tpu.memref_slice %arg9[%rem3A_177, %dma_start3A_191] : memref<6x120xi32, #tpu.memory_space<vmem>> -> memref<1x120xi32, #tpu.memory_space<vmem>>
          %dma_start3A_193 = tpu.memref_squeeze %dma_start3A_192 : memref<1x120xi32, #tpu.memory_space<vmem>> -> memref<120xi32, #tpu.memory_space<vmem>>
          %dma_start3A_194 = tpu.memref_slice %arg4[%add3A_180] : memref<337920xi32, #tpu.memory_space<hbm>> -> memref<120xi32, #tpu.memory_space<hbm>>
          %dma_start3A_195 = tpu.memref_slice %arg12[%rem3A_177] : memref<6x!tpu.dma_semaphore, #tpu.memory_space<semaphore_mem>> -> memref<1x!tpu.dma_semaphore, #tpu.memory_space<semaphore_mem>>
          %dma_start3A_196 = tpu.memref_squeeze %dma_start3A_195 : memref<1x!tpu.dma_semaphore, #tpu.memory_space<semaphore_mem>> -> memref<!tpu.dma_semaphore, #tpu.memory_space<semaphore_mem>>
          %dma_start3A_197 = arith.constant 0 : i32
          %dma_start3A_198 = tpu.memref_slice %arg9[%rem3A_177, %dma_start3A_197] : memref<6x120xi32, #tpu.memory_space<vmem>> -> memref<1x120xi32, #tpu.memory_space<vmem>>
          %dma_start3A_199 = tpu.memref_squeeze %dma_start3A_198 : memref<1x120xi32, #tpu.memory_space<vmem>> -> memref<120xi32, #tpu.memory_space<vmem>>
          %dma_start3A_200 = tpu.memref_slice %arg4[%add3A_180] : memref<337920xi32, #tpu.memory_space<hbm>> -> memref<120xi32, #tpu.memory_space<hbm>>
          tpu.enqueue_dma source(%dma_start3A_200 : memref<120xi32, #tpu.memory_space<hbm>>) target(%dma_start3A_199 : memref<120xi32, #tpu.memory_space<vmem>>) target_semaphore(%dma_start3A_196 : memref<!tpu.dma_semaphore, #tpu.memory_space<semaphore_mem>>)
        } else {
        }
      } else {
      }
      %sub3A = arith.constant 1 : i32
      %sub3A_117 = arith.subi %scan3A_112, %sub3A : i32
      %ge3A = arith.constant 0 : i32
      %ge3A_118 = arith.cmpi sge, %sub3A_117, %ge3A : i32
      %lt3A_119 = arith.constant 88 : i32
      %lt3A_120 = arith.cmpi slt, %sub3A_117, %lt3A_119 : i32
      %and3A = arith.andi %ge3A_118, %lt3A_120 : i1
      %convert_element_type3A_121 = arith.extui %and3A : i1 to i32
      %cond3A_122 = arith.constant 0 : i32
      %cond3A_123 = arith.cmpi ne, %convert_element_type3A_121, %cond3A_122 : i32
      scf.if %cond3A_123 {
        %rem3A_124 = arith.constant 3 : i32
        %rem3A_125 = arith.remsi %sub3A_117, %rem3A_124 : i32
        %rem3A_126 = arith.constant 6 : i32
        %rem3A_127 = arith.remsi %sub3A_117, %rem3A_126 : i32
        %dma_wait3A_128 = arith.constant 0 : i32
        %dma_wait3A_129 = arith.constant 0 : i32
        %dma_wait3A_130 = arith.constant 0 : i32
        %dma_wait3A_131 = tpu.memref_slice %arg10[%rem3A_125, %dma_wait3A_129, %dma_wait3A_130] : memref<3x120x128xf32, #tpu.memory_space<vmem>> -> memref<1x120x128xf32, #tpu.memory_space<vmem>>
        %dma_wait3A_132 = tpu.memref_squeeze %dma_wait3A_131 : memref<1x120x128xf32, #tpu.memory_space<vmem>> -> memref<120x128xf32, #tpu.memory_space<vmem>>
        %dma_wait3A_133 = arith.constant 0 : i32
        %dma_wait3A_134 = tpu.memref_slice %arg8[%dma_wait3A_128, %dma_wait3A_133] : memref<6x120xi32, #tpu.memory_space<vmem>> -> memref<1x120xi32, #tpu.memory_space<vmem>>
        %dma_wait3A_135 = tpu.memref_squeeze %dma_wait3A_134 : memref<1x120xi32, #tpu.memory_space<vmem>> -> memref<120xi32, #tpu.memory_space<vmem>>
        %dma_wait3A_136 = arith.constant 0 : i32
        %dma_wait3A_137 = arith.constant 0 : i32
        %dma_wait3A_138 = tpu.memref_slice %arg2[%dma_wait3A_136, %dma_wait3A_137] : memref<10000x128xf32, #tpu.memory_space<hbm>> -> memref<10000x128xf32, #tpu.memory_space<hbm>>
        %dma_wait3A_139 = tpu.memref_slice %arg13[%rem3A_125] : memref<3x!tpu.dma_semaphore, #tpu.memory_space<semaphore_mem>> -> memref<1x!tpu.dma_semaphore, #tpu.memory_space<semaphore_mem>>
        %dma_wait3A_140 = tpu.memref_squeeze %dma_wait3A_139 : memref<1x!tpu.dma_semaphore, #tpu.memory_space<semaphore_mem>> -> memref<!tpu.dma_semaphore, #tpu.memory_space<semaphore_mem>>
        tpu.wait_indirect_dma semaphore(%dma_wait3A_140 : memref<!tpu.dma_semaphore, #tpu.memory_space<semaphore_mem>>) src(%dma_wait3A_138 : memref<10000x128xf32, #tpu.memory_space<hbm>>) dst(%dma_wait3A_132 : memref<120x128xf32, #tpu.memory_space<vmem>>)
        %dma_start3A_141 = arith.constant 0 : i32
        %dma_start3A_142 = arith.constant 0 : i32
        %dma_start3A_143 = tpu.memref_slice %arg10[%rem3A_125, %dma_start3A_141, %dma_start3A_142] : memref<3x120x128xf32, #tpu.memory_space<vmem>> -> memref<1x120x128xf32, #tpu.memory_space<vmem>>
        %dma_start3A_144 = tpu.memref_squeeze %dma_start3A_143 : memref<1x120x128xf32, #tpu.memory_space<vmem>> -> memref<120x128xf32, #tpu.memory_space<vmem>>
        %dma_start3A_145 = arith.constant 0 : i32
        %dma_start3A_146 = tpu.memref_slice %arg9[%rem3A_127, %dma_start3A_145] : memref<6x120xi32, #tpu.memory_space<vmem>> -> memref<1x120xi32, #tpu.memory_space<vmem>>
        %dma_start3A_147 = tpu.memref_squeeze %dma_start3A_146 : memref<1x120xi32, #tpu.memory_space<vmem>> -> memref<120xi32, #tpu.memory_space<vmem>>
        %dma_start3A_148 = arith.constant 0 : i32
        %dma_start3A_149 = arith.constant 0 : i32
        %dma_start3A_150 = tpu.memref_slice %arg11[%dma_start3A_148, %dma_start3A_149] : memref<10112x128xf32, #tpu.memory_space<vmem_shared>> -> memref<10112x128xf32, #tpu.memory_space<vmem_shared>>
        %dma_start3A_151 = tpu.memref_slice %arg14[%rem3A_125] : memref<3x!tpu.dma_semaphore, #tpu.memory_space<semaphore_mem>> -> memref<1x!tpu.dma_semaphore, #tpu.memory_space<semaphore_mem>>
        %dma_start3A_152 = tpu.memref_squeeze %dma_start3A_151 : memref<1x!tpu.dma_semaphore, #tpu.memory_space<semaphore_mem>> -> memref<!tpu.dma_semaphore, #tpu.memory_space<semaphore_mem>>
        tpu.enqueue_indirect_dma source(%dma_start3A_144 : memref<120x128xf32, #tpu.memory_space<vmem>>) target(%dma_start3A_150 : memref<10112x128xf32, #tpu.memory_space<vmem_shared>>) offsets(%dma_start3A_147 : memref<120xi32, #tpu.memory_space<vmem>>) semaphore(%dma_start3A_152 : memref<!tpu.dma_semaphore, #tpu.memory_space<semaphore_mem>>) {add = true}
      } else {
      }
    }
    %scan3A_59 = arith.constant 89 : i32
    %dma_wait3A = arith.constant 0 : i32
    %dma_wait3A_60 = arith.constant 0 : i32
    %dma_wait3A_61 = arith.constant 0 : i32
    %dma_wait3A_62 = arith.constant 0 : i32
    %dma_wait3A_63 = arith.constant 0 : i32
    %dma_wait3A_64 = tpu.memref_slice %arg10[%dma_wait3A, %dma_wait3A_62, %dma_wait3A_63] : memref<3x120x128xf32, #tpu.memory_space<vmem>> -> memref<1x120x128xf32, #tpu.memory_space<vmem>>
    %dma_wait3A_65 = tpu.memref_squeeze %dma_wait3A_64 : memref<1x120x128xf32, #tpu.memory_space<vmem>> -> memref<120x128xf32, #tpu.memory_space<vmem>>
    %dma_wait3A_66 = arith.constant 0 : i32
    %dma_wait3A_67 = tpu.memref_slice %arg9[%dma_wait3A_60, %dma_wait3A_66] : memref<6x120xi32, #tpu.memory_space<vmem>> -> memref<1x120xi32, #tpu.memory_space<vmem>>
    %dma_wait3A_68 = tpu.memref_squeeze %dma_wait3A_67 : memref<1x120xi32, #tpu.memory_space<vmem>> -> memref<120xi32, #tpu.memory_space<vmem>>
    %dma_wait3A_69 = arith.constant 0 : i32
    %dma_wait3A_70 = arith.constant 0 : i32
    %dma_wait3A_71 = tpu.memref_slice %arg11[%dma_wait3A_69, %dma_wait3A_70] : memref<10112x128xf32, #tpu.memory_space<vmem_shared>> -> memref<10112x128xf32, #tpu.memory_space<vmem_shared>>
    %dma_wait3A_72 = tpu.memref_slice %arg14[%dma_wait3A_61] : memref<3x!tpu.dma_semaphore, #tpu.memory_space<semaphore_mem>> -> memref<1x!tpu.dma_semaphore, #tpu.memory_space<semaphore_mem>>
    %dma_wait3A_73 = tpu.memref_squeeze %dma_wait3A_72 : memref<1x!tpu.dma_semaphore, #tpu.memory_space<semaphore_mem>> -> memref<!tpu.dma_semaphore, #tpu.memory_space<semaphore_mem>>
    tpu.wait_indirect_dma semaphore(%dma_wait3A_73 : memref<!tpu.dma_semaphore, #tpu.memory_space<semaphore_mem>>) src(%dma_wait3A_65 : memref<120x128xf32, #tpu.memory_space<vmem>>) dst(%dma_wait3A_71 : memref<10112x128xf32, #tpu.memory_space<vmem_shared>>)
    %dma_wait3A_74 = arith.constant 1 : i32
    %dma_wait3A_75 = arith.constant 0 : i32
    %dma_wait3A_76 = arith.constant 1 : i32
    %dma_wait3A_77 = arith.constant 0 : i32
    %dma_wait3A_78 = arith.constant 0 : i32
    %dma_wait3A_79 = tpu.memref_slice %arg10[%dma_wait3A_74, %dma_wait3A_77, %dma_wait3A_78] : memref<3x120x128xf32, #tpu.memory_space<vmem>> -> memref<1x120x128xf32, #tpu.memory_space<vmem>>
    %dma_wait3A_80 = tpu.memref_squeeze %dma_wait3A_79 : memref<1x120x128xf32, #tpu.memory_space<vmem>> -> memref<120x128xf32, #tpu.memory_space<vmem>>
    %dma_wait3A_81 = arith.constant 0 : i32
    %dma_wait3A_82 = tpu.memref_slice %arg9[%dma_wait3A_75, %dma_wait3A_81] : memref<6x120xi32, #tpu.memory_space<vmem>> -> memref<1x120xi32, #tpu.memory_space<vmem>>
    %dma_wait3A_83 = tpu.memref_squeeze %dma_wait3A_82 : memref<1x120xi32, #tpu.memory_space<vmem>> -> memref<120xi32, #tpu.memory_space<vmem>>
    %dma_wait3A_84 = arith.constant 0 : i32
    %dma_wait3A_85 = arith.constant 0 : i32
    %dma_wait3A_86 = tpu.memref_slice %arg11[%dma_wait3A_84, %dma_wait3A_85] : memref<10112x128xf32, #tpu.memory_space<vmem_shared>> -> memref<10112x128xf32, #tpu.memory_space<vmem_shared>>
    %dma_wait3A_87 = tpu.memref_slice %arg14[%dma_wait3A_76] : memref<3x!tpu.dma_semaphore, #tpu.memory_space<semaphore_mem>> -> memref<1x!tpu.dma_semaphore, #tpu.memory_space<semaphore_mem>>
    %dma_wait3A_88 = tpu.memref_squeeze %dma_wait3A_87 : memref<1x!tpu.dma_semaphore, #tpu.memory_space<semaphore_mem>> -> memref<!tpu.dma_semaphore, #tpu.memory_space<semaphore_mem>>
    tpu.wait_indirect_dma semaphore(%dma_wait3A_88 : memref<!tpu.dma_semaphore, #tpu.memory_space<semaphore_mem>>) src(%dma_wait3A_80 : memref<120x128xf32, #tpu.memory_space<vmem>>) dst(%dma_wait3A_86 : memref<10112x128xf32, #tpu.memory_space<vmem_shared>>)
    %dma_wait3A_89 = arith.constant 2 : i32
    %dma_wait3A_90 = arith.constant 0 : i32
    %dma_wait3A_91 = arith.constant 2 : i32
    %dma_wait3A_92 = arith.constant 0 : i32
    %dma_wait3A_93 = arith.constant 0 : i32
    %dma_wait3A_94 = tpu.memref_slice %arg10[%dma_wait3A_89, %dma_wait3A_92, %dma_wait3A_93] : memref<3x120x128xf32, #tpu.memory_space<vmem>> -> memref<1x120x128xf32, #tpu.memory_space<vmem>>
    %dma_wait3A_95 = tpu.memref_squeeze %dma_wait3A_94 : memref<1x120x128xf32, #tpu.memory_space<vmem>> -> memref<120x128xf32, #tpu.memory_space<vmem>>
    %dma_wait3A_96 = arith.constant 0 : i32
    %dma_wait3A_97 = tpu.memref_slice %arg9[%dma_wait3A_90, %dma_wait3A_96] : memref<6x120xi32, #tpu.memory_space<vmem>> -> memref<1x120xi32, #tpu.memory_space<vmem>>
    %dma_wait3A_98 = tpu.memref_squeeze %dma_wait3A_97 : memref<1x120xi32, #tpu.memory_space<vmem>> -> memref<120xi32, #tpu.memory_space<vmem>>
    %dma_wait3A_99 = arith.constant 0 : i32
    %dma_wait3A_100 = arith.constant 0 : i32
    %dma_wait3A_101 = tpu.memref_slice %arg11[%dma_wait3A_99, %dma_wait3A_100] : memref<10112x128xf32, #tpu.memory_space<vmem_shared>> -> memref<10112x128xf32, #tpu.memory_space<vmem_shared>>
    %dma_wait3A_102 = tpu.memref_slice %arg14[%dma_wait3A_91] : memref<3x!tpu.dma_semaphore, #tpu.memory_space<semaphore_mem>> -> memref<1x!tpu.dma_semaphore, #tpu.memory_space<semaphore_mem>>
    %dma_wait3A_103 = tpu.memref_squeeze %dma_wait3A_102 : memref<1x!tpu.dma_semaphore, #tpu.memory_space<semaphore_mem>> -> memref<!tpu.dma_semaphore, #tpu.memory_space<semaphore_mem>>
    tpu.wait_indirect_dma semaphore(%dma_wait3A_103 : memref<!tpu.dma_semaphore, #tpu.memory_space<semaphore_mem>>) src(%dma_wait3A_95 : memref<120x128xf32, #tpu.memory_space<vmem>>) dst(%dma_wait3A_101 : memref<10112x128xf32, #tpu.memory_space<vmem_shared>>)
    %barrier3A_104 = arith.constant 0 : index
    tpu.barrier barrier_id(%barrier3A_104)
    %eq3A = arith.constant 0 : i32
    %eq3A_105 = arith.cmpi eq, %arg0, %eq3A : i32
    %convert_element_type3A = arith.extui %eq3A_105 : i1 to i32
    %cond3A = arith.constant 0 : i32
    %cond3A_106 = arith.cmpi ne, %convert_element_type3A, %cond3A : i32
    scf.if %cond3A_106 {
      %mul3A_112 = arith.constant 632 : i32
      %mul3A_113 = arith.muli %arg1, %mul3A_112 : i32
      %mul3A_114 = arith.constant 632 : i32
      %mul3A_115 = arith.muli %arg1, %mul3A_114 : i32
      "tpu.region"() ({
        %run_scoped3A = tpu.sem_alloc : memref<!tpu.dma_semaphore, #tpu.memory_space<semaphore_mem>>
        %dma_start3A_116 = arith.constant 0 : i32
        %dma_start3A_117 = tpu.memref_slice %arg6[%mul3A_115, %dma_start3A_116] : memref<10112x128xf32, #tpu.memory_space<hbm>> -> memref<632x128xf32, #tpu.memory_space<hbm>>
        %dma_start3A_118 = arith.constant 0 : i32
        %dma_start3A_119 = tpu.memref_slice %arg11[%mul3A_113, %dma_start3A_118] : memref<10112x128xf32, #tpu.memory_space<vmem_shared>> -> memref<632x128xf32, #tpu.memory_space<vmem_shared>>
        tpu.enqueue_dma source(%dma_start3A_119 : memref<632x128xf32, #tpu.memory_space<vmem_shared>>) target(%dma_start3A_117 : memref<632x128xf32, #tpu.memory_space<hbm>>) target_semaphore(%run_scoped3A : memref<!tpu.dma_semaphore, #tpu.memory_space<semaphore_mem>>)
        %dma_wait3A_120 = arith.constant 0 : i32
        %dma_wait3A_121 = tpu.memref_slice %arg6[%mul3A_115, %dma_wait3A_120] : memref<10112x128xf32, #tpu.memory_space<hbm>> -> memref<632x128xf32, #tpu.memory_space<hbm>>
        %dma_wait3A_122 = arith.constant 0 : i32
        %dma_wait3A_123 = tpu.memref_slice %arg11[%mul3A_113, %dma_wait3A_122] : memref<10112x128xf32, #tpu.memory_space<vmem_shared>> -> memref<632x128xf32, #tpu.memory_space<vmem_shared>>
        tpu.wait_dma2 semaphore(%run_scoped3A : memref<!tpu.dma_semaphore, #tpu.memory_space<semaphore_mem>>) src(%dma_wait3A_123 : memref<632x128xf32, #tpu.memory_space<vmem_shared>>) dst(%dma_wait3A_121 : memref<632x128xf32, #tpu.memory_space<hbm>>)
        tpu.yield
      }) : () -> ()
    } else {
    }
    %eq3A_107 = arith.constant 1 : i32
    %eq3A_108 = arith.cmpi eq, %arg0, %eq3A_107 : i32
    %convert_element_type3A_109 = arith.extui %eq3A_108 : i1 to i32
    %cond3A_110 = arith.constant 0 : i32
    %cond3A_111 = arith.cmpi ne, %convert_element_type3A_109, %cond3A_110 : i32
    scf.if %cond3A_111 {
      %mul3A_112 = arith.constant 632 : i32
      %mul3A_113 = arith.muli %arg1, %mul3A_112 : i32
      %mul3A_114 = arith.constant 632 : i32
      %mul3A_115 = arith.muli %arg1, %mul3A_114 : i32
      "tpu.region"() ({
        %run_scoped3A = tpu.sem_alloc : memref<!tpu.dma_semaphore, #tpu.memory_space<semaphore_mem>>
        %dma_start3A_116 = arith.constant 0 : i32
        %dma_start3A_117 = tpu.memref_slice %arg7[%mul3A_115, %dma_start3A_116] : memref<10112x128xf32, #tpu.memory_space<hbm>> -> memref<632x128xf32, #tpu.memory_space<hbm>>
        %dma_start3A_118 = arith.constant 0 : i32
        %dma_start3A_119 = tpu.memref_slice %arg11[%mul3A_113, %dma_start3A_118] : memref<10112x128xf32, #tpu.memory_space<vmem_shared>> -> memref<632x128xf32, #tpu.memory_space<vmem_shared>>
        tpu.enqueue_dma source(%dma_start3A_119 : memref<632x128xf32, #tpu.memory_space<vmem_shared>>) target(%dma_start3A_117 : memref<632x128xf32, #tpu.memory_space<hbm>>) target_semaphore(%run_scoped3A : memref<!tpu.dma_semaphore, #tpu.memory_space<semaphore_mem>>)
        %dma_wait3A_120 = arith.constant 0 : i32
        %dma_wait3A_121 = tpu.memref_slice %arg7[%mul3A_115, %dma_wait3A_120] : memref<10112x128xf32, #tpu.memory_space<hbm>> -> memref<632x128xf32, #tpu.memory_space<hbm>>
        %dma_wait3A_122 = arith.constant 0 : i32
        %dma_wait3A_123 = tpu.memref_slice %arg11[%mul3A_113, %dma_wait3A_122] : memref<10112x128xf32, #tpu.memory_space<vmem_shared>> -> memref<632x128xf32, #tpu.memory_space<vmem_shared>>
        tpu.wait_dma2 semaphore(%run_scoped3A : memref<!tpu.dma_semaphore, #tpu.memory_space<semaphore_mem>>) src(%dma_wait3A_123 : memref<632x128xf32, #tpu.memory_space<vmem_shared>>) dst(%dma_wait3A_121 : memref<632x128xf32, #tpu.memory_space<hbm>>)
        tpu.yield
      }) : () -> ()
    } else {
    }
    return
  }
}

#map = affine_map<(d0, d1) -> (0)>
module attributes {stable_mosaic.version = 14 : i64} {
  func.func @k(%arg0: i32, %arg1: i32, %arg2: memref<40000xf32, #tpu.memory_space<hbm>>, %arg3: memref<10000xf32, #tpu.memory_space<hbm>>, %arg4: memref<10000xf32, #tpu.memory_space<hbm>>, %arg5: memref<2048xi32, #tpu.memory_space<hbm>>, %arg6: memref<100352xi32, #tpu.memory_space<hbm>>, %arg7: memref<8192xf32, #tpu.memory_space<hbm>>, %arg8: memref<2048xf32, #tpu.memory_space<hbm>>, %arg9: memref<100352xf32, #tpu.memory_space<hbm>>, %arg10: memref<40000xf32, #tpu.memory_space<vmem>>, %arg11: memref<10000xf32, #tpu.memory_space<vmem>>, %arg12: memref<10000xf32, #tpu.memory_space<vmem>>, %arg13: memref<2048xi32, #tpu.memory_space<vmem>>, %arg14: memref<3136xi32, #tpu.memory_space<vmem>>, %arg15: memref<256xf32, #tpu.memory_space<vmem>>, %arg16: memref<64xf32, #tpu.memory_space<vmem>>, %arg17: memref<3136xf32, #tpu.memory_space<vmem>>) attributes {dimension_semantics = [#tpu.dimension_semantics<core_parallel>, #tpu.dimension_semantics<subcore_parallel>], iteration_bounds = array<i64: 2, 16>, scalar_prefetch = 0 : i64, scratch_operands = 8 : i64, tpu.core_type = #tpu.core_type<sc_vector_subcore>, window_params = [{transform_indices = #map}, {transform_indices = #map}, {transform_indices = #map}, {transform_indices = #map}, {transform_indices = #map}, {transform_indices = #map}, {transform_indices = #map}, {transform_indices = #map}]} {
    %mul3A = arith.constant 2 : i32
    %mul3A_0 = arith.muli %arg1, %mul3A : i32
    %add3A = arith.addi %mul3A_0, %arg0 : i32
    "tpu.region"() ({
      %run_scoped3A = tpu.sem_alloc : memref<!tpu.dma_semaphore, #tpu.memory_space<semaphore_mem>>
      tpu.enqueue_dma source(%arg2 : memref<40000xf32, #tpu.memory_space<hbm>>) target(%arg10 : memref<40000xf32, #tpu.memory_space<vmem>>) target_semaphore(%run_scoped3A : memref<!tpu.dma_semaphore, #tpu.memory_space<semaphore_mem>>)
      tpu.wait_dma2 semaphore(%run_scoped3A : memref<!tpu.dma_semaphore, #tpu.memory_space<semaphore_mem>>) src(%arg2 : memref<40000xf32, #tpu.memory_space<hbm>>) dst(%arg10 : memref<40000xf32, #tpu.memory_space<vmem>>)
      tpu.yield
    }) : () -> ()
    "tpu.region"() ({
      %run_scoped3A = tpu.sem_alloc : memref<!tpu.dma_semaphore, #tpu.memory_space<semaphore_mem>>
      tpu.enqueue_dma source(%arg3 : memref<10000xf32, #tpu.memory_space<hbm>>) target(%arg11 : memref<10000xf32, #tpu.memory_space<vmem>>) target_semaphore(%run_scoped3A : memref<!tpu.dma_semaphore, #tpu.memory_space<semaphore_mem>>)
      tpu.wait_dma2 semaphore(%run_scoped3A : memref<!tpu.dma_semaphore, #tpu.memory_space<semaphore_mem>>) src(%arg3 : memref<10000xf32, #tpu.memory_space<hbm>>) dst(%arg11 : memref<10000xf32, #tpu.memory_space<vmem>>)
      tpu.yield
    }) : () -> ()
    "tpu.region"() ({
      %run_scoped3A = tpu.sem_alloc : memref<!tpu.dma_semaphore, #tpu.memory_space<semaphore_mem>>
      tpu.enqueue_dma source(%arg4 : memref<10000xf32, #tpu.memory_space<hbm>>) target(%arg12 : memref<10000xf32, #tpu.memory_space<vmem>>) target_semaphore(%run_scoped3A : memref<!tpu.dma_semaphore, #tpu.memory_space<semaphore_mem>>)
      tpu.wait_dma2 semaphore(%run_scoped3A : memref<!tpu.dma_semaphore, #tpu.memory_space<semaphore_mem>>) src(%arg4 : memref<10000xf32, #tpu.memory_space<hbm>>) dst(%arg12 : memref<10000xf32, #tpu.memory_space<vmem>>)
      tpu.yield
    }) : () -> ()
    "tpu.region"() ({
      %run_scoped3A = tpu.sem_alloc : memref<!tpu.dma_semaphore, #tpu.memory_space<semaphore_mem>>
      tpu.enqueue_dma source(%arg5 : memref<2048xi32, #tpu.memory_space<hbm>>) target(%arg13 : memref<2048xi32, #tpu.memory_space<vmem>>) target_semaphore(%run_scoped3A : memref<!tpu.dma_semaphore, #tpu.memory_space<semaphore_mem>>)
      tpu.wait_dma2 semaphore(%run_scoped3A : memref<!tpu.dma_semaphore, #tpu.memory_space<semaphore_mem>>) src(%arg5 : memref<2048xi32, #tpu.memory_space<hbm>>) dst(%arg13 : memref<2048xi32, #tpu.memory_space<vmem>>)
      tpu.yield
    }) : () -> ()
    %mul3A_1 = arith.constant 3136 : i32
    %mul3A_2 = arith.muli %add3A, %mul3A_1 : i32
    "tpu.region"() ({
      %run_scoped3A = tpu.sem_alloc : memref<!tpu.dma_semaphore, #tpu.memory_space<semaphore_mem>>
      %dma_start3A = tpu.memref_slice %arg6[%mul3A_2] : memref<100352xi32, #tpu.memory_space<hbm>> -> memref<3136xi32, #tpu.memory_space<hbm>>
      %dma_start3A_787 = tpu.memref_slice %arg6[%mul3A_2] : memref<100352xi32, #tpu.memory_space<hbm>> -> memref<3136xi32, #tpu.memory_space<hbm>>
      tpu.enqueue_dma source(%dma_start3A_787 : memref<3136xi32, #tpu.memory_space<hbm>>) target(%arg14 : memref<3136xi32, #tpu.memory_space<vmem>>) target_semaphore(%run_scoped3A : memref<!tpu.dma_semaphore, #tpu.memory_space<semaphore_mem>>)
      %dma_wait3A = tpu.memref_slice %arg6[%mul3A_2] : memref<100352xi32, #tpu.memory_space<hbm>> -> memref<3136xi32, #tpu.memory_space<hbm>>
      %dma_wait3A_788 = tpu.memref_slice %arg6[%mul3A_2] : memref<100352xi32, #tpu.memory_space<hbm>> -> memref<3136xi32, #tpu.memory_space<hbm>>
      tpu.wait_dma2 semaphore(%run_scoped3A : memref<!tpu.dma_semaphore, #tpu.memory_space<semaphore_mem>>) src(%dma_wait3A_788 : memref<3136xi32, #tpu.memory_space<hbm>>) dst(%arg14 : memref<3136xi32, #tpu.memory_space<vmem>>)
      tpu.yield
    }) : () -> ()
    %iota3A = tpu.iota {dimensions = array<i32: 0>} : vector<16xi32>
    %mul3A_3 = arith.constant 256 : i32
    %mul3A_4 = arith.muli %add3A, %mul3A_3 : i32
    %add3A_5 = arith.constant 0 : i32
    %add3A_6 = arith.addi %mul3A_4, %add3A_5 : i32
    %broadcast_in_dim3A = vector.broadcast %add3A_6 : i32 to vector<16xi32>
    %add3A_7 = arith.addi %broadcast_in_dim3A, %iota3A : vector<16xi32>
    %jit3A = arith.constant 4 : i32
    %div3A = vector.broadcast %jit3A : i32 to vector<16xi32>
    %div3A_8 = arith.divsi %add3A_7, %div3A : vector<16xi32>
    %sign3A = arith.constant 0 : i32
    %sign3A_9 = vector.broadcast %sign3A : i32 to vector<16xi32>
    %sign3A_10 = arith.cmpi sgt, %add3A_7, %sign3A_9 : vector<16xi32>
    %sign3A_11 = arith.extui %sign3A_10 : vector<16xi1> to vector<16xi32>
    %sign3A_12 = arith.constant 0 : i32
    %sign3A_13 = vector.broadcast %sign3A_12 : i32 to vector<16xi32>
    %sign3A_14 = arith.cmpi slt, %add3A_7, %sign3A_13 : vector<16xi32>
    %sign3A_15 = arith.extui %sign3A_14 : vector<16xi1> to vector<16xi32>
    %sign3A_16 = arith.subi %sign3A_11, %sign3A_15 : vector<16xi32>
    %sign3A_17 = arith.constant 0 : i32
    %sign3A_18 = arith.cmpi sgt, %jit3A, %sign3A_17 : i32
    %sign3A_19 = arith.extui %sign3A_18 : i1 to i32
    %sign3A_20 = arith.constant 0 : i32
    %sign3A_21 = arith.cmpi slt, %jit3A, %sign3A_20 : i32
    %sign3A_22 = arith.extui %sign3A_21 : i1 to i32
    %sign3A_23 = arith.subi %sign3A_19, %sign3A_22 : i32
    %ne3A = vector.broadcast %sign3A_23 : i32 to vector<16xi32>
    %ne3A_24 = arith.cmpi ne, %sign3A_16, %ne3A : vector<16xi32>
    %rem3A = vector.broadcast %jit3A : i32 to vector<16xi32>
    %rem3A_25 = arith.remsi %add3A_7, %rem3A : vector<16xi32>
    %ne3A_26 = arith.constant 0 : i32
    %ne3A_27 = vector.broadcast %ne3A_26 : i32 to vector<16xi32>
    %ne3A_28 = arith.cmpi ne, %rem3A_25, %ne3A_27 : vector<16xi32>
    %and3A = arith.andi %ne3A_24, %ne3A_28 : vector<16xi1>
    %sub3A = arith.constant 1 : i32
    %sub3A_29 = vector.broadcast %sub3A : i32 to vector<16xi32>
    %sub3A_30 = arith.subi %div3A_8, %sub3A_29 : vector<16xi32>
    %select_n3A = arith.select %and3A, %sub3A_30, %div3A_8 : vector<16xi1>, vector<16xi32>
    %mul3A_31 = arith.constant 4 : i32
    %mul3A_32 = vector.broadcast %mul3A_31 : i32 to vector<16xi32>
    %mul3A_33 = arith.muli %select_n3A, %mul3A_32 : vector<16xi32>
    %sub3A_34 = arith.subi %add3A_7, %mul3A_33 : vector<16xi32>
    %gather3A = tpu.vector_load_idx %arg13[%select_n3A] : memref<2048xi32, #tpu.memory_space<vmem>>[vector<16xi32>], vector<16xi32>,
    %mul3A_35 = arith.constant 4 : i32
    %mul3A_36 = vector.broadcast %mul3A_35 : i32 to vector<16xi32>
    %mul3A_37 = arith.muli %gather3A, %mul3A_36 : vector<16xi32>
    %add3A_38 = arith.addi %mul3A_37, %sub3A_34 : vector<16xi32>
    %gather3A_39 = tpu.vector_load_idx %arg10[%add3A_38] : memref<40000xf32, #tpu.memory_space<vmem>>[vector<16xi32>], vector<16xf32>,
    %swap3A = arith.constant 0 : index
    %swap3A_40 = tpu.vector_load %arg15[%swap3A] {strides = array<i32>} : memref<256xf32, #tpu.memory_space<vmem>>, vector<16xf32>,
    tpu.vector_store %arg15[%swap3A], %gather3A_39 {strides = array<i32>} : memref<256xf32, #tpu.memory_space<vmem>>, vector<16xf32>,
    %add3A_41 = arith.constant 16 : i32
    %add3A_42 = arith.addi %mul3A_4, %add3A_41 : i32
    %broadcast_in_dim3A_43 = vector.broadcast %add3A_42 : i32 to vector<16xi32>
    %add3A_44 = arith.addi %broadcast_in_dim3A_43, %iota3A : vector<16xi32>
    %jit3A_45 = arith.constant 4 : i32
    %div3A_46 = vector.broadcast %jit3A_45 : i32 to vector<16xi32>
    %div3A_47 = arith.divsi %add3A_44, %div3A_46 : vector<16xi32>
    %sign3A_48 = arith.constant 0 : i32
    %sign3A_49 = vector.broadcast %sign3A_48 : i32 to vector<16xi32>
    %sign3A_50 = arith.cmpi sgt, %add3A_44, %sign3A_49 : vector<16xi32>
    %sign3A_51 = arith.extui %sign3A_50 : vector<16xi1> to vector<16xi32>
    %sign3A_52 = arith.constant 0 : i32
    %sign3A_53 = vector.broadcast %sign3A_52 : i32 to vector<16xi32>
    %sign3A_54 = arith.cmpi slt, %add3A_44, %sign3A_53 : vector<16xi32>
    %sign3A_55 = arith.extui %sign3A_54 : vector<16xi1> to vector<16xi32>
    %sign3A_56 = arith.subi %sign3A_51, %sign3A_55 : vector<16xi32>
    %sign3A_57 = arith.constant 0 : i32
    %sign3A_58 = arith.cmpi sgt, %jit3A_45, %sign3A_57 : i32
    %sign3A_59 = arith.extui %sign3A_58 : i1 to i32
    %sign3A_60 = arith.constant 0 : i32
    %sign3A_61 = arith.cmpi slt, %jit3A_45, %sign3A_60 : i32
    %sign3A_62 = arith.extui %sign3A_61 : i1 to i32
    %sign3A_63 = arith.subi %sign3A_59, %sign3A_62 : i32
    %ne3A_64 = vector.broadcast %sign3A_63 : i32 to vector<16xi32>
    %ne3A_65 = arith.cmpi ne, %sign3A_56, %ne3A_64 : vector<16xi32>
    %rem3A_66 = vector.broadcast %jit3A_45 : i32 to vector<16xi32>
    %rem3A_67 = arith.remsi %add3A_44, %rem3A_66 : vector<16xi32>
    %ne3A_68 = arith.constant 0 : i32
    %ne3A_69 = vector.broadcast %ne3A_68 : i32 to vector<16xi32>
    %ne3A_70 = arith.cmpi ne, %rem3A_67, %ne3A_69 : vector<16xi32>
    %and3A_71 = arith.andi %ne3A_65, %ne3A_70 : vector<16xi1>
    %sub3A_72 = arith.constant 1 : i32
    %sub3A_73 = vector.broadcast %sub3A_72 : i32 to vector<16xi32>
    %sub3A_74 = arith.subi %div3A_47, %sub3A_73 : vector<16xi32>
    %select_n3A_75 = arith.select %and3A_71, %sub3A_74, %div3A_47 : vector<16xi1>, vector<16xi32>
    %mul3A_76 = arith.constant 4 : i32
    %mul3A_77 = vector.broadcast %mul3A_76 : i32 to vector<16xi32>
    %mul3A_78 = arith.muli %select_n3A_75, %mul3A_77 : vector<16xi32>
    %sub3A_79 = arith.subi %add3A_44, %mul3A_78 : vector<16xi32>
    %gather3A_80 = tpu.vector_load_idx %arg13[%select_n3A_75] : memref<2048xi32, #tpu.memory_space<vmem>>[vector<16xi32>], vector<16xi32>,
    %mul3A_81 = arith.constant 4 : i32
    %mul3A_82 = vector.broadcast %mul3A_81 : i32 to vector<16xi32>
    %mul3A_83 = arith.muli %gather3A_80, %mul3A_82 : vector<16xi32>
    %add3A_84 = arith.addi %mul3A_83, %sub3A_79 : vector<16xi32>
    %gather3A_85 = tpu.vector_load_idx %arg10[%add3A_84] : memref<40000xf32, #tpu.memory_space<vmem>>[vector<16xi32>], vector<16xf32>,
    %swap3A_86 = arith.constant 16 : index
    %swap3A_87 = tpu.vector_load %arg15[%swap3A_86] {strides = array<i32>} : memref<256xf32, #tpu.memory_space<vmem>>, vector<16xf32>,
    tpu.vector_store %arg15[%swap3A_86], %gather3A_85 {strides = array<i32>} : memref<256xf32, #tpu.memory_space<vmem>>, vector<16xf32>,
    %add3A_88 = arith.constant 32 : i32
    %add3A_89 = arith.addi %mul3A_4, %add3A_88 : i32
    %broadcast_in_dim3A_90 = vector.broadcast %add3A_89 : i32 to vector<16xi32>
    %add3A_91 = arith.addi %broadcast_in_dim3A_90, %iota3A : vector<16xi32>
    %jit3A_92 = arith.constant 4 : i32
    %div3A_93 = vector.broadcast %jit3A_92 : i32 to vector<16xi32>
    %div3A_94 = arith.divsi %add3A_91, %div3A_93 : vector<16xi32>
    %sign3A_95 = arith.constant 0 : i32
    %sign3A_96 = vector.broadcast %sign3A_95 : i32 to vector<16xi32>
    %sign3A_97 = arith.cmpi sgt, %add3A_91, %sign3A_96 : vector<16xi32>
    %sign3A_98 = arith.extui %sign3A_97 : vector<16xi1> to vector<16xi32>
    %sign3A_99 = arith.constant 0 : i32
    %sign3A_100 = vector.broadcast %sign3A_99 : i32 to vector<16xi32>
    %sign3A_101 = arith.cmpi slt, %add3A_91, %sign3A_100 : vector<16xi32>
    %sign3A_102 = arith.extui %sign3A_101 : vector<16xi1> to vector<16xi32>
    %sign3A_103 = arith.subi %sign3A_98, %sign3A_102 : vector<16xi32>
    %sign3A_104 = arith.constant 0 : i32
    %sign3A_105 = arith.cmpi sgt, %jit3A_92, %sign3A_104 : i32
    %sign3A_106 = arith.extui %sign3A_105 : i1 to i32
    %sign3A_107 = arith.constant 0 : i32
    %sign3A_108 = arith.cmpi slt, %jit3A_92, %sign3A_107 : i32
    %sign3A_109 = arith.extui %sign3A_108 : i1 to i32
    %sign3A_110 = arith.subi %sign3A_106, %sign3A_109 : i32
    %ne3A_111 = vector.broadcast %sign3A_110 : i32 to vector<16xi32>
    %ne3A_112 = arith.cmpi ne, %sign3A_103, %ne3A_111 : vector<16xi32>
    %rem3A_113 = vector.broadcast %jit3A_92 : i32 to vector<16xi32>
    %rem3A_114 = arith.remsi %add3A_91, %rem3A_113 : vector<16xi32>
    %ne3A_115 = arith.constant 0 : i32
    %ne3A_116 = vector.broadcast %ne3A_115 : i32 to vector<16xi32>
    %ne3A_117 = arith.cmpi ne, %rem3A_114, %ne3A_116 : vector<16xi32>
    %and3A_118 = arith.andi %ne3A_112, %ne3A_117 : vector<16xi1>
    %sub3A_119 = arith.constant 1 : i32
    %sub3A_120 = vector.broadcast %sub3A_119 : i32 to vector<16xi32>
    %sub3A_121 = arith.subi %div3A_94, %sub3A_120 : vector<16xi32>
    %select_n3A_122 = arith.select %and3A_118, %sub3A_121, %div3A_94 : vector<16xi1>, vector<16xi32>
    %mul3A_123 = arith.constant 4 : i32
    %mul3A_124 = vector.broadcast %mul3A_123 : i32 to vector<16xi32>
    %mul3A_125 = arith.muli %select_n3A_122, %mul3A_124 : vector<16xi32>
    %sub3A_126 = arith.subi %add3A_91, %mul3A_125 : vector<16xi32>
    %gather3A_127 = tpu.vector_load_idx %arg13[%select_n3A_122] : memref<2048xi32, #tpu.memory_space<vmem>>[vector<16xi32>], vector<16xi32>,
    %mul3A_128 = arith.constant 4 : i32
    %mul3A_129 = vector.broadcast %mul3A_128 : i32 to vector<16xi32>
    %mul3A_130 = arith.muli %gather3A_127, %mul3A_129 : vector<16xi32>
    %add3A_131 = arith.addi %mul3A_130, %sub3A_126 : vector<16xi32>
    %gather3A_132 = tpu.vector_load_idx %arg10[%add3A_131] : memref<40000xf32, #tpu.memory_space<vmem>>[vector<16xi32>], vector<16xf32>,
    %swap3A_133 = arith.constant 32 : index
    %swap3A_134 = tpu.vector_load %arg15[%swap3A_133] {strides = array<i32>} : memref<256xf32, #tpu.memory_space<vmem>>, vector<16xf32>,
    tpu.vector_store %arg15[%swap3A_133], %gather3A_132 {strides = array<i32>} : memref<256xf32, #tpu.memory_space<vmem>>, vector<16xf32>,
    %add3A_135 = arith.constant 48 : i32
    %add3A_136 = arith.addi %mul3A_4, %add3A_135 : i32
    %broadcast_in_dim3A_137 = vector.broadcast %add3A_136 : i32 to vector<16xi32>
    %add3A_138 = arith.addi %broadcast_in_dim3A_137, %iota3A : vector<16xi32>
    %jit3A_139 = arith.constant 4 : i32
    %div3A_140 = vector.broadcast %jit3A_139 : i32 to vector<16xi32>
    %div3A_141 = arith.divsi %add3A_138, %div3A_140 : vector<16xi32>
    %sign3A_142 = arith.constant 0 : i32
    %sign3A_143 = vector.broadcast %sign3A_142 : i32 to vector<16xi32>
    %sign3A_144 = arith.cmpi sgt, %add3A_138, %sign3A_143 : vector<16xi32>
    %sign3A_145 = arith.extui %sign3A_144 : vector<16xi1> to vector<16xi32>
    %sign3A_146 = arith.constant 0 : i32
    %sign3A_147 = vector.broadcast %sign3A_146 : i32 to vector<16xi32>
    %sign3A_148 = arith.cmpi slt, %add3A_138, %sign3A_147 : vector<16xi32>
    %sign3A_149 = arith.extui %sign3A_148 : vector<16xi1> to vector<16xi32>
    %sign3A_150 = arith.subi %sign3A_145, %sign3A_149 : vector<16xi32>
    %sign3A_151 = arith.constant 0 : i32
    %sign3A_152 = arith.cmpi sgt, %jit3A_139, %sign3A_151 : i32
    %sign3A_153 = arith.extui %sign3A_152 : i1 to i32
    %sign3A_154 = arith.constant 0 : i32
    %sign3A_155 = arith.cmpi slt, %jit3A_139, %sign3A_154 : i32
    %sign3A_156 = arith.extui %sign3A_155 : i1 to i32
    %sign3A_157 = arith.subi %sign3A_153, %sign3A_156 : i32
    %ne3A_158 = vector.broadcast %sign3A_157 : i32 to vector<16xi32>
    %ne3A_159 = arith.cmpi ne, %sign3A_150, %ne3A_158 : vector<16xi32>
    %rem3A_160 = vector.broadcast %jit3A_139 : i32 to vector<16xi32>
    %rem3A_161 = arith.remsi %add3A_138, %rem3A_160 : vector<16xi32>
    %ne3A_162 = arith.constant 0 : i32
    %ne3A_163 = vector.broadcast %ne3A_162 : i32 to vector<16xi32>
    %ne3A_164 = arith.cmpi ne, %rem3A_161, %ne3A_163 : vector<16xi32>
    %and3A_165 = arith.andi %ne3A_159, %ne3A_164 : vector<16xi1>
    %sub3A_166 = arith.constant 1 : i32
    %sub3A_167 = vector.broadcast %sub3A_166 : i32 to vector<16xi32>
    %sub3A_168 = arith.subi %div3A_141, %sub3A_167 : vector<16xi32>
    %select_n3A_169 = arith.select %and3A_165, %sub3A_168, %div3A_141 : vector<16xi1>, vector<16xi32>
    %mul3A_170 = arith.constant 4 : i32
    %mul3A_171 = vector.broadcast %mul3A_170 : i32 to vector<16xi32>
    %mul3A_172 = arith.muli %select_n3A_169, %mul3A_171 : vector<16xi32>
    %sub3A_173 = arith.subi %add3A_138, %mul3A_172 : vector<16xi32>
    %gather3A_174 = tpu.vector_load_idx %arg13[%select_n3A_169] : memref<2048xi32, #tpu.memory_space<vmem>>[vector<16xi32>], vector<16xi32>,
    %mul3A_175 = arith.constant 4 : i32
    %mul3A_176 = vector.broadcast %mul3A_175 : i32 to vector<16xi32>
    %mul3A_177 = arith.muli %gather3A_174, %mul3A_176 : vector<16xi32>
    %add3A_178 = arith.addi %mul3A_177, %sub3A_173 : vector<16xi32>
    %gather3A_179 = tpu.vector_load_idx %arg10[%add3A_178] : memref<40000xf32, #tpu.memory_space<vmem>>[vector<16xi32>], vector<16xf32>,
    %swap3A_180 = arith.constant 48 : index
    %swap3A_181 = tpu.vector_load %arg15[%swap3A_180] {strides = array<i32>} : memref<256xf32, #tpu.memory_space<vmem>>, vector<16xf32>,
    tpu.vector_store %arg15[%swap3A_180], %gather3A_179 {strides = array<i32>} : memref<256xf32, #tpu.memory_space<vmem>>, vector<16xf32>,
    %add3A_182 = arith.constant 64 : i32
    %add3A_183 = arith.addi %mul3A_4, %add3A_182 : i32
    %broadcast_in_dim3A_184 = vector.broadcast %add3A_183 : i32 to vector<16xi32>
    %add3A_185 = arith.addi %broadcast_in_dim3A_184, %iota3A : vector<16xi32>
    %jit3A_186 = arith.constant 4 : i32
    %div3A_187 = vector.broadcast %jit3A_186 : i32 to vector<16xi32>
    %div3A_188 = arith.divsi %add3A_185, %div3A_187 : vector<16xi32>
    %sign3A_189 = arith.constant 0 : i32
    %sign3A_190 = vector.broadcast %sign3A_189 : i32 to vector<16xi32>
    %sign3A_191 = arith.cmpi sgt, %add3A_185, %sign3A_190 : vector<16xi32>
    %sign3A_192 = arith.extui %sign3A_191 : vector<16xi1> to vector<16xi32>
    %sign3A_193 = arith.constant 0 : i32
    %sign3A_194 = vector.broadcast %sign3A_193 : i32 to vector<16xi32>
    %sign3A_195 = arith.cmpi slt, %add3A_185, %sign3A_194 : vector<16xi32>
    %sign3A_196 = arith.extui %sign3A_195 : vector<16xi1> to vector<16xi32>
    %sign3A_197 = arith.subi %sign3A_192, %sign3A_196 : vector<16xi32>
    %sign3A_198 = arith.constant 0 : i32
    %sign3A_199 = arith.cmpi sgt, %jit3A_186, %sign3A_198 : i32
    %sign3A_200 = arith.extui %sign3A_199 : i1 to i32
    %sign3A_201 = arith.constant 0 : i32
    %sign3A_202 = arith.cmpi slt, %jit3A_186, %sign3A_201 : i32
    %sign3A_203 = arith.extui %sign3A_202 : i1 to i32
    %sign3A_204 = arith.subi %sign3A_200, %sign3A_203 : i32
    %ne3A_205 = vector.broadcast %sign3A_204 : i32 to vector<16xi32>
    %ne3A_206 = arith.cmpi ne, %sign3A_197, %ne3A_205 : vector<16xi32>
    %rem3A_207 = vector.broadcast %jit3A_186 : i32 to vector<16xi32>
    %rem3A_208 = arith.remsi %add3A_185, %rem3A_207 : vector<16xi32>
    %ne3A_209 = arith.constant 0 : i32
    %ne3A_210 = vector.broadcast %ne3A_209 : i32 to vector<16xi32>
    %ne3A_211 = arith.cmpi ne, %rem3A_208, %ne3A_210 : vector<16xi32>
    %and3A_212 = arith.andi %ne3A_206, %ne3A_211 : vector<16xi1>
    %sub3A_213 = arith.constant 1 : i32
    %sub3A_214 = vector.broadcast %sub3A_213 : i32 to vector<16xi32>
    %sub3A_215 = arith.subi %div3A_188, %sub3A_214 : vector<16xi32>
    %select_n3A_216 = arith.select %and3A_212, %sub3A_215, %div3A_188 : vector<16xi1>, vector<16xi32>
    %mul3A_217 = arith.constant 4 : i32
    %mul3A_218 = vector.broadcast %mul3A_217 : i32 to vector<16xi32>
    %mul3A_219 = arith.muli %select_n3A_216, %mul3A_218 : vector<16xi32>
    %sub3A_220 = arith.subi %add3A_185, %mul3A_219 : vector<16xi32>
    %gather3A_221 = tpu.vector_load_idx %arg13[%select_n3A_216] : memref<2048xi32, #tpu.memory_space<vmem>>[vector<16xi32>], vector<16xi32>,
    %mul3A_222 = arith.constant 4 : i32
    %mul3A_223 = vector.broadcast %mul3A_222 : i32 to vector<16xi32>
    %mul3A_224 = arith.muli %gather3A_221, %mul3A_223 : vector<16xi32>
    %add3A_225 = arith.addi %mul3A_224, %sub3A_220 : vector<16xi32>
    %gather3A_226 = tpu.vector_load_idx %arg10[%add3A_225] : memref<40000xf32, #tpu.memory_space<vmem>>[vector<16xi32>], vector<16xf32>,
    %swap3A_227 = arith.constant 64 : index
    %swap3A_228 = tpu.vector_load %arg15[%swap3A_227] {strides = array<i32>} : memref<256xf32, #tpu.memory_space<vmem>>, vector<16xf32>,
    tpu.vector_store %arg15[%swap3A_227], %gather3A_226 {strides = array<i32>} : memref<256xf32, #tpu.memory_space<vmem>>, vector<16xf32>,
    %add3A_229 = arith.constant 80 : i32
    %add3A_230 = arith.addi %mul3A_4, %add3A_229 : i32
    %broadcast_in_dim3A_231 = vector.broadcast %add3A_230 : i32 to vector<16xi32>
    %add3A_232 = arith.addi %broadcast_in_dim3A_231, %iota3A : vector<16xi32>
    %jit3A_233 = arith.constant 4 : i32
    %div3A_234 = vector.broadcast %jit3A_233 : i32 to vector<16xi32>
    %div3A_235 = arith.divsi %add3A_232, %div3A_234 : vector<16xi32>
    %sign3A_236 = arith.constant 0 : i32
    %sign3A_237 = vector.broadcast %sign3A_236 : i32 to vector<16xi32>
    %sign3A_238 = arith.cmpi sgt, %add3A_232, %sign3A_237 : vector<16xi32>
    %sign3A_239 = arith.extui %sign3A_238 : vector<16xi1> to vector<16xi32>
    %sign3A_240 = arith.constant 0 : i32
    %sign3A_241 = vector.broadcast %sign3A_240 : i32 to vector<16xi32>
    %sign3A_242 = arith.cmpi slt, %add3A_232, %sign3A_241 : vector<16xi32>
    %sign3A_243 = arith.extui %sign3A_242 : vector<16xi1> to vector<16xi32>
    %sign3A_244 = arith.subi %sign3A_239, %sign3A_243 : vector<16xi32>
    %sign3A_245 = arith.constant 0 : i32
    %sign3A_246 = arith.cmpi sgt, %jit3A_233, %sign3A_245 : i32
    %sign3A_247 = arith.extui %sign3A_246 : i1 to i32
    %sign3A_248 = arith.constant 0 : i32
    %sign3A_249 = arith.cmpi slt, %jit3A_233, %sign3A_248 : i32
    %sign3A_250 = arith.extui %sign3A_249 : i1 to i32
    %sign3A_251 = arith.subi %sign3A_247, %sign3A_250 : i32
    %ne3A_252 = vector.broadcast %sign3A_251 : i32 to vector<16xi32>
    %ne3A_253 = arith.cmpi ne, %sign3A_244, %ne3A_252 : vector<16xi32>
    %rem3A_254 = vector.broadcast %jit3A_233 : i32 to vector<16xi32>
    %rem3A_255 = arith.remsi %add3A_232, %rem3A_254 : vector<16xi32>
    %ne3A_256 = arith.constant 0 : i32
    %ne3A_257 = vector.broadcast %ne3A_256 : i32 to vector<16xi32>
    %ne3A_258 = arith.cmpi ne, %rem3A_255, %ne3A_257 : vector<16xi32>
    %and3A_259 = arith.andi %ne3A_253, %ne3A_258 : vector<16xi1>
    %sub3A_260 = arith.constant 1 : i32
    %sub3A_261 = vector.broadcast %sub3A_260 : i32 to vector<16xi32>
    %sub3A_262 = arith.subi %div3A_235, %sub3A_261 : vector<16xi32>
    %select_n3A_263 = arith.select %and3A_259, %sub3A_262, %div3A_235 : vector<16xi1>, vector<16xi32>
    %mul3A_264 = arith.constant 4 : i32
    %mul3A_265 = vector.broadcast %mul3A_264 : i32 to vector<16xi32>
    %mul3A_266 = arith.muli %select_n3A_263, %mul3A_265 : vector<16xi32>
    %sub3A_267 = arith.subi %add3A_232, %mul3A_266 : vector<16xi32>
    %gather3A_268 = tpu.vector_load_idx %arg13[%select_n3A_263] : memref<2048xi32, #tpu.memory_space<vmem>>[vector<16xi32>], vector<16xi32>,
    %mul3A_269 = arith.constant 4 : i32
    %mul3A_270 = vector.broadcast %mul3A_269 : i32 to vector<16xi32>
    %mul3A_271 = arith.muli %gather3A_268, %mul3A_270 : vector<16xi32>
    %add3A_272 = arith.addi %mul3A_271, %sub3A_267 : vector<16xi32>
    %gather3A_273 = tpu.vector_load_idx %arg10[%add3A_272] : memref<40000xf32, #tpu.memory_space<vmem>>[vector<16xi32>], vector<16xf32>,
    %swap3A_274 = arith.constant 80 : index
    %swap3A_275 = tpu.vector_load %arg15[%swap3A_274] {strides = array<i32>} : memref<256xf32, #tpu.memory_space<vmem>>, vector<16xf32>,
    tpu.vector_store %arg15[%swap3A_274], %gather3A_273 {strides = array<i32>} : memref<256xf32, #tpu.memory_space<vmem>>, vector<16xf32>,
    %add3A_276 = arith.constant 96 : i32
    %add3A_277 = arith.addi %mul3A_4, %add3A_276 : i32
    %broadcast_in_dim3A_278 = vector.broadcast %add3A_277 : i32 to vector<16xi32>
    %add3A_279 = arith.addi %broadcast_in_dim3A_278, %iota3A : vector<16xi32>
    %jit3A_280 = arith.constant 4 : i32
    %div3A_281 = vector.broadcast %jit3A_280 : i32 to vector<16xi32>
    %div3A_282 = arith.divsi %add3A_279, %div3A_281 : vector<16xi32>
    %sign3A_283 = arith.constant 0 : i32
    %sign3A_284 = vector.broadcast %sign3A_283 : i32 to vector<16xi32>
    %sign3A_285 = arith.cmpi sgt, %add3A_279, %sign3A_284 : vector<16xi32>
    %sign3A_286 = arith.extui %sign3A_285 : vector<16xi1> to vector<16xi32>
    %sign3A_287 = arith.constant 0 : i32
    %sign3A_288 = vector.broadcast %sign3A_287 : i32 to vector<16xi32>
    %sign3A_289 = arith.cmpi slt, %add3A_279, %sign3A_288 : vector<16xi32>
    %sign3A_290 = arith.extui %sign3A_289 : vector<16xi1> to vector<16xi32>
    %sign3A_291 = arith.subi %sign3A_286, %sign3A_290 : vector<16xi32>
    %sign3A_292 = arith.constant 0 : i32
    %sign3A_293 = arith.cmpi sgt, %jit3A_280, %sign3A_292 : i32
    %sign3A_294 = arith.extui %sign3A_293 : i1 to i32
    %sign3A_295 = arith.constant 0 : i32
    %sign3A_296 = arith.cmpi slt, %jit3A_280, %sign3A_295 : i32
    %sign3A_297 = arith.extui %sign3A_296 : i1 to i32
    %sign3A_298 = arith.subi %sign3A_294, %sign3A_297 : i32
    %ne3A_299 = vector.broadcast %sign3A_298 : i32 to vector<16xi32>
    %ne3A_300 = arith.cmpi ne, %sign3A_291, %ne3A_299 : vector<16xi32>
    %rem3A_301 = vector.broadcast %jit3A_280 : i32 to vector<16xi32>
    %rem3A_302 = arith.remsi %add3A_279, %rem3A_301 : vector<16xi32>
    %ne3A_303 = arith.constant 0 : i32
    %ne3A_304 = vector.broadcast %ne3A_303 : i32 to vector<16xi32>
    %ne3A_305 = arith.cmpi ne, %rem3A_302, %ne3A_304 : vector<16xi32>
    %and3A_306 = arith.andi %ne3A_300, %ne3A_305 : vector<16xi1>
    %sub3A_307 = arith.constant 1 : i32
    %sub3A_308 = vector.broadcast %sub3A_307 : i32 to vector<16xi32>
    %sub3A_309 = arith.subi %div3A_282, %sub3A_308 : vector<16xi32>
    %select_n3A_310 = arith.select %and3A_306, %sub3A_309, %div3A_282 : vector<16xi1>, vector<16xi32>
    %mul3A_311 = arith.constant 4 : i32
    %mul3A_312 = vector.broadcast %mul3A_311 : i32 to vector<16xi32>
    %mul3A_313 = arith.muli %select_n3A_310, %mul3A_312 : vector<16xi32>
    %sub3A_314 = arith.subi %add3A_279, %mul3A_313 : vector<16xi32>
    %gather3A_315 = tpu.vector_load_idx %arg13[%select_n3A_310] : memref<2048xi32, #tpu.memory_space<vmem>>[vector<16xi32>], vector<16xi32>,
    %mul3A_316 = arith.constant 4 : i32
    %mul3A_317 = vector.broadcast %mul3A_316 : i32 to vector<16xi32>
    %mul3A_318 = arith.muli %gather3A_315, %mul3A_317 : vector<16xi32>
    %add3A_319 = arith.addi %mul3A_318, %sub3A_314 : vector<16xi32>
    %gather3A_320 = tpu.vector_load_idx %arg10[%add3A_319] : memref<40000xf32, #tpu.memory_space<vmem>>[vector<16xi32>], vector<16xf32>,
    %swap3A_321 = arith.constant 96 : index
    %swap3A_322 = tpu.vector_load %arg15[%swap3A_321] {strides = array<i32>} : memref<256xf32, #tpu.memory_space<vmem>>, vector<16xf32>,
    tpu.vector_store %arg15[%swap3A_321], %gather3A_320 {strides = array<i32>} : memref<256xf32, #tpu.memory_space<vmem>>, vector<16xf32>,
    %add3A_323 = arith.constant 112 : i32
    %add3A_324 = arith.addi %mul3A_4, %add3A_323 : i32
    %broadcast_in_dim3A_325 = vector.broadcast %add3A_324 : i32 to vector<16xi32>
    %add3A_326 = arith.addi %broadcast_in_dim3A_325, %iota3A : vector<16xi32>
    %jit3A_327 = arith.constant 4 : i32
    %div3A_328 = vector.broadcast %jit3A_327 : i32 to vector<16xi32>
    %div3A_329 = arith.divsi %add3A_326, %div3A_328 : vector<16xi32>
    %sign3A_330 = arith.constant 0 : i32
    %sign3A_331 = vector.broadcast %sign3A_330 : i32 to vector<16xi32>
    %sign3A_332 = arith.cmpi sgt, %add3A_326, %sign3A_331 : vector<16xi32>
    %sign3A_333 = arith.extui %sign3A_332 : vector<16xi1> to vector<16xi32>
    %sign3A_334 = arith.constant 0 : i32
    %sign3A_335 = vector.broadcast %sign3A_334 : i32 to vector<16xi32>
    %sign3A_336 = arith.cmpi slt, %add3A_326, %sign3A_335 : vector<16xi32>
    %sign3A_337 = arith.extui %sign3A_336 : vector<16xi1> to vector<16xi32>
    %sign3A_338 = arith.subi %sign3A_333, %sign3A_337 : vector<16xi32>
    %sign3A_339 = arith.constant 0 : i32
    %sign3A_340 = arith.cmpi sgt, %jit3A_327, %sign3A_339 : i32
    %sign3A_341 = arith.extui %sign3A_340 : i1 to i32
    %sign3A_342 = arith.constant 0 : i32
    %sign3A_343 = arith.cmpi slt, %jit3A_327, %sign3A_342 : i32
    %sign3A_344 = arith.extui %sign3A_343 : i1 to i32
    %sign3A_345 = arith.subi %sign3A_341, %sign3A_344 : i32
    %ne3A_346 = vector.broadcast %sign3A_345 : i32 to vector<16xi32>
    %ne3A_347 = arith.cmpi ne, %sign3A_338, %ne3A_346 : vector<16xi32>
    %rem3A_348 = vector.broadcast %jit3A_327 : i32 to vector<16xi32>
    %rem3A_349 = arith.remsi %add3A_326, %rem3A_348 : vector<16xi32>
    %ne3A_350 = arith.constant 0 : i32
    %ne3A_351 = vector.broadcast %ne3A_350 : i32 to vector<16xi32>
    %ne3A_352 = arith.cmpi ne, %rem3A_349, %ne3A_351 : vector<16xi32>
    %and3A_353 = arith.andi %ne3A_347, %ne3A_352 : vector<16xi1>
    %sub3A_354 = arith.constant 1 : i32
    %sub3A_355 = vector.broadcast %sub3A_354 : i32 to vector<16xi32>
    %sub3A_356 = arith.subi %div3A_329, %sub3A_355 : vector<16xi32>
    %select_n3A_357 = arith.select %and3A_353, %sub3A_356, %div3A_329 : vector<16xi1>, vector<16xi32>
    %mul3A_358 = arith.constant 4 : i32
    %mul3A_359 = vector.broadcast %mul3A_358 : i32 to vector<16xi32>
    %mul3A_360 = arith.muli %select_n3A_357, %mul3A_359 : vector<16xi32>
    %sub3A_361 = arith.subi %add3A_326, %mul3A_360 : vector<16xi32>
    %gather3A_362 = tpu.vector_load_idx %arg13[%select_n3A_357] : memref<2048xi32, #tpu.memory_space<vmem>>[vector<16xi32>], vector<16xi32>,
    %mul3A_363 = arith.constant 4 : i32
    %mul3A_364 = vector.broadcast %mul3A_363 : i32 to vector<16xi32>
    %mul3A_365 = arith.muli %gather3A_362, %mul3A_364 : vector<16xi32>
    %add3A_366 = arith.addi %mul3A_365, %sub3A_361 : vector<16xi32>
    %gather3A_367 = tpu.vector_load_idx %arg10[%add3A_366] : memref<40000xf32, #tpu.memory_space<vmem>>[vector<16xi32>], vector<16xf32>,
    %swap3A_368 = arith.constant 112 : index
    %swap3A_369 = tpu.vector_load %arg15[%swap3A_368] {strides = array<i32>} : memref<256xf32, #tpu.memory_space<vmem>>, vector<16xf32>,
    tpu.vector_store %arg15[%swap3A_368], %gather3A_367 {strides = array<i32>} : memref<256xf32, #tpu.memory_space<vmem>>, vector<16xf32>,
    %add3A_370 = arith.constant 128 : i32
    %add3A_371 = arith.addi %mul3A_4, %add3A_370 : i32
    %broadcast_in_dim3A_372 = vector.broadcast %add3A_371 : i32 to vector<16xi32>
    %add3A_373 = arith.addi %broadcast_in_dim3A_372, %iota3A : vector<16xi32>
    %jit3A_374 = arith.constant 4 : i32
    %div3A_375 = vector.broadcast %jit3A_374 : i32 to vector<16xi32>
    %div3A_376 = arith.divsi %add3A_373, %div3A_375 : vector<16xi32>
    %sign3A_377 = arith.constant 0 : i32
    %sign3A_378 = vector.broadcast %sign3A_377 : i32 to vector<16xi32>
    %sign3A_379 = arith.cmpi sgt, %add3A_373, %sign3A_378 : vector<16xi32>
    %sign3A_380 = arith.extui %sign3A_379 : vector<16xi1> to vector<16xi32>
    %sign3A_381 = arith.constant 0 : i32
    %sign3A_382 = vector.broadcast %sign3A_381 : i32 to vector<16xi32>
    %sign3A_383 = arith.cmpi slt, %add3A_373, %sign3A_382 : vector<16xi32>
    %sign3A_384 = arith.extui %sign3A_383 : vector<16xi1> to vector<16xi32>
    %sign3A_385 = arith.subi %sign3A_380, %sign3A_384 : vector<16xi32>
    %sign3A_386 = arith.constant 0 : i32
    %sign3A_387 = arith.cmpi sgt, %jit3A_374, %sign3A_386 : i32
    %sign3A_388 = arith.extui %sign3A_387 : i1 to i32
    %sign3A_389 = arith.constant 0 : i32
    %sign3A_390 = arith.cmpi slt, %jit3A_374, %sign3A_389 : i32
    %sign3A_391 = arith.extui %sign3A_390 : i1 to i32
    %sign3A_392 = arith.subi %sign3A_388, %sign3A_391 : i32
    %ne3A_393 = vector.broadcast %sign3A_392 : i32 to vector<16xi32>
    %ne3A_394 = arith.cmpi ne, %sign3A_385, %ne3A_393 : vector<16xi32>
    %rem3A_395 = vector.broadcast %jit3A_374 : i32 to vector<16xi32>
    %rem3A_396 = arith.remsi %add3A_373, %rem3A_395 : vector<16xi32>
    %ne3A_397 = arith.constant 0 : i32
    %ne3A_398 = vector.broadcast %ne3A_397 : i32 to vector<16xi32>
    %ne3A_399 = arith.cmpi ne, %rem3A_396, %ne3A_398 : vector<16xi32>
    %and3A_400 = arith.andi %ne3A_394, %ne3A_399 : vector<16xi1>
    %sub3A_401 = arith.constant 1 : i32
    %sub3A_402 = vector.broadcast %sub3A_401 : i32 to vector<16xi32>
    %sub3A_403 = arith.subi %div3A_376, %sub3A_402 : vector<16xi32>
    %select_n3A_404 = arith.select %and3A_400, %sub3A_403, %div3A_376 : vector<16xi1>, vector<16xi32>
    %mul3A_405 = arith.constant 4 : i32
    %mul3A_406 = vector.broadcast %mul3A_405 : i32 to vector<16xi32>
    %mul3A_407 = arith.muli %select_n3A_404, %mul3A_406 : vector<16xi32>
    %sub3A_408 = arith.subi %add3A_373, %mul3A_407 : vector<16xi32>
    %gather3A_409 = tpu.vector_load_idx %arg13[%select_n3A_404] : memref<2048xi32, #tpu.memory_space<vmem>>[vector<16xi32>], vector<16xi32>,
    %mul3A_410 = arith.constant 4 : i32
    %mul3A_411 = vector.broadcast %mul3A_410 : i32 to vector<16xi32>
    %mul3A_412 = arith.muli %gather3A_409, %mul3A_411 : vector<16xi32>
    %add3A_413 = arith.addi %mul3A_412, %sub3A_408 : vector<16xi32>
    %gather3A_414 = tpu.vector_load_idx %arg10[%add3A_413] : memref<40000xf32, #tpu.memory_space<vmem>>[vector<16xi32>], vector<16xf32>,
    %swap3A_415 = arith.constant 128 : index
    %swap3A_416 = tpu.vector_load %arg15[%swap3A_415] {strides = array<i32>} : memref<256xf32, #tpu.memory_space<vmem>>, vector<16xf32>,
    tpu.vector_store %arg15[%swap3A_415], %gather3A_414 {strides = array<i32>} : memref<256xf32, #tpu.memory_space<vmem>>, vector<16xf32>,
    %add3A_417 = arith.constant 144 : i32
    %add3A_418 = arith.addi %mul3A_4, %add3A_417 : i32
    %broadcast_in_dim3A_419 = vector.broadcast %add3A_418 : i32 to vector<16xi32>
    %add3A_420 = arith.addi %broadcast_in_dim3A_419, %iota3A : vector<16xi32>
    %jit3A_421 = arith.constant 4 : i32
    %div3A_422 = vector.broadcast %jit3A_421 : i32 to vector<16xi32>
    %div3A_423 = arith.divsi %add3A_420, %div3A_422 : vector<16xi32>
    %sign3A_424 = arith.constant 0 : i32
    %sign3A_425 = vector.broadcast %sign3A_424 : i32 to vector<16xi32>
    %sign3A_426 = arith.cmpi sgt, %add3A_420, %sign3A_425 : vector<16xi32>
    %sign3A_427 = arith.extui %sign3A_426 : vector<16xi1> to vector<16xi32>
    %sign3A_428 = arith.constant 0 : i32
    %sign3A_429 = vector.broadcast %sign3A_428 : i32 to vector<16xi32>
    %sign3A_430 = arith.cmpi slt, %add3A_420, %sign3A_429 : vector<16xi32>
    %sign3A_431 = arith.extui %sign3A_430 : vector<16xi1> to vector<16xi32>
    %sign3A_432 = arith.subi %sign3A_427, %sign3A_431 : vector<16xi32>
    %sign3A_433 = arith.constant 0 : i32
    %sign3A_434 = arith.cmpi sgt, %jit3A_421, %sign3A_433 : i32
    %sign3A_435 = arith.extui %sign3A_434 : i1 to i32
    %sign3A_436 = arith.constant 0 : i32
    %sign3A_437 = arith.cmpi slt, %jit3A_421, %sign3A_436 : i32
    %sign3A_438 = arith.extui %sign3A_437 : i1 to i32
    %sign3A_439 = arith.subi %sign3A_435, %sign3A_438 : i32
    %ne3A_440 = vector.broadcast %sign3A_439 : i32 to vector<16xi32>
    %ne3A_441 = arith.cmpi ne, %sign3A_432, %ne3A_440 : vector<16xi32>
    %rem3A_442 = vector.broadcast %jit3A_421 : i32 to vector<16xi32>
    %rem3A_443 = arith.remsi %add3A_420, %rem3A_442 : vector<16xi32>
    %ne3A_444 = arith.constant 0 : i32
    %ne3A_445 = vector.broadcast %ne3A_444 : i32 to vector<16xi32>
    %ne3A_446 = arith.cmpi ne, %rem3A_443, %ne3A_445 : vector<16xi32>
    %and3A_447 = arith.andi %ne3A_441, %ne3A_446 : vector<16xi1>
    %sub3A_448 = arith.constant 1 : i32
    %sub3A_449 = vector.broadcast %sub3A_448 : i32 to vector<16xi32>
    %sub3A_450 = arith.subi %div3A_423, %sub3A_449 : vector<16xi32>
    %select_n3A_451 = arith.select %and3A_447, %sub3A_450, %div3A_423 : vector<16xi1>, vector<16xi32>
    %mul3A_452 = arith.constant 4 : i32
    %mul3A_453 = vector.broadcast %mul3A_452 : i32 to vector<16xi32>
    %mul3A_454 = arith.muli %select_n3A_451, %mul3A_453 : vector<16xi32>
    %sub3A_455 = arith.subi %add3A_420, %mul3A_454 : vector<16xi32>
    %gather3A_456 = tpu.vector_load_idx %arg13[%select_n3A_451] : memref<2048xi32, #tpu.memory_space<vmem>>[vector<16xi32>], vector<16xi32>,
    %mul3A_457 = arith.constant 4 : i32
    %mul3A_458 = vector.broadcast %mul3A_457 : i32 to vector<16xi32>
    %mul3A_459 = arith.muli %gather3A_456, %mul3A_458 : vector<16xi32>
    %add3A_460 = arith.addi %mul3A_459, %sub3A_455 : vector<16xi32>
    %gather3A_461 = tpu.vector_load_idx %arg10[%add3A_460] : memref<40000xf32, #tpu.memory_space<vmem>>[vector<16xi32>], vector<16xf32>,
    %swap3A_462 = arith.constant 144 : index
    %swap3A_463 = tpu.vector_load %arg15[%swap3A_462] {strides = array<i32>} : memref<256xf32, #tpu.memory_space<vmem>>, vector<16xf32>,
    tpu.vector_store %arg15[%swap3A_462], %gather3A_461 {strides = array<i32>} : memref<256xf32, #tpu.memory_space<vmem>>, vector<16xf32>,
    %add3A_464 = arith.constant 160 : i32
    %add3A_465 = arith.addi %mul3A_4, %add3A_464 : i32
    %broadcast_in_dim3A_466 = vector.broadcast %add3A_465 : i32 to vector<16xi32>
    %add3A_467 = arith.addi %broadcast_in_dim3A_466, %iota3A : vector<16xi32>
    %jit3A_468 = arith.constant 4 : i32
    %div3A_469 = vector.broadcast %jit3A_468 : i32 to vector<16xi32>
    %div3A_470 = arith.divsi %add3A_467, %div3A_469 : vector<16xi32>
    %sign3A_471 = arith.constant 0 : i32
    %sign3A_472 = vector.broadcast %sign3A_471 : i32 to vector<16xi32>
    %sign3A_473 = arith.cmpi sgt, %add3A_467, %sign3A_472 : vector<16xi32>
    %sign3A_474 = arith.extui %sign3A_473 : vector<16xi1> to vector<16xi32>
    %sign3A_475 = arith.constant 0 : i32
    %sign3A_476 = vector.broadcast %sign3A_475 : i32 to vector<16xi32>
    %sign3A_477 = arith.cmpi slt, %add3A_467, %sign3A_476 : vector<16xi32>
    %sign3A_478 = arith.extui %sign3A_477 : vector<16xi1> to vector<16xi32>
    %sign3A_479 = arith.subi %sign3A_474, %sign3A_478 : vector<16xi32>
    %sign3A_480 = arith.constant 0 : i32
    %sign3A_481 = arith.cmpi sgt, %jit3A_468, %sign3A_480 : i32
    %sign3A_482 = arith.extui %sign3A_481 : i1 to i32
    %sign3A_483 = arith.constant 0 : i32
    %sign3A_484 = arith.cmpi slt, %jit3A_468, %sign3A_483 : i32
    %sign3A_485 = arith.extui %sign3A_484 : i1 to i32
    %sign3A_486 = arith.subi %sign3A_482, %sign3A_485 : i32
    %ne3A_487 = vector.broadcast %sign3A_486 : i32 to vector<16xi32>
    %ne3A_488 = arith.cmpi ne, %sign3A_479, %ne3A_487 : vector<16xi32>
    %rem3A_489 = vector.broadcast %jit3A_468 : i32 to vector<16xi32>
    %rem3A_490 = arith.remsi %add3A_467, %rem3A_489 : vector<16xi32>
    %ne3A_491 = arith.constant 0 : i32
    %ne3A_492 = vector.broadcast %ne3A_491 : i32 to vector<16xi32>
    %ne3A_493 = arith.cmpi ne, %rem3A_490, %ne3A_492 : vector<16xi32>
    %and3A_494 = arith.andi %ne3A_488, %ne3A_493 : vector<16xi1>
    %sub3A_495 = arith.constant 1 : i32
    %sub3A_496 = vector.broadcast %sub3A_495 : i32 to vector<16xi32>
    %sub3A_497 = arith.subi %div3A_470, %sub3A_496 : vector<16xi32>
    %select_n3A_498 = arith.select %and3A_494, %sub3A_497, %div3A_470 : vector<16xi1>, vector<16xi32>
    %mul3A_499 = arith.constant 4 : i32
    %mul3A_500 = vector.broadcast %mul3A_499 : i32 to vector<16xi32>
    %mul3A_501 = arith.muli %select_n3A_498, %mul3A_500 : vector<16xi32>
    %sub3A_502 = arith.subi %add3A_467, %mul3A_501 : vector<16xi32>
    %gather3A_503 = tpu.vector_load_idx %arg13[%select_n3A_498] : memref<2048xi32, #tpu.memory_space<vmem>>[vector<16xi32>], vector<16xi32>,
    %mul3A_504 = arith.constant 4 : i32
    %mul3A_505 = vector.broadcast %mul3A_504 : i32 to vector<16xi32>
    %mul3A_506 = arith.muli %gather3A_503, %mul3A_505 : vector<16xi32>
    %add3A_507 = arith.addi %mul3A_506, %sub3A_502 : vector<16xi32>
    %gather3A_508 = tpu.vector_load_idx %arg10[%add3A_507] : memref<40000xf32, #tpu.memory_space<vmem>>[vector<16xi32>], vector<16xf32>,
    %swap3A_509 = arith.constant 160 : index
    %swap3A_510 = tpu.vector_load %arg15[%swap3A_509] {strides = array<i32>} : memref<256xf32, #tpu.memory_space<vmem>>, vector<16xf32>,
    tpu.vector_store %arg15[%swap3A_509], %gather3A_508 {strides = array<i32>} : memref<256xf32, #tpu.memory_space<vmem>>, vector<16xf32>,
    %add3A_511 = arith.constant 176 : i32
    %add3A_512 = arith.addi %mul3A_4, %add3A_511 : i32
    %broadcast_in_dim3A_513 = vector.broadcast %add3A_512 : i32 to vector<16xi32>
    %add3A_514 = arith.addi %broadcast_in_dim3A_513, %iota3A : vector<16xi32>
    %jit3A_515 = arith.constant 4 : i32
    %div3A_516 = vector.broadcast %jit3A_515 : i32 to vector<16xi32>
    %div3A_517 = arith.divsi %add3A_514, %div3A_516 : vector<16xi32>
    %sign3A_518 = arith.constant 0 : i32
    %sign3A_519 = vector.broadcast %sign3A_518 : i32 to vector<16xi32>
    %sign3A_520 = arith.cmpi sgt, %add3A_514, %sign3A_519 : vector<16xi32>
    %sign3A_521 = arith.extui %sign3A_520 : vector<16xi1> to vector<16xi32>
    %sign3A_522 = arith.constant 0 : i32
    %sign3A_523 = vector.broadcast %sign3A_522 : i32 to vector<16xi32>
    %sign3A_524 = arith.cmpi slt, %add3A_514, %sign3A_523 : vector<16xi32>
    %sign3A_525 = arith.extui %sign3A_524 : vector<16xi1> to vector<16xi32>
    %sign3A_526 = arith.subi %sign3A_521, %sign3A_525 : vector<16xi32>
    %sign3A_527 = arith.constant 0 : i32
    %sign3A_528 = arith.cmpi sgt, %jit3A_515, %sign3A_527 : i32
    %sign3A_529 = arith.extui %sign3A_528 : i1 to i32
    %sign3A_530 = arith.constant 0 : i32
    %sign3A_531 = arith.cmpi slt, %jit3A_515, %sign3A_530 : i32
    %sign3A_532 = arith.extui %sign3A_531 : i1 to i32
    %sign3A_533 = arith.subi %sign3A_529, %sign3A_532 : i32
    %ne3A_534 = vector.broadcast %sign3A_533 : i32 to vector<16xi32>
    %ne3A_535 = arith.cmpi ne, %sign3A_526, %ne3A_534 : vector<16xi32>
    %rem3A_536 = vector.broadcast %jit3A_515 : i32 to vector<16xi32>
    %rem3A_537 = arith.remsi %add3A_514, %rem3A_536 : vector<16xi32>
    %ne3A_538 = arith.constant 0 : i32
    %ne3A_539 = vector.broadcast %ne3A_538 : i32 to vector<16xi32>
    %ne3A_540 = arith.cmpi ne, %rem3A_537, %ne3A_539 : vector<16xi32>
    %and3A_541 = arith.andi %ne3A_535, %ne3A_540 : vector<16xi1>
    %sub3A_542 = arith.constant 1 : i32
    %sub3A_543 = vector.broadcast %sub3A_542 : i32 to vector<16xi32>
    %sub3A_544 = arith.subi %div3A_517, %sub3A_543 : vector<16xi32>
    %select_n3A_545 = arith.select %and3A_541, %sub3A_544, %div3A_517 : vector<16xi1>, vector<16xi32>
    %mul3A_546 = arith.constant 4 : i32
    %mul3A_547 = vector.broadcast %mul3A_546 : i32 to vector<16xi32>
    %mul3A_548 = arith.muli %select_n3A_545, %mul3A_547 : vector<16xi32>
    %sub3A_549 = arith.subi %add3A_514, %mul3A_548 : vector<16xi32>
    %gather3A_550 = tpu.vector_load_idx %arg13[%select_n3A_545] : memref<2048xi32, #tpu.memory_space<vmem>>[vector<16xi32>], vector<16xi32>,
    %mul3A_551 = arith.constant 4 : i32
    %mul3A_552 = vector.broadcast %mul3A_551 : i32 to vector<16xi32>
    %mul3A_553 = arith.muli %gather3A_550, %mul3A_552 : vector<16xi32>
    %add3A_554 = arith.addi %mul3A_553, %sub3A_549 : vector<16xi32>
    %gather3A_555 = tpu.vector_load_idx %arg10[%add3A_554] : memref<40000xf32, #tpu.memory_space<vmem>>[vector<16xi32>], vector<16xf32>,
    %swap3A_556 = arith.constant 176 : index
    %swap3A_557 = tpu.vector_load %arg15[%swap3A_556] {strides = array<i32>} : memref<256xf32, #tpu.memory_space<vmem>>, vector<16xf32>,
    tpu.vector_store %arg15[%swap3A_556], %gather3A_555 {strides = array<i32>} : memref<256xf32, #tpu.memory_space<vmem>>, vector<16xf32>,
    %add3A_558 = arith.constant 192 : i32
    %add3A_559 = arith.addi %mul3A_4, %add3A_558 : i32
    %broadcast_in_dim3A_560 = vector.broadcast %add3A_559 : i32 to vector<16xi32>
    %add3A_561 = arith.addi %broadcast_in_dim3A_560, %iota3A : vector<16xi32>
    %jit3A_562 = arith.constant 4 : i32
    %div3A_563 = vector.broadcast %jit3A_562 : i32 to vector<16xi32>
    %div3A_564 = arith.divsi %add3A_561, %div3A_563 : vector<16xi32>
    %sign3A_565 = arith.constant 0 : i32
    %sign3A_566 = vector.broadcast %sign3A_565 : i32 to vector<16xi32>
    %sign3A_567 = arith.cmpi sgt, %add3A_561, %sign3A_566 : vector<16xi32>
    %sign3A_568 = arith.extui %sign3A_567 : vector<16xi1> to vector<16xi32>
    %sign3A_569 = arith.constant 0 : i32
    %sign3A_570 = vector.broadcast %sign3A_569 : i32 to vector<16xi32>
    %sign3A_571 = arith.cmpi slt, %add3A_561, %sign3A_570 : vector<16xi32>
    %sign3A_572 = arith.extui %sign3A_571 : vector<16xi1> to vector<16xi32>
    %sign3A_573 = arith.subi %sign3A_568, %sign3A_572 : vector<16xi32>
    %sign3A_574 = arith.constant 0 : i32
    %sign3A_575 = arith.cmpi sgt, %jit3A_562, %sign3A_574 : i32
    %sign3A_576 = arith.extui %sign3A_575 : i1 to i32
    %sign3A_577 = arith.constant 0 : i32
    %sign3A_578 = arith.cmpi slt, %jit3A_562, %sign3A_577 : i32
    %sign3A_579 = arith.extui %sign3A_578 : i1 to i32
    %sign3A_580 = arith.subi %sign3A_576, %sign3A_579 : i32
    %ne3A_581 = vector.broadcast %sign3A_580 : i32 to vector<16xi32>
    %ne3A_582 = arith.cmpi ne, %sign3A_573, %ne3A_581 : vector<16xi32>
    %rem3A_583 = vector.broadcast %jit3A_562 : i32 to vector<16xi32>
    %rem3A_584 = arith.remsi %add3A_561, %rem3A_583 : vector<16xi32>
    %ne3A_585 = arith.constant 0 : i32
    %ne3A_586 = vector.broadcast %ne3A_585 : i32 to vector<16xi32>
    %ne3A_587 = arith.cmpi ne, %rem3A_584, %ne3A_586 : vector<16xi32>
    %and3A_588 = arith.andi %ne3A_582, %ne3A_587 : vector<16xi1>
    %sub3A_589 = arith.constant 1 : i32
    %sub3A_590 = vector.broadcast %sub3A_589 : i32 to vector<16xi32>
    %sub3A_591 = arith.subi %div3A_564, %sub3A_590 : vector<16xi32>
    %select_n3A_592 = arith.select %and3A_588, %sub3A_591, %div3A_564 : vector<16xi1>, vector<16xi32>
    %mul3A_593 = arith.constant 4 : i32
    %mul3A_594 = vector.broadcast %mul3A_593 : i32 to vector<16xi32>
    %mul3A_595 = arith.muli %select_n3A_592, %mul3A_594 : vector<16xi32>
    %sub3A_596 = arith.subi %add3A_561, %mul3A_595 : vector<16xi32>
    %gather3A_597 = tpu.vector_load_idx %arg13[%select_n3A_592] : memref<2048xi32, #tpu.memory_space<vmem>>[vector<16xi32>], vector<16xi32>,
    %mul3A_598 = arith.constant 4 : i32
    %mul3A_599 = vector.broadcast %mul3A_598 : i32 to vector<16xi32>
    %mul3A_600 = arith.muli %gather3A_597, %mul3A_599 : vector<16xi32>
    %add3A_601 = arith.addi %mul3A_600, %sub3A_596 : vector<16xi32>
    %gather3A_602 = tpu.vector_load_idx %arg10[%add3A_601] : memref<40000xf32, #tpu.memory_space<vmem>>[vector<16xi32>], vector<16xf32>,
    %swap3A_603 = arith.constant 192 : index
    %swap3A_604 = tpu.vector_load %arg15[%swap3A_603] {strides = array<i32>} : memref<256xf32, #tpu.memory_space<vmem>>, vector<16xf32>,
    tpu.vector_store %arg15[%swap3A_603], %gather3A_602 {strides = array<i32>} : memref<256xf32, #tpu.memory_space<vmem>>, vector<16xf32>,
    %add3A_605 = arith.constant 208 : i32
    %add3A_606 = arith.addi %mul3A_4, %add3A_605 : i32
    %broadcast_in_dim3A_607 = vector.broadcast %add3A_606 : i32 to vector<16xi32>
    %add3A_608 = arith.addi %broadcast_in_dim3A_607, %iota3A : vector<16xi32>
    %jit3A_609 = arith.constant 4 : i32
    %div3A_610 = vector.broadcast %jit3A_609 : i32 to vector<16xi32>
    %div3A_611 = arith.divsi %add3A_608, %div3A_610 : vector<16xi32>
    %sign3A_612 = arith.constant 0 : i32
    %sign3A_613 = vector.broadcast %sign3A_612 : i32 to vector<16xi32>
    %sign3A_614 = arith.cmpi sgt, %add3A_608, %sign3A_613 : vector<16xi32>
    %sign3A_615 = arith.extui %sign3A_614 : vector<16xi1> to vector<16xi32>
    %sign3A_616 = arith.constant 0 : i32
    %sign3A_617 = vector.broadcast %sign3A_616 : i32 to vector<16xi32>
    %sign3A_618 = arith.cmpi slt, %add3A_608, %sign3A_617 : vector<16xi32>
    %sign3A_619 = arith.extui %sign3A_618 : vector<16xi1> to vector<16xi32>
    %sign3A_620 = arith.subi %sign3A_615, %sign3A_619 : vector<16xi32>
    %sign3A_621 = arith.constant 0 : i32
    %sign3A_622 = arith.cmpi sgt, %jit3A_609, %sign3A_621 : i32
    %sign3A_623 = arith.extui %sign3A_622 : i1 to i32
    %sign3A_624 = arith.constant 0 : i32
    %sign3A_625 = arith.cmpi slt, %jit3A_609, %sign3A_624 : i32
    %sign3A_626 = arith.extui %sign3A_625 : i1 to i32
    %sign3A_627 = arith.subi %sign3A_623, %sign3A_626 : i32
    %ne3A_628 = vector.broadcast %sign3A_627 : i32 to vector<16xi32>
    %ne3A_629 = arith.cmpi ne, %sign3A_620, %ne3A_628 : vector<16xi32>
    %rem3A_630 = vector.broadcast %jit3A_609 : i32 to vector<16xi32>
    %rem3A_631 = arith.remsi %add3A_608, %rem3A_630 : vector<16xi32>
    %ne3A_632 = arith.constant 0 : i32
    %ne3A_633 = vector.broadcast %ne3A_632 : i32 to vector<16xi32>
    %ne3A_634 = arith.cmpi ne, %rem3A_631, %ne3A_633 : vector<16xi32>
    %and3A_635 = arith.andi %ne3A_629, %ne3A_634 : vector<16xi1>
    %sub3A_636 = arith.constant 1 : i32
    %sub3A_637 = vector.broadcast %sub3A_636 : i32 to vector<16xi32>
    %sub3A_638 = arith.subi %div3A_611, %sub3A_637 : vector<16xi32>
    %select_n3A_639 = arith.select %and3A_635, %sub3A_638, %div3A_611 : vector<16xi1>, vector<16xi32>
    %mul3A_640 = arith.constant 4 : i32
    %mul3A_641 = vector.broadcast %mul3A_640 : i32 to vector<16xi32>
    %mul3A_642 = arith.muli %select_n3A_639, %mul3A_641 : vector<16xi32>
    %sub3A_643 = arith.subi %add3A_608, %mul3A_642 : vector<16xi32>
    %gather3A_644 = tpu.vector_load_idx %arg13[%select_n3A_639] : memref<2048xi32, #tpu.memory_space<vmem>>[vector<16xi32>], vector<16xi32>,
    %mul3A_645 = arith.constant 4 : i32
    %mul3A_646 = vector.broadcast %mul3A_645 : i32 to vector<16xi32>
    %mul3A_647 = arith.muli %gather3A_644, %mul3A_646 : vector<16xi32>
    %add3A_648 = arith.addi %mul3A_647, %sub3A_643 : vector<16xi32>
    %gather3A_649 = tpu.vector_load_idx %arg10[%add3A_648] : memref<40000xf32, #tpu.memory_space<vmem>>[vector<16xi32>], vector<16xf32>,
    %swap3A_650 = arith.constant 208 : index
    %swap3A_651 = tpu.vector_load %arg15[%swap3A_650] {strides = array<i32>} : memref<256xf32, #tpu.memory_space<vmem>>, vector<16xf32>,
    tpu.vector_store %arg15[%swap3A_650], %gather3A_649 {strides = array<i32>} : memref<256xf32, #tpu.memory_space<vmem>>, vector<16xf32>,
    %add3A_652 = arith.constant 224 : i32
    %add3A_653 = arith.addi %mul3A_4, %add3A_652 : i32
    %broadcast_in_dim3A_654 = vector.broadcast %add3A_653 : i32 to vector<16xi32>
    %add3A_655 = arith.addi %broadcast_in_dim3A_654, %iota3A : vector<16xi32>
    %jit3A_656 = arith.constant 4 : i32
    %div3A_657 = vector.broadcast %jit3A_656 : i32 to vector<16xi32>
    %div3A_658 = arith.divsi %add3A_655, %div3A_657 : vector<16xi32>
    %sign3A_659 = arith.constant 0 : i32
    %sign3A_660 = vector.broadcast %sign3A_659 : i32 to vector<16xi32>
    %sign3A_661 = arith.cmpi sgt, %add3A_655, %sign3A_660 : vector<16xi32>
    %sign3A_662 = arith.extui %sign3A_661 : vector<16xi1> to vector<16xi32>
    %sign3A_663 = arith.constant 0 : i32
    %sign3A_664 = vector.broadcast %sign3A_663 : i32 to vector<16xi32>
    %sign3A_665 = arith.cmpi slt, %add3A_655, %sign3A_664 : vector<16xi32>
    %sign3A_666 = arith.extui %sign3A_665 : vector<16xi1> to vector<16xi32>
    %sign3A_667 = arith.subi %sign3A_662, %sign3A_666 : vector<16xi32>
    %sign3A_668 = arith.constant 0 : i32
    %sign3A_669 = arith.cmpi sgt, %jit3A_656, %sign3A_668 : i32
    %sign3A_670 = arith.extui %sign3A_669 : i1 to i32
    %sign3A_671 = arith.constant 0 : i32
    %sign3A_672 = arith.cmpi slt, %jit3A_656, %sign3A_671 : i32
    %sign3A_673 = arith.extui %sign3A_672 : i1 to i32
    %sign3A_674 = arith.subi %sign3A_670, %sign3A_673 : i32
    %ne3A_675 = vector.broadcast %sign3A_674 : i32 to vector<16xi32>
    %ne3A_676 = arith.cmpi ne, %sign3A_667, %ne3A_675 : vector<16xi32>
    %rem3A_677 = vector.broadcast %jit3A_656 : i32 to vector<16xi32>
    %rem3A_678 = arith.remsi %add3A_655, %rem3A_677 : vector<16xi32>
    %ne3A_679 = arith.constant 0 : i32
    %ne3A_680 = vector.broadcast %ne3A_679 : i32 to vector<16xi32>
    %ne3A_681 = arith.cmpi ne, %rem3A_678, %ne3A_680 : vector<16xi32>
    %and3A_682 = arith.andi %ne3A_676, %ne3A_681 : vector<16xi1>
    %sub3A_683 = arith.constant 1 : i32
    %sub3A_684 = vector.broadcast %sub3A_683 : i32 to vector<16xi32>
    %sub3A_685 = arith.subi %div3A_658, %sub3A_684 : vector<16xi32>
    %select_n3A_686 = arith.select %and3A_682, %sub3A_685, %div3A_658 : vector<16xi1>, vector<16xi32>
    %mul3A_687 = arith.constant 4 : i32
    %mul3A_688 = vector.broadcast %mul3A_687 : i32 to vector<16xi32>
    %mul3A_689 = arith.muli %select_n3A_686, %mul3A_688 : vector<16xi32>
    %sub3A_690 = arith.subi %add3A_655, %mul3A_689 : vector<16xi32>
    %gather3A_691 = tpu.vector_load_idx %arg13[%select_n3A_686] : memref<2048xi32, #tpu.memory_space<vmem>>[vector<16xi32>], vector<16xi32>,
    %mul3A_692 = arith.constant 4 : i32
    %mul3A_693 = vector.broadcast %mul3A_692 : i32 to vector<16xi32>
    %mul3A_694 = arith.muli %gather3A_691, %mul3A_693 : vector<16xi32>
    %add3A_695 = arith.addi %mul3A_694, %sub3A_690 : vector<16xi32>
    %gather3A_696 = tpu.vector_load_idx %arg10[%add3A_695] : memref<40000xf32, #tpu.memory_space<vmem>>[vector<16xi32>], vector<16xf32>,
    %swap3A_697 = arith.constant 224 : index
    %swap3A_698 = tpu.vector_load %arg15[%swap3A_697] {strides = array<i32>} : memref<256xf32, #tpu.memory_space<vmem>>, vector<16xf32>,
    tpu.vector_store %arg15[%swap3A_697], %gather3A_696 {strides = array<i32>} : memref<256xf32, #tpu.memory_space<vmem>>, vector<16xf32>,
    %add3A_699 = arith.constant 240 : i32
    %add3A_700 = arith.addi %mul3A_4, %add3A_699 : i32
    %broadcast_in_dim3A_701 = vector.broadcast %add3A_700 : i32 to vector<16xi32>
    %add3A_702 = arith.addi %broadcast_in_dim3A_701, %iota3A : vector<16xi32>
    %jit3A_703 = arith.constant 4 : i32
    %div3A_704 = vector.broadcast %jit3A_703 : i32 to vector<16xi32>
    %div3A_705 = arith.divsi %add3A_702, %div3A_704 : vector<16xi32>
    %sign3A_706 = arith.constant 0 : i32
    %sign3A_707 = vector.broadcast %sign3A_706 : i32 to vector<16xi32>
    %sign3A_708 = arith.cmpi sgt, %add3A_702, %sign3A_707 : vector<16xi32>
    %sign3A_709 = arith.extui %sign3A_708 : vector<16xi1> to vector<16xi32>
    %sign3A_710 = arith.constant 0 : i32
    %sign3A_711 = vector.broadcast %sign3A_710 : i32 to vector<16xi32>
    %sign3A_712 = arith.cmpi slt, %add3A_702, %sign3A_711 : vector<16xi32>
    %sign3A_713 = arith.extui %sign3A_712 : vector<16xi1> to vector<16xi32>
    %sign3A_714 = arith.subi %sign3A_709, %sign3A_713 : vector<16xi32>
    %sign3A_715 = arith.constant 0 : i32
    %sign3A_716 = arith.cmpi sgt, %jit3A_703, %sign3A_715 : i32
    %sign3A_717 = arith.extui %sign3A_716 : i1 to i32
    %sign3A_718 = arith.constant 0 : i32
    %sign3A_719 = arith.cmpi slt, %jit3A_703, %sign3A_718 : i32
    %sign3A_720 = arith.extui %sign3A_719 : i1 to i32
    %sign3A_721 = arith.subi %sign3A_717, %sign3A_720 : i32
    %ne3A_722 = vector.broadcast %sign3A_721 : i32 to vector<16xi32>
    %ne3A_723 = arith.cmpi ne, %sign3A_714, %ne3A_722 : vector<16xi32>
    %rem3A_724 = vector.broadcast %jit3A_703 : i32 to vector<16xi32>
    %rem3A_725 = arith.remsi %add3A_702, %rem3A_724 : vector<16xi32>
    %ne3A_726 = arith.constant 0 : i32
    %ne3A_727 = vector.broadcast %ne3A_726 : i32 to vector<16xi32>
    %ne3A_728 = arith.cmpi ne, %rem3A_725, %ne3A_727 : vector<16xi32>
    %and3A_729 = arith.andi %ne3A_723, %ne3A_728 : vector<16xi1>
    %sub3A_730 = arith.constant 1 : i32
    %sub3A_731 = vector.broadcast %sub3A_730 : i32 to vector<16xi32>
    %sub3A_732 = arith.subi %div3A_705, %sub3A_731 : vector<16xi32>
    %select_n3A_733 = arith.select %and3A_729, %sub3A_732, %div3A_705 : vector<16xi1>, vector<16xi32>
    %mul3A_734 = arith.constant 4 : i32
    %mul3A_735 = vector.broadcast %mul3A_734 : i32 to vector<16xi32>
    %mul3A_736 = arith.muli %select_n3A_733, %mul3A_735 : vector<16xi32>
    %sub3A_737 = arith.subi %add3A_702, %mul3A_736 : vector<16xi32>
    %gather3A_738 = tpu.vector_load_idx %arg13[%select_n3A_733] : memref<2048xi32, #tpu.memory_space<vmem>>[vector<16xi32>], vector<16xi32>,
    %mul3A_739 = arith.constant 4 : i32
    %mul3A_740 = vector.broadcast %mul3A_739 : i32 to vector<16xi32>
    %mul3A_741 = arith.muli %gather3A_738, %mul3A_740 : vector<16xi32>
    %add3A_742 = arith.addi %mul3A_741, %sub3A_737 : vector<16xi32>
    %gather3A_743 = tpu.vector_load_idx %arg10[%add3A_742] : memref<40000xf32, #tpu.memory_space<vmem>>[vector<16xi32>], vector<16xf32>,
    %swap3A_744 = arith.constant 240 : index
    %swap3A_745 = tpu.vector_load %arg15[%swap3A_744] {strides = array<i32>} : memref<256xf32, #tpu.memory_space<vmem>>, vector<16xf32>,
    tpu.vector_store %arg15[%swap3A_744], %gather3A_743 {strides = array<i32>} : memref<256xf32, #tpu.memory_space<vmem>>, vector<16xf32>,
    "tpu.region"() ({
      %run_scoped3A = tpu.sem_alloc : memref<!tpu.dma_semaphore, #tpu.memory_space<semaphore_mem>>
      %dma_start3A = tpu.memref_slice %arg7[%mul3A_4] : memref<8192xf32, #tpu.memory_space<hbm>> -> memref<256xf32, #tpu.memory_space<hbm>>
      %dma_start3A_787 = tpu.memref_slice %arg7[%mul3A_4] : memref<8192xf32, #tpu.memory_space<hbm>> -> memref<256xf32, #tpu.memory_space<hbm>>
      tpu.enqueue_dma source(%arg15 : memref<256xf32, #tpu.memory_space<vmem>>) target(%dma_start3A_787 : memref<256xf32, #tpu.memory_space<hbm>>) target_semaphore(%run_scoped3A : memref<!tpu.dma_semaphore, #tpu.memory_space<semaphore_mem>>)
      %dma_wait3A = tpu.memref_slice %arg7[%mul3A_4] : memref<8192xf32, #tpu.memory_space<hbm>> -> memref<256xf32, #tpu.memory_space<hbm>>
      %dma_wait3A_788 = tpu.memref_slice %arg7[%mul3A_4] : memref<8192xf32, #tpu.memory_space<hbm>> -> memref<256xf32, #tpu.memory_space<hbm>>
      tpu.wait_dma2 semaphore(%run_scoped3A : memref<!tpu.dma_semaphore, #tpu.memory_space<semaphore_mem>>) src(%arg15 : memref<256xf32, #tpu.memory_space<vmem>>) dst(%dma_wait3A_788 : memref<256xf32, #tpu.memory_space<hbm>>)
      tpu.yield
    }) : () -> ()
    %mul3A_746 = arith.constant 64 : i32
    %mul3A_747 = arith.muli %add3A, %mul3A_746 : i32
    %add3A_748 = arith.constant 0 : i32
    %add3A_749 = arith.addi %mul3A_747, %add3A_748 : i32
    %broadcast_in_dim3A_750 = vector.broadcast %add3A_749 : i32 to vector<16xi32>
    %add3A_751 = arith.addi %broadcast_in_dim3A_750, %iota3A : vector<16xi32>
    %gather3A_752 = tpu.vector_load_idx %arg13[%add3A_751] : memref<2048xi32, #tpu.memory_space<vmem>>[vector<16xi32>], vector<16xi32>,
    %gather3A_753 = tpu.vector_load_idx %arg11[%gather3A_752] : memref<10000xf32, #tpu.memory_space<vmem>>[vector<16xi32>], vector<16xf32>,
    %swap3A_754 = arith.constant 0 : index
    %swap3A_755 = tpu.vector_load %arg16[%swap3A_754] {strides = array<i32>} : memref<64xf32, #tpu.memory_space<vmem>>, vector<16xf32>,
    tpu.vector_store %arg16[%swap3A_754], %gather3A_753 {strides = array<i32>} : memref<64xf32, #tpu.memory_space<vmem>>, vector<16xf32>,
    %add3A_756 = arith.constant 16 : i32
    %add3A_757 = arith.addi %mul3A_747, %add3A_756 : i32
    %broadcast_in_dim3A_758 = vector.broadcast %add3A_757 : i32 to vector<16xi32>
    %add3A_759 = arith.addi %broadcast_in_dim3A_758, %iota3A : vector<16xi32>
    %gather3A_760 = tpu.vector_load_idx %arg13[%add3A_759] : memref<2048xi32, #tpu.memory_space<vmem>>[vector<16xi32>], vector<16xi32>,
    %gather3A_761 = tpu.vector_load_idx %arg11[%gather3A_760] : memref<10000xf32, #tpu.memory_space<vmem>>[vector<16xi32>], vector<16xf32>,
    %swap3A_762 = arith.constant 16 : index
    %swap3A_763 = tpu.vector_load %arg16[%swap3A_762] {strides = array<i32>} : memref<64xf32, #tpu.memory_space<vmem>>, vector<16xf32>,
    tpu.vector_store %arg16[%swap3A_762], %gather3A_761 {strides = array<i32>} : memref<64xf32, #tpu.memory_space<vmem>>, vector<16xf32>,
    %add3A_764 = arith.constant 32 : i32
    %add3A_765 = arith.addi %mul3A_747, %add3A_764 : i32
    %broadcast_in_dim3A_766 = vector.broadcast %add3A_765 : i32 to vector<16xi32>
    %add3A_767 = arith.addi %broadcast_in_dim3A_766, %iota3A : vector<16xi32>
    %gather3A_768 = tpu.vector_load_idx %arg13[%add3A_767] : memref<2048xi32, #tpu.memory_space<vmem>>[vector<16xi32>], vector<16xi32>,
    %gather3A_769 = tpu.vector_load_idx %arg11[%gather3A_768] : memref<10000xf32, #tpu.memory_space<vmem>>[vector<16xi32>], vector<16xf32>,
    %swap3A_770 = arith.constant 32 : index
    %swap3A_771 = tpu.vector_load %arg16[%swap3A_770] {strides = array<i32>} : memref<64xf32, #tpu.memory_space<vmem>>, vector<16xf32>,
    tpu.vector_store %arg16[%swap3A_770], %gather3A_769 {strides = array<i32>} : memref<64xf32, #tpu.memory_space<vmem>>, vector<16xf32>,
    %add3A_772 = arith.constant 48 : i32
    %add3A_773 = arith.addi %mul3A_747, %add3A_772 : i32
    %broadcast_in_dim3A_774 = vector.broadcast %add3A_773 : i32 to vector<16xi32>
    %add3A_775 = arith.addi %broadcast_in_dim3A_774, %iota3A : vector<16xi32>
    %gather3A_776 = tpu.vector_load_idx %arg13[%add3A_775] : memref<2048xi32, #tpu.memory_space<vmem>>[vector<16xi32>], vector<16xi32>,
    %gather3A_777 = tpu.vector_load_idx %arg11[%gather3A_776] : memref<10000xf32, #tpu.memory_space<vmem>>[vector<16xi32>], vector<16xf32>,
    %swap3A_778 = arith.constant 48 : index
    %swap3A_779 = tpu.vector_load %arg16[%swap3A_778] {strides = array<i32>} : memref<64xf32, #tpu.memory_space<vmem>>, vector<16xf32>,
    tpu.vector_store %arg16[%swap3A_778], %gather3A_777 {strides = array<i32>} : memref<64xf32, #tpu.memory_space<vmem>>, vector<16xf32>,
    "tpu.region"() ({
      %run_scoped3A = tpu.sem_alloc : memref<!tpu.dma_semaphore, #tpu.memory_space<semaphore_mem>>
      %dma_start3A = tpu.memref_slice %arg8[%mul3A_747] : memref<2048xf32, #tpu.memory_space<hbm>> -> memref<64xf32, #tpu.memory_space<hbm>>
      %dma_start3A_787 = tpu.memref_slice %arg8[%mul3A_747] : memref<2048xf32, #tpu.memory_space<hbm>> -> memref<64xf32, #tpu.memory_space<hbm>>
      tpu.enqueue_dma source(%arg16 : memref<64xf32, #tpu.memory_space<vmem>>) target(%dma_start3A_787 : memref<64xf32, #tpu.memory_space<hbm>>) target_semaphore(%run_scoped3A : memref<!tpu.dma_semaphore, #tpu.memory_space<semaphore_mem>>)
      %dma_wait3A = tpu.memref_slice %arg8[%mul3A_747] : memref<2048xf32, #tpu.memory_space<hbm>> -> memref<64xf32, #tpu.memory_space<hbm>>
      %dma_wait3A_788 = tpu.memref_slice %arg8[%mul3A_747] : memref<2048xf32, #tpu.memory_space<hbm>> -> memref<64xf32, #tpu.memory_space<hbm>>
      tpu.wait_dma2 semaphore(%run_scoped3A : memref<!tpu.dma_semaphore, #tpu.memory_space<semaphore_mem>>) src(%arg16 : memref<64xf32, #tpu.memory_space<vmem>>) dst(%dma_wait3A_788 : memref<64xf32, #tpu.memory_space<hbm>>)
      tpu.yield
    }) : () -> ()
    %scan3A = arith.constant 0 : i32
    %scan3A_780 = arith.constant 0 : i32
    %scan3A_781 = arith.constant 196 : i32
    %scan3A_782 = arith.addi %scan3A_780, %scan3A_781 : i32
    %scan3A_783 = arith.constant 1 : i32
    scf.for %scan3A_787 = %scan3A_780 to %scan3A_782 step %scan3A_783  : i32 {
      %mul3A_788 = arith.constant 16 : i32
      %mul3A_789 = arith.muli %scan3A_787, %mul3A_788 : i32
      %get3A = arith.index_cast %mul3A_789 : i32 to index
      %get3A_790 = tpu.vector_load %arg14[%get3A] {strides = array<i32>} : memref<3136xi32, #tpu.memory_space<vmem>>, vector<16xi32>,
      %gather3A_791 = tpu.vector_load_idx %arg12[%get3A_790] : memref<10000xf32, #tpu.memory_space<vmem>>[vector<16xi32>], vector<16xf32>,
      %mul3A_792 = arith.constant 16 : i32
      %mul3A_793 = arith.muli %scan3A_787, %mul3A_792 : i32
      %swap3A_794 = arith.index_cast %mul3A_793 : i32 to index
      %swap3A_795 = tpu.vector_load %arg17[%swap3A_794] {strides = array<i32>} : memref<3136xf32, #tpu.memory_space<vmem>>, vector<16xf32>,
      tpu.vector_store %arg17[%swap3A_794], %gather3A_791 {strides = array<i32>} : memref<3136xf32, #tpu.memory_space<vmem>>, vector<16xf32>,
    }
    %scan3A_784 = arith.constant 196 : i32
    %mul3A_785 = arith.constant 3136 : i32
    %mul3A_786 = arith.muli %add3A, %mul3A_785 : i32
    "tpu.region"() ({
      %run_scoped3A = tpu.sem_alloc : memref<!tpu.dma_semaphore, #tpu.memory_space<semaphore_mem>>
      %dma_start3A = tpu.memref_slice %arg9[%mul3A_786] : memref<100352xf32, #tpu.memory_space<hbm>> -> memref<3136xf32, #tpu.memory_space<hbm>>
      %dma_start3A_787 = tpu.memref_slice %arg9[%mul3A_786] : memref<100352xf32, #tpu.memory_space<hbm>> -> memref<3136xf32, #tpu.memory_space<hbm>>
      tpu.enqueue_dma source(%arg17 : memref<3136xf32, #tpu.memory_space<vmem>>) target(%dma_start3A_787 : memref<3136xf32, #tpu.memory_space<hbm>>) target_semaphore(%run_scoped3A : memref<!tpu.dma_semaphore, #tpu.memory_space<semaphore_mem>>)
      %dma_wait3A = tpu.memref_slice %arg9[%mul3A_786] : memref<100352xf32, #tpu.memory_space<hbm>> -> memref<3136xf32, #tpu.memory_space<hbm>>
      %dma_wait3A_788 = tpu.memref_slice %arg9[%mul3A_786] : memref<100352xf32, #tpu.memory_space<hbm>> -> memref<3136xf32, #tpu.memory_space<hbm>>
      tpu.wait_dma2 semaphore(%run_scoped3A : memref<!tpu.dma_semaphore, #tpu.memory_space<semaphore_mem>>) src(%arg17 : memref<3136xf32, #tpu.memory_space<vmem>>) dst(%dma_wait3A_788 : memref<3136xf32, #tpu.memory_space<hbm>>)
      tpu.yield
    }) : () -> ()
    return
  }
}

module attributes {stable_mosaic.version = 14 : i64} {
  func.func @_msg_body(%arg0: i32, %arg1: memref<1000x128xf32, #tpu.memory_space<vmem>>, %arg2: memref<128x128xf32, #tpu.memory_space<vmem>>, %arg3: memref<1x128xf32, #tpu.memory_space<vmem>>, %arg4: memref<1000x128xf32, #tpu.memory_space<vmem>>) attributes {dimension_semantics = [#tpu.dimension_semantics<arbitrary>], iteration_bounds = array<i64: 10>, scalar_prefetch = 0 : i64, scratch_operands = 0 : i64, tpu.core_type = #tpu.core_type<tc>, window_params = [{transform_indices = @transform_0, window_bounds = array<i64: 1000, 128>}, {pipeline_mode = #tpu.pipeline_mode<synchronous>, transform_indices = @transform_1, window_bounds = array<i64: 128, 128>}, {pipeline_mode = #tpu.pipeline_mode<synchronous>, transform_indices = @transform_2, window_bounds = array<i64: 1, 128>}, {transform_indices = @transform_3, window_bounds = array<i64: 1000, 128>}]} {
    %get3A = arith.constant 0 : index
    %get3A_0 = arith.constant 0 : index
    %get3A_1 = vector.load %arg1[%get3A, %get3A_0] : memref<1000x128xf32, #tpu.memory_space<vmem>>, vector<1000x128xf32>
    %get3A_2 = arith.constant 0 : index
    %get3A_3 = arith.constant 0 : index
    %get3A_4 = vector.load %arg2[%get3A_2, %get3A_3] : memref<128x128xf32, #tpu.memory_space<vmem>>, vector<128x128xf32>
    %dot_general3A = arith.constant dense<0.000000e+00> : vector<1000x128xf32>
    %dot_general3A_5 = tpu.matmul %get3A_1, %get3A_4, %dot_general3A {dimension_numbers = #tpu.dot_dimension_numbers<[1], [0], [0], [1], [0, 0, 1, 1], [], []>, transpose_lhs_hint = false} : vector<1000x128xf32>, vector<128x128xf32>, vector<1000x128xf32> -> vector<1000x128xf32>
    %get3A_6 = arith.constant 0 : index
    %get3A_7 = arith.constant 0 : index
    %get3A_8 = vector.load %arg3[%get3A_6, %get3A_7] : memref<1x128xf32, #tpu.memory_space<vmem>>, vector<1x128xf32>
    %add3A = vector.broadcast %get3A_8 : vector<1x128xf32> to vector<1000x128xf32>
    %add3A_9 = arith.addf %dot_general3A_5, %add3A : vector<1000x128xf32>
    %tanh3A = math.tanh %add3A_9 : vector<1000x128xf32>
    %max3A = arith.constant 0.000000e+00 : f32
    %max3A_10 = vector.broadcast %max3A : f32 to vector<1000x128xf32>
    %max3A_11 = arith.maximumf %tanh3A, %max3A_10 : vector<1000x128xf32>
    %swap3A = arith.constant 0 : index
    %swap3A_12 = arith.constant 0 : index
    %swap3A_13 = vector.load %arg4[%swap3A, %swap3A_12] : memref<1000x128xf32, #tpu.memory_space<vmem>>, vector<1000x128xf32>
    tpu.vector_store %arg4[%swap3A, %swap3A_12], %max3A_11 {strides = array<i32>} : memref<1000x128xf32, #tpu.memory_space<vmem>>, vector<1000x128xf32>,
    return
  }
  func.func @transform_0(%arg0: i32) -> (i32, i32) {
    %c0_i32 = arith.constant 0 : i32
    %c0_i32_0 = arith.constant 0 : i32
    return %arg0, %c0_i32 : i32, i32
  }
  func.func @transform_1(%arg0: i32) -> (i32, i32) {
    %c0_i32 = arith.constant 0 : i32
    %c0_i32_0 = arith.constant 0 : i32
    %c0_i32_1 = arith.constant 0 : i32
    return %c0_i32, %c0_i32_0 : i32, i32
  }
  func.func @transform_2(%arg0: i32) -> (i32, i32) {
    %c0_i32 = arith.constant 0 : i32
    %c0_i32_0 = arith.constant 0 : i32
    %c0_i32_1 = arith.constant 0 : i32
    return %c0_i32, %c0_i32_0 : i32, i32
  }
  func.func @transform_3(%arg0: i32) -> (i32, i32) {
    %c0_i32 = arith.constant 0 : i32
    %c0_i32_0 = arith.constant 0 : i32
    return %arg0, %c0_i32 : i32, i32
  }
}

module attributes {stable_mosaic.version = 14 : i64} {
  func.func @_upd_body(%arg0: i32, %arg1: memref<1000x128xf32, #tpu.memory_space<vmem>>, %arg2: memref<1000x128xf32, #tpu.memory_space<vmem>>, %arg3: memref<1000x128xf32, #tpu.memory_space<vmem>>, %arg4: memref<256x128xf32, #tpu.memory_space<vmem>>, %arg5: memref<1x128xf32, #tpu.memory_space<vmem>>, %arg6: memref<128x128xf32, #tpu.memory_space<vmem>>, %arg7: memref<1x128xf32, #tpu.memory_space<vmem>>, %arg8: memref<1x128xf32, #tpu.memory_space<vmem>>, %arg9: memref<1x128xf32, #tpu.memory_space<vmem>>, %arg10: memref<128x128xf32, #tpu.memory_space<vmem>>, %arg11: memref<1x128xf32, #tpu.memory_space<vmem>>, %arg12: memref<1000x128xf32, #tpu.memory_space<vmem>>, %arg13: memref<1000x128xf32, #tpu.memory_space<vmem>>) attributes {dimension_semantics = [#tpu.dimension_semantics<arbitrary>], iteration_bounds = array<i64: 10>, scalar_prefetch = 0 : i64, scratch_operands = 0 : i64, tpu.core_type = #tpu.core_type<tc>, window_params = [{transform_indices = @transform_0, window_bounds = array<i64: 1000, 128>}, {transform_indices = @transform_1, window_bounds = array<i64: 1000, 128>}, {transform_indices = @transform_2, window_bounds = array<i64: 1000, 128>}, {pipeline_mode = #tpu.pipeline_mode<synchronous>, transform_indices = @transform_3, window_bounds = array<i64: 256, 128>}, {pipeline_mode = #tpu.pipeline_mode<synchronous>, transform_indices = @transform_4, window_bounds = array<i64: 1, 128>}, {pipeline_mode = #tpu.pipeline_mode<synchronous>, transform_indices = @transform_5, window_bounds = array<i64: 128, 128>}, {pipeline_mode = #tpu.pipeline_mode<synchronous>, transform_indices = @transform_6, window_bounds = array<i64: 1, 128>}, {pipeline_mode = #tpu.pipeline_mode<synchronous>, transform_indices = @transform_7, window_bounds = array<i64: 1, 128>}, {pipeline_mode = #tpu.pipeline_mode<synchronous>, transform_indices = @transform_8, window_bounds = array<i64: 1, 128>}, {pipeline_mode = #tpu.pipeline_mode<synchronous>, transform_indices = @transform_9, window_bounds = array<i64: 128, 128>}, {pipeline_mode = #tpu.pipeline_mode<synchronous>, transform_indices = @transform_10, window_bounds = array<i64: 1, 128>}, {transform_indices = @transform_11, window_bounds = array<i64: 1000, 128>}, {transform_indices = @transform_12, window_bounds = array<i64: 1000, 128>}]} {
    %get3A = arith.constant 0 : index
    %get3A_0 = arith.constant 0 : index
    %get3A_1 = vector.load %arg1[%get3A, %get3A_0] : memref<1000x128xf32, #tpu.memory_space<vmem>>, vector<1000x128xf32>
    %get3A_2 = arith.constant 0 : index
    %get3A_3 = arith.constant 0 : index
    %get3A_4 = vector.load %arg2[%get3A_2, %get3A_3] : memref<1000x128xf32, #tpu.memory_space<vmem>>, vector<1000x128xf32>
    %get3A_5 = arith.constant 0 : index
    %get3A_6 = arith.constant 0 : index
    %get3A_7 = vector.load %arg3[%get3A_5, %get3A_6] : memref<1000x128xf32, #tpu.memory_space<vmem>>, vector<1000x128xf32>
    %add3A = arith.addf %get3A_4, %get3A_7 : vector<1000x128xf32>
    %concatenate3A = tpu.concatenate %get3A_1, %add3A in 1 : vector<1000x128xf32>, vector<1000x128xf32> -> vector<1000x256xf32>
    %get3A_8 = arith.constant 0 : index
    %get3A_9 = arith.constant 0 : index
    %get3A_10 = vector.load %arg4[%get3A_8, %get3A_9] : memref<256x128xf32, #tpu.memory_space<vmem>>, vector<256x128xf32>
    %dot_general3A = arith.constant dense<0.000000e+00> : vector<1000x128xf32>
    %dot_general3A_11 = tpu.matmul %concatenate3A, %get3A_10, %dot_general3A {dimension_numbers = #tpu.dot_dimension_numbers<[1], [0], [0], [1], [0, 0, 1, 1], [], []>, transpose_lhs_hint = false} : vector<1000x256xf32>, vector<256x128xf32>, vector<1000x128xf32> -> vector<1000x128xf32>
    %get3A_12 = arith.constant 0 : index
    %get3A_13 = arith.constant 0 : index
    %get3A_14 = vector.load %arg5[%get3A_12, %get3A_13] : memref<1x128xf32, #tpu.memory_space<vmem>>, vector<1x128xf32>
    %add3A_15 = vector.broadcast %get3A_14 : vector<1x128xf32> to vector<1000x128xf32>
    %add3A_16 = arith.addf %dot_general3A_11, %add3A_15 : vector<1000x128xf32>
    %tanh3A = math.tanh %add3A_16 : vector<1000x128xf32>
    %get3A_17 = arith.constant 0 : index
    %get3A_18 = arith.constant 0 : index
    %get3A_19 = vector.load %arg6[%get3A_17, %get3A_18] : memref<128x128xf32, #tpu.memory_space<vmem>>, vector<128x128xf32>
    %dot_general3A_20 = arith.constant dense<0.000000e+00> : vector<1000x128xf32>
    %dot_general3A_21 = tpu.matmul %tanh3A, %get3A_19, %dot_general3A_20 {dimension_numbers = #tpu.dot_dimension_numbers<[1], [0], [0], [1], [0, 0, 1, 1], [], []>, transpose_lhs_hint = false} : vector<1000x128xf32>, vector<128x128xf32>, vector<1000x128xf32> -> vector<1000x128xf32>
    %get3A_22 = arith.constant 0 : index
    %get3A_23 = arith.constant 0 : index
    %get3A_24 = vector.load %arg7[%get3A_22, %get3A_23] : memref<1x128xf32, #tpu.memory_space<vmem>>, vector<1x128xf32>
    %add3A_25 = vector.broadcast %get3A_24 : vector<1x128xf32> to vector<1000x128xf32>
    %add3A_26 = arith.addf %dot_general3A_21, %add3A_25 : vector<1000x128xf32>
    %reduce_sum3A = arith.constant dense<0.000000e+00> : vector<1000xf32>
    %reduce_sum3A_27 = vector.multi_reduction <add>, %add3A_26, %reduce_sum3A [1] : vector<1000x128xf32> to vector<1000xf32>
    %broadcast_in_dim3A = vector.shape_cast %reduce_sum3A_27 : vector<1000xf32> to vector<1000x1xf32>
    %div3A = arith.constant 1.280000e+02 : f32
    %div3A_28 = vector.broadcast %div3A : f32 to vector<1000x1xf32>
    %div3A_29 = arith.divf %broadcast_in_dim3A, %div3A_28 : vector<1000x1xf32>
    %sub3A = vector.broadcast %div3A_29 : vector<1000x1xf32> to vector<1000x128xf32>
    %sub3A_30 = arith.subf %add3A_26, %sub3A : vector<1000x128xf32>
    %mul3A = arith.mulf %sub3A_30, %sub3A_30 : vector<1000x128xf32>
    %reduce_sum3A_31 = arith.constant dense<0.000000e+00> : vector<1000xf32>
    %reduce_sum3A_32 = vector.multi_reduction <add>, %mul3A, %reduce_sum3A_31 [1] : vector<1000x128xf32> to vector<1000xf32>
    %broadcast_in_dim3A_33 = vector.shape_cast %reduce_sum3A_32 : vector<1000xf32> to vector<1000x1xf32>
    %div3A_34 = arith.constant 1.280000e+02 : f32
    %div3A_35 = vector.broadcast %div3A_34 : f32 to vector<1000x1xf32>
    %div3A_36 = arith.divf %broadcast_in_dim3A_33, %div3A_35 : vector<1000x1xf32>
    %get3A_37 = arith.constant 0 : index
    %get3A_38 = arith.constant 0 : index
    %get3A_39 = vector.load %arg8[%get3A_37, %get3A_38] : memref<1x128xf32, #tpu.memory_space<vmem>>, vector<1x128xf32>
    %mul3A_40 = vector.broadcast %get3A_39 : vector<1x128xf32> to vector<1000x128xf32>
    %mul3A_41 = arith.mulf %mul3A_40, %sub3A_30 : vector<1000x128xf32>
    %add3A_42 = arith.constant 9.99999974E-6 : f32
    %add3A_43 = vector.broadcast %add3A_42 : f32 to vector<1000x1xf32>
    %add3A_44 = arith.addf %div3A_36, %add3A_43 : vector<1000x1xf32>
    %sqrt3A = math.sqrt %add3A_44 : vector<1000x1xf32>
    %div3A_45 = vector.broadcast %sqrt3A : vector<1000x1xf32> to vector<1000x128xf32>
    %div3A_46 = arith.divf %mul3A_41, %div3A_45 : vector<1000x128xf32>
    %get3A_47 = arith.constant 0 : index
    %get3A_48 = arith.constant 0 : index
    %get3A_49 = vector.load %arg9[%get3A_47, %get3A_48] : memref<1x128xf32, #tpu.memory_space<vmem>>, vector<1x128xf32>
    %add3A_50 = vector.broadcast %get3A_49 : vector<1x128xf32> to vector<1000x128xf32>
    %add3A_51 = arith.addf %div3A_46, %add3A_50 : vector<1000x128xf32>
    %swap3A = arith.constant 0 : index
    %swap3A_52 = arith.constant 0 : index
    %swap3A_53 = vector.load %arg12[%swap3A, %swap3A_52] : memref<1000x128xf32, #tpu.memory_space<vmem>>, vector<1000x128xf32>
    tpu.vector_store %arg12[%swap3A, %swap3A_52], %add3A_51 {strides = array<i32>} : memref<1000x128xf32, #tpu.memory_space<vmem>>, vector<1000x128xf32>,
    %get3A_54 = arith.constant 0 : index
    %get3A_55 = arith.constant 0 : index
    %get3A_56 = vector.load %arg10[%get3A_54, %get3A_55] : memref<128x128xf32, #tpu.memory_space<vmem>>, vector<128x128xf32>
    %dot_general3A_57 = arith.constant dense<0.000000e+00> : vector<1000x128xf32>
    %dot_general3A_58 = tpu.matmul %add3A_51, %get3A_56, %dot_general3A_57 {dimension_numbers = #tpu.dot_dimension_numbers<[1], [0], [0], [1], [0, 0, 1, 1], [], []>, transpose_lhs_hint = false} : vector<1000x128xf32>, vector<128x128xf32>, vector<1000x128xf32> -> vector<1000x128xf32>
    %get3A_59 = arith.constant 0 : index
    %get3A_60 = arith.constant 0 : index
    %get3A_61 = vector.load %arg11[%get3A_59, %get3A_60] : memref<1x128xf32, #tpu.memory_space<vmem>>, vector<1x128xf32>
    %add3A_62 = vector.broadcast %get3A_61 : vector<1x128xf32> to vector<1000x128xf32>
    %add3A_63 = arith.addf %dot_general3A_58, %add3A_62 : vector<1000x128xf32>
    %tanh3A_64 = math.tanh %add3A_63 : vector<1000x128xf32>
    %max3A = arith.constant 0.000000e+00 : f32
    %max3A_65 = vector.broadcast %max3A : f32 to vector<1000x128xf32>
    %max3A_66 = arith.maximumf %tanh3A_64, %max3A_65 : vector<1000x128xf32>
    %swap3A_67 = arith.constant 0 : index
    %swap3A_68 = arith.constant 0 : index
    %swap3A_69 = vector.load %arg13[%swap3A_67, %swap3A_68] : memref<1000x128xf32, #tpu.memory_space<vmem>>, vector<1000x128xf32>
    tpu.vector_store %arg13[%swap3A_67, %swap3A_68], %max3A_66 {strides = array<i32>} : memref<1000x128xf32, #tpu.memory_space<vmem>>, vector<1000x128xf32>,
    return
  }
  func.func @transform_0(%arg0: i32) -> (i32, i32) {
    %c0_i32 = arith.constant 0 : i32
    %c0_i32_0 = arith.constant 0 : i32
    return %arg0, %c0_i32 : i32, i32
  }
  func.func @transform_1(%arg0: i32) -> (i32, i32) {
    %c0_i32 = arith.constant 0 : i32
    %c0_i32_0 = arith.constant 0 : i32
    return %arg0, %c0_i32 : i32, i32
  }
  func.func @transform_2(%arg0: i32) -> (i32, i32) {
    %c0_i32 = arith.constant 0 : i32
    %c0_i32_0 = arith.constant 0 : i32
    return %arg0, %c0_i32 : i32, i32
  }
  func.func @transform_3(%arg0: i32) -> (i32, i32) {
    %c0_i32 = arith.constant 0 : i32
    %c0_i32_0 = arith.constant 0 : i32
    %c0_i32_1 = arith.constant 0 : i32
    return %c0_i32, %c0_i32_0 : i32, i32
  }
  func.func @transform_4(%arg0: i32) -> (i32, i32) {
    %c0_i32 = arith.constant 0 : i32
    %c0_i32_0 = arith.constant 0 : i32
    %c0_i32_1 = arith.constant 0 : i32
    return %c0_i32, %c0_i32_0 : i32, i32
  }
  func.func @transform_5(%arg0: i32) -> (i32, i32) {
    %c0_i32 = arith.constant 0 : i32
    %c0_i32_0 = arith.constant 0 : i32
    %c0_i32_1 = arith.constant 0 : i32
    return %c0_i32, %c0_i32_0 : i32, i32
  }
  func.func @transform_6(%arg0: i32) -> (i32, i32) {
    %c0_i32 = arith.constant 0 : i32
    %c0_i32_0 = arith.constant 0 : i32
    %c0_i32_1 = arith.constant 0 : i32
    return %c0_i32, %c0_i32_0 : i32, i32
  }
  func.func @transform_7(%arg0: i32) -> (i32, i32) {
    %c0_i32 = arith.constant 0 : i32
    %c0_i32_0 = arith.constant 0 : i32
    %c0_i32_1 = arith.constant 0 : i32
    return %c0_i32, %c0_i32_0 : i32, i32
  }
  func.func @transform_8(%arg0: i32) -> (i32, i32) {
    %c0_i32 = arith.constant 0 : i32
    %c0_i32_0 = arith.constant 0 : i32
    %c0_i32_1 = arith.constant 0 : i32
    return %c0_i32, %c0_i32_0 : i32, i32
  }
  func.func @transform_9(%arg0: i32) -> (i32, i32) {
    %c0_i32 = arith.constant 0 : i32
    %c0_i32_0 = arith.constant 0 : i32
    %c0_i32_1 = arith.constant 0 : i32
    return %c0_i32, %c0_i32_0 : i32, i32
  }
  func.func @transform_10(%arg0: i32) -> (i32, i32) {
    %c0_i32 = arith.constant 0 : i32
    %c0_i32_0 = arith.constant 0 : i32
    %c0_i32_1 = arith.constant 0 : i32
    return %c0_i32, %c0_i32_0 : i32, i32
  }
  func.func @transform_11(%arg0: i32) -> (i32, i32) {
    %c0_i32 = arith.constant 0 : i32
    %c0_i32_0 = arith.constant 0 : i32
    return %arg0, %c0_i32 : i32, i32
  }
  func.func @transform_12(%arg0: i32) -> (i32, i32) {
    %c0_i32 = arith.constant 0 : i32
    %c0_i32_0 = arith.constant 0 : i32
    return %arg0, %c0_i32 : i32, i32
  }
}

module attributes {stable_mosaic.version = 14 : i64} {
  func.func @_upd_body(%arg0: i32, %arg1: memref<1000x128xf32, #tpu.memory_space<vmem>>, %arg2: memref<1000x128xf32, #tpu.memory_space<vmem>>, %arg3: memref<1000x128xf32, #tpu.memory_space<vmem>>, %arg4: memref<256x128xf32, #tpu.memory_space<vmem>>, %arg5: memref<1x128xf32, #tpu.memory_space<vmem>>, %arg6: memref<128x128xf32, #tpu.memory_space<vmem>>, %arg7: memref<1x128xf32, #tpu.memory_space<vmem>>, %arg8: memref<1x128xf32, #tpu.memory_space<vmem>>, %arg9: memref<1x128xf32, #tpu.memory_space<vmem>>, %arg10: memref<1000x128xf32, #tpu.memory_space<vmem>>, %arg11: memref<1x1x128xf32, #tpu.memory_space<vmem>>) attributes {dimension_semantics = [#tpu.dimension_semantics<arbitrary>], iteration_bounds = array<i64: 10>, scalar_prefetch = 0 : i64, scratch_operands = 0 : i64, tpu.core_type = #tpu.core_type<tc>, window_params = [{transform_indices = @transform_0, window_bounds = array<i64: 1000, 128>}, {transform_indices = @transform_1, window_bounds = array<i64: 1000, 128>}, {transform_indices = @transform_2, window_bounds = array<i64: 1000, 128>}, {pipeline_mode = #tpu.pipeline_mode<synchronous>, transform_indices = @transform_3, window_bounds = array<i64: 256, 128>}, {pipeline_mode = #tpu.pipeline_mode<synchronous>, transform_indices = @transform_4, window_bounds = array<i64: 1, 128>}, {pipeline_mode = #tpu.pipeline_mode<synchronous>, transform_indices = @transform_5, window_bounds = array<i64: 128, 128>}, {pipeline_mode = #tpu.pipeline_mode<synchronous>, transform_indices = @transform_6, window_bounds = array<i64: 1, 128>}, {pipeline_mode = #tpu.pipeline_mode<synchronous>, transform_indices = @transform_7, window_bounds = array<i64: 1, 128>}, {pipeline_mode = #tpu.pipeline_mode<synchronous>, transform_indices = @transform_8, window_bounds = array<i64: 1, 128>}, {transform_indices = @transform_9, window_bounds = array<i64: 1000, 128>}, {transform_indices = @transform_10, window_bounds = array<i64: 1, 1, 128>}]} {
    %get3A = arith.constant 0 : index
    %get3A_0 = arith.constant 0 : index
    %get3A_1 = vector.load %arg1[%get3A, %get3A_0] : memref<1000x128xf32, #tpu.memory_space<vmem>>, vector<1000x128xf32>
    %get3A_2 = arith.constant 0 : index
    %get3A_3 = arith.constant 0 : index
    %get3A_4 = vector.load %arg2[%get3A_2, %get3A_3] : memref<1000x128xf32, #tpu.memory_space<vmem>>, vector<1000x128xf32>
    %get3A_5 = arith.constant 0 : index
    %get3A_6 = arith.constant 0 : index
    %get3A_7 = vector.load %arg3[%get3A_5, %get3A_6] : memref<1000x128xf32, #tpu.memory_space<vmem>>, vector<1000x128xf32>
    %add3A = arith.addf %get3A_4, %get3A_7 : vector<1000x128xf32>
    %concatenate3A = tpu.concatenate %get3A_1, %add3A in 1 : vector<1000x128xf32>, vector<1000x128xf32> -> vector<1000x256xf32>
    %get3A_8 = arith.constant 0 : index
    %get3A_9 = arith.constant 0 : index
    %get3A_10 = vector.load %arg4[%get3A_8, %get3A_9] : memref<256x128xf32, #tpu.memory_space<vmem>>, vector<256x128xf32>
    %dot_general3A = arith.constant dense<0.000000e+00> : vector<1000x128xf32>
    %dot_general3A_11 = tpu.matmul %concatenate3A, %get3A_10, %dot_general3A {dimension_numbers = #tpu.dot_dimension_numbers<[1], [0], [0], [1], [0, 0, 1, 1], [], []>, transpose_lhs_hint = false} : vector<1000x256xf32>, vector<256x128xf32>, vector<1000x128xf32> -> vector<1000x128xf32>
    %get3A_12 = arith.constant 0 : index
    %get3A_13 = arith.constant 0 : index
    %get3A_14 = vector.load %arg5[%get3A_12, %get3A_13] : memref<1x128xf32, #tpu.memory_space<vmem>>, vector<1x128xf32>
    %add3A_15 = vector.broadcast %get3A_14 : vector<1x128xf32> to vector<1000x128xf32>
    %add3A_16 = arith.addf %dot_general3A_11, %add3A_15 : vector<1000x128xf32>
    %tanh3A = math.tanh %add3A_16 : vector<1000x128xf32>
    %get3A_17 = arith.constant 0 : index
    %get3A_18 = arith.constant 0 : index
    %get3A_19 = vector.load %arg6[%get3A_17, %get3A_18] : memref<128x128xf32, #tpu.memory_space<vmem>>, vector<128x128xf32>
    %dot_general3A_20 = arith.constant dense<0.000000e+00> : vector<1000x128xf32>
    %dot_general3A_21 = tpu.matmul %tanh3A, %get3A_19, %dot_general3A_20 {dimension_numbers = #tpu.dot_dimension_numbers<[1], [0], [0], [1], [0, 0, 1, 1], [], []>, transpose_lhs_hint = false} : vector<1000x128xf32>, vector<128x128xf32>, vector<1000x128xf32> -> vector<1000x128xf32>
    %get3A_22 = arith.constant 0 : index
    %get3A_23 = arith.constant 0 : index
    %get3A_24 = vector.load %arg7[%get3A_22, %get3A_23] : memref<1x128xf32, #tpu.memory_space<vmem>>, vector<1x128xf32>
    %add3A_25 = vector.broadcast %get3A_24 : vector<1x128xf32> to vector<1000x128xf32>
    %add3A_26 = arith.addf %dot_general3A_21, %add3A_25 : vector<1000x128xf32>
    %reduce_sum3A = arith.constant dense<0.000000e+00> : vector<1000xf32>
    %reduce_sum3A_27 = vector.multi_reduction <add>, %add3A_26, %reduce_sum3A [1] : vector<1000x128xf32> to vector<1000xf32>
    %broadcast_in_dim3A = vector.shape_cast %reduce_sum3A_27 : vector<1000xf32> to vector<1000x1xf32>
    %div3A = arith.constant 1.280000e+02 : f32
    %div3A_28 = vector.broadcast %div3A : f32 to vector<1000x1xf32>
    %div3A_29 = arith.divf %broadcast_in_dim3A, %div3A_28 : vector<1000x1xf32>
    %sub3A = vector.broadcast %div3A_29 : vector<1000x1xf32> to vector<1000x128xf32>
    %sub3A_30 = arith.subf %add3A_26, %sub3A : vector<1000x128xf32>
    %mul3A = arith.mulf %sub3A_30, %sub3A_30 : vector<1000x128xf32>
    %reduce_sum3A_31 = arith.constant dense<0.000000e+00> : vector<1000xf32>
    %reduce_sum3A_32 = vector.multi_reduction <add>, %mul3A, %reduce_sum3A_31 [1] : vector<1000x128xf32> to vector<1000xf32>
    %broadcast_in_dim3A_33 = vector.shape_cast %reduce_sum3A_32 : vector<1000xf32> to vector<1000x1xf32>
    %div3A_34 = arith.constant 1.280000e+02 : f32
    %div3A_35 = vector.broadcast %div3A_34 : f32 to vector<1000x1xf32>
    %div3A_36 = arith.divf %broadcast_in_dim3A_33, %div3A_35 : vector<1000x1xf32>
    %get3A_37 = arith.constant 0 : index
    %get3A_38 = arith.constant 0 : index
    %get3A_39 = vector.load %arg8[%get3A_37, %get3A_38] : memref<1x128xf32, #tpu.memory_space<vmem>>, vector<1x128xf32>
    %mul3A_40 = vector.broadcast %get3A_39 : vector<1x128xf32> to vector<1000x128xf32>
    %mul3A_41 = arith.mulf %mul3A_40, %sub3A_30 : vector<1000x128xf32>
    %add3A_42 = arith.constant 9.99999974E-6 : f32
    %add3A_43 = vector.broadcast %add3A_42 : f32 to vector<1000x1xf32>
    %add3A_44 = arith.addf %div3A_36, %add3A_43 : vector<1000x1xf32>
    %sqrt3A = math.sqrt %add3A_44 : vector<1000x1xf32>
    %div3A_45 = vector.broadcast %sqrt3A : vector<1000x1xf32> to vector<1000x128xf32>
    %div3A_46 = arith.divf %mul3A_41, %div3A_45 : vector<1000x128xf32>
    %get3A_47 = arith.constant 0 : index
    %get3A_48 = arith.constant 0 : index
    %get3A_49 = vector.load %arg9[%get3A_47, %get3A_48] : memref<1x128xf32, #tpu.memory_space<vmem>>, vector<1x128xf32>
    %add3A_50 = vector.broadcast %get3A_49 : vector<1x128xf32> to vector<1000x128xf32>
    %add3A_51 = arith.addf %div3A_46, %add3A_50 : vector<1000x128xf32>
    %swap3A = arith.constant 0 : index
    %swap3A_52 = arith.constant 0 : index
    %swap3A_53 = vector.load %arg10[%swap3A, %swap3A_52] : memref<1000x128xf32, #tpu.memory_space<vmem>>, vector<1000x128xf32>
    tpu.vector_store %arg10[%swap3A, %swap3A_52], %add3A_51 {strides = array<i32>} : memref<1000x128xf32, #tpu.memory_space<vmem>>, vector<1000x128xf32>,
    %reduce_sum3A_54 = arith.constant dense<0.000000e+00> : vector<128xf32>
    %reduce_sum3A_55 = vector.multi_reduction <add>, %add3A_51, %reduce_sum3A_54 [0] : vector<1000x128xf32> to vector<128xf32>
    %broadcast_in_dim3A_56 = vector.shape_cast %reduce_sum3A_55 : vector<128xf32> to vector<1x1x128xf32>
    %swap3A_57 = arith.constant 0 : index
    %swap3A_58 = arith.constant 0 : index
    %swap3A_59 = arith.constant 0 : index
    %swap3A_60 = vector.load %arg11[%swap3A_57, %swap3A_58, %swap3A_59] : memref<1x1x128xf32, #tpu.memory_space<vmem>>, vector<1x1x128xf32>
    tpu.vector_store %arg11[%swap3A_57, %swap3A_58, %swap3A_59], %broadcast_in_dim3A_56 {strides = array<i32>} : memref<1x1x128xf32, #tpu.memory_space<vmem>>, vector<1x1x128xf32>,
    return
  }
  func.func @transform_0(%arg0: i32) -> (i32, i32) {
    %c0_i32 = arith.constant 0 : i32
    %c0_i32_0 = arith.constant 0 : i32
    return %arg0, %c0_i32 : i32, i32
  }
  func.func @transform_1(%arg0: i32) -> (i32, i32) {
    %c0_i32 = arith.constant 0 : i32
    %c0_i32_0 = arith.constant 0 : i32
    return %arg0, %c0_i32 : i32, i32
  }
  func.func @transform_2(%arg0: i32) -> (i32, i32) {
    %c0_i32 = arith.constant 0 : i32
    %c0_i32_0 = arith.constant 0 : i32
    return %arg0, %c0_i32 : i32, i32
  }
  func.func @transform_3(%arg0: i32) -> (i32, i32) {
    %c0_i32 = arith.constant 0 : i32
    %c0_i32_0 = arith.constant 0 : i32
    %c0_i32_1 = arith.constant 0 : i32
    return %c0_i32, %c0_i32_0 : i32, i32
  }
  func.func @transform_4(%arg0: i32) -> (i32, i32) {
    %c0_i32 = arith.constant 0 : i32
    %c0_i32_0 = arith.constant 0 : i32
    %c0_i32_1 = arith.constant 0 : i32
    return %c0_i32, %c0_i32_0 : i32, i32
  }
  func.func @transform_5(%arg0: i32) -> (i32, i32) {
    %c0_i32 = arith.constant 0 : i32
    %c0_i32_0 = arith.constant 0 : i32
    %c0_i32_1 = arith.constant 0 : i32
    return %c0_i32, %c0_i32_0 : i32, i32
  }
  func.func @transform_6(%arg0: i32) -> (i32, i32) {
    %c0_i32 = arith.constant 0 : i32
    %c0_i32_0 = arith.constant 0 : i32
    %c0_i32_1 = arith.constant 0 : i32
    return %c0_i32, %c0_i32_0 : i32, i32
  }
  func.func @transform_7(%arg0: i32) -> (i32, i32) {
    %c0_i32 = arith.constant 0 : i32
    %c0_i32_0 = arith.constant 0 : i32
    %c0_i32_1 = arith.constant 0 : i32
    return %c0_i32, %c0_i32_0 : i32, i32
  }
  func.func @transform_8(%arg0: i32) -> (i32, i32) {
    %c0_i32 = arith.constant 0 : i32
    %c0_i32_0 = arith.constant 0 : i32
    %c0_i32_1 = arith.constant 0 : i32
    return %c0_i32, %c0_i32_0 : i32, i32
  }
  func.func @transform_9(%arg0: i32) -> (i32, i32) {
    %c0_i32 = arith.constant 0 : i32
    %c0_i32_0 = arith.constant 0 : i32
    return %arg0, %c0_i32 : i32, i32
  }
  func.func @transform_10(%arg0: i32) -> (i32, i32, i32) {
    %c0_i32 = arith.constant 0 : i32
    %c0_i32_0 = arith.constant 0 : i32
    %c0_i32_1 = arith.constant 0 : i32
    return %arg0, %c0_i32, %c0_i32_0 : i32, i32, i32
  }
}

module attributes {stable_mosaic.version = 14 : i64} {
  func.func @_heads_body(%arg0: i32, %arg1: memref<1000x128xf32, #tpu.memory_space<vmem>>, %arg2: memref<10x1x128xf32, #tpu.memory_space<vmem>>, %arg3: memref<1x32xf32, #tpu.memory_space<vmem>>, %arg4: memref<128x32xf32, #tpu.memory_space<vmem>>, %arg5: memref<1x32xf32, #tpu.memory_space<vmem>>, %arg6: memref<160x128xf32, #tpu.memory_space<vmem>>, %arg7: memref<1x128xf32, #tpu.memory_space<vmem>>, %arg8: memref<128x4xf32, #tpu.memory_space<vmem>>, %arg9: memref<1x4xf32, #tpu.memory_space<vmem>>, %arg10: memref<160x128xf32, #tpu.memory_space<vmem>>, %arg11: memref<1x128xf32, #tpu.memory_space<vmem>>, %arg12: memref<128x1xf32, #tpu.memory_space<vmem>>, %arg13: memref<1x1xf32, #tpu.memory_space<vmem>>, %arg14: memref<160x128xf32, #tpu.memory_space<vmem>>, %arg15: memref<1x128xf32, #tpu.memory_space<vmem>>, %arg16: memref<128x1xf32, #tpu.memory_space<vmem>>, %arg17: memref<1x1xf32, #tpu.memory_space<vmem>>, %arg18: memref<1000x4xf32, #tpu.memory_space<vmem>>, %arg19: memref<1000x1xf32, #tpu.memory_space<vmem>>, %arg20: memref<1000x1xf32, #tpu.memory_space<vmem>>) attributes {dimension_semantics = [#tpu.dimension_semantics<arbitrary>], iteration_bounds = array<i64: 10>, scalar_prefetch = 0 : i64, scratch_operands = 0 : i64, tpu.core_type = #tpu.core_type<tc>, window_params = [{transform_indices = @transform_0, window_bounds = array<i64: 1000, 128>}, {pipeline_mode = #tpu.pipeline_mode<synchronous>, transform_indices = @transform_1, window_bounds = array<i64: 10, 1, 128>}, {pipeline_mode = #tpu.pipeline_mode<synchronous>, transform_indices = @transform_2, window_bounds = array<i64: 1, 32>}, {pipeline_mode = #tpu.pipeline_mode<synchronous>, transform_indices = @transform_3, window_bounds = array<i64: 128, 32>}, {pipeline_mode = #tpu.pipeline_mode<synchronous>, transform_indices = @transform_4, window_bounds = array<i64: 1, 32>}, {pipeline_mode = #tpu.pipeline_mode<synchronous>, transform_indices = @transform_5, window_bounds = array<i64: 160, 128>}, {pipeline_mode = #tpu.pipeline_mode<synchronous>, transform_indices = @transform_6, window_bounds = array<i64: 1, 128>}, {pipeline_mode = #tpu.pipeline_mode<synchronous>, transform_indices = @transform_7, window_bounds = array<i64: 128, 4>}, {pipeline_mode = #tpu.pipeline_mode<synchronous>, transform_indices = @transform_8, window_bounds = array<i64: 1, 4>}, {pipeline_mode = #tpu.pipeline_mode<synchronous>, transform_indices = @transform_9, window_bounds = array<i64: 160, 128>}, {pipeline_mode = #tpu.pipeline_mode<synchronous>, transform_indices = @transform_10, window_bounds = array<i64: 1, 128>}, {pipeline_mode = #tpu.pipeline_mode<synchronous>, transform_indices = @transform_11, window_bounds = array<i64: 128, 1>}, {pipeline_mode = #tpu.pipeline_mode<synchronous>, transform_indices = @transform_12, window_bounds = array<i64: 1, 1>}, {pipeline_mode = #tpu.pipeline_mode<synchronous>, transform_indices = @transform_13, window_bounds = array<i64: 160, 128>}, {pipeline_mode = #tpu.pipeline_mode<synchronous>, transform_indices = @transform_14, window_bounds = array<i64: 1, 128>}, {pipeline_mode = #tpu.pipeline_mode<synchronous>, transform_indices = @transform_15, window_bounds = array<i64: 128, 1>}, {pipeline_mode = #tpu.pipeline_mode<synchronous>, transform_indices = @transform_16, window_bounds = array<i64: 1, 1>}, {transform_indices = @transform_17, window_bounds = array<i64: 1000, 4>}, {transform_indices = @transform_18, window_bounds = array<i64: 1000, 1>}, {transform_indices = @transform_19, window_bounds = array<i64: 1000, 1>}]} {
    %get3A = arith.constant 0 : index
    %get3A_0 = arith.constant 0 : index
    %get3A_1 = arith.constant 0 : index
    %get3A_2 = vector.load %arg2[%get3A, %get3A_0, %get3A_1] : memref<10x1x128xf32, #tpu.memory_space<vmem>>, vector<10x1x128xf32>
    %reduce_sum3A = arith.constant dense<0.000000e+00> : vector<128xf32>
    %reduce_sum3A_3 = vector.multi_reduction <add>, %get3A_2, %reduce_sum3A [0, 1] : vector<10x1x128xf32> to vector<128xf32>
    %broadcast_in_dim3A = vector.shape_cast %reduce_sum3A_3 : vector<128xf32> to vector<1x128xf32>
    %mul3A = arith.constant 9.99999974E-5 : f32
    %mul3A_4 = vector.broadcast %mul3A : f32 to vector<1x128xf32>
    %mul3A_5 = arith.mulf %broadcast_in_dim3A, %mul3A_4 : vector<1x128xf32>
    %get3A_6 = arith.constant 0 : index
    %get3A_7 = arith.constant 0 : index
    %get3A_8 = vector.load %arg4[%get3A_6, %get3A_7] : memref<128x32xf32, #tpu.memory_space<vmem>>, vector<128x32xf32>
    %dot_general3A = arith.constant dense<0.000000e+00> : vector<1x32xf32>
    %dot_general3A_9 = tpu.matmul %mul3A_5, %get3A_8, %dot_general3A {dimension_numbers = #tpu.dot_dimension_numbers<[1], [0], [0], [1], [0, 0, 1, 1], [], []>, transpose_lhs_hint = false} : vector<1x128xf32>, vector<128x32xf32>, vector<1x32xf32> -> vector<1x32xf32>
    %get3A_10 = arith.constant 0 : index
    %get3A_11 = arith.constant 0 : index
    %get3A_12 = vector.load %arg5[%get3A_10, %get3A_11] : memref<1x32xf32, #tpu.memory_space<vmem>>, vector<1x32xf32>
    %add3A = arith.addf %dot_general3A_9, %get3A_12 : vector<1x32xf32>
    %get3A_13 = arith.constant 0 : index
    %get3A_14 = arith.constant 0 : index
    %get3A_15 = vector.load %arg3[%get3A_13, %get3A_14] : memref<1x32xf32, #tpu.memory_space<vmem>>, vector<1x32xf32>
    %add3A_16 = arith.addf %add3A, %get3A_15 : vector<1x32xf32>
    %tanh3A = math.tanh %add3A_16 : vector<1x32xf32>
    %get3A_17 = arith.constant 0 : index
    %get3A_18 = arith.constant 0 : index
    %get3A_19 = vector.load %arg1[%get3A_17, %get3A_18] : memref<1000x128xf32, #tpu.memory_space<vmem>>, vector<1000x128xf32>
    %broadcast_in_dim3A_20 = vector.shape_cast %tanh3A : vector<1x32xf32> to vector<1x32xf32>
    %broadcast_in_dim3A_21 = vector.broadcast %broadcast_in_dim3A_20 : vector<1x32xf32> to vector<1000x32xf32>
    %concatenate3A = tpu.concatenate %get3A_19, %broadcast_in_dim3A_21 in 1 : vector<1000x128xf32>, vector<1000x32xf32> -> vector<1000x160xf32>
    %get3A_22 = arith.constant 0 : index
    %get3A_23 = arith.constant 0 : index
    %get3A_24 = vector.load %arg6[%get3A_22, %get3A_23] : memref<160x128xf32, #tpu.memory_space<vmem>>, vector<160x128xf32>
    %dot_general3A_25 = arith.constant dense<0.000000e+00> : vector<1000x128xf32>
    %dot_general3A_26 = tpu.matmul %concatenate3A, %get3A_24, %dot_general3A_25 {dimension_numbers = #tpu.dot_dimension_numbers<[1], [0], [0], [1], [0, 0, 1, 1], [], []>, transpose_lhs_hint = false} : vector<1000x160xf32>, vector<160x128xf32>, vector<1000x128xf32> -> vector<1000x128xf32>
    %get3A_27 = arith.constant 0 : index
    %get3A_28 = arith.constant 0 : index
    %get3A_29 = vector.load %arg7[%get3A_27, %get3A_28] : memref<1x128xf32, #tpu.memory_space<vmem>>, vector<1x128xf32>
    %add3A_30 = vector.broadcast %get3A_29 : vector<1x128xf32> to vector<1000x128xf32>
    %add3A_31 = arith.addf %dot_general3A_26, %add3A_30 : vector<1000x128xf32>
    %tanh3A_32 = math.tanh %add3A_31 : vector<1000x128xf32>
    %get3A_33 = arith.constant 0 : index
    %get3A_34 = arith.constant 0 : index
    %get3A_35 = vector.load %arg8[%get3A_33, %get3A_34] : memref<128x4xf32, #tpu.memory_space<vmem>>, vector<128x4xf32>
    %dot_general3A_36 = arith.constant dense<0.000000e+00> : vector<1000x4xf32>
    %dot_general3A_37 = tpu.matmul %tanh3A_32, %get3A_35, %dot_general3A_36 {dimension_numbers = #tpu.dot_dimension_numbers<[1], [0], [0], [1], [0, 0, 1, 1], [], []>, transpose_lhs_hint = false} : vector<1000x128xf32>, vector<128x4xf32>, vector<1000x4xf32> -> vector<1000x4xf32>
    %get3A_38 = arith.constant 0 : index
    %get3A_39 = arith.constant 0 : index
    %get3A_40 = vector.load %arg9[%get3A_38, %get3A_39] : memref<1x4xf32, #tpu.memory_space<vmem>>, vector<1x4xf32>
    %add3A_41 = vector.broadcast %get3A_40 : vector<1x4xf32> to vector<1000x4xf32>
    %add3A_42 = arith.addf %dot_general3A_37, %add3A_41 : vector<1000x4xf32>
    %tanh3A_43 = math.tanh %add3A_42 : vector<1000x4xf32>
    %swap3A = arith.constant 0 : index
    %swap3A_44 = arith.constant 0 : index
    %swap3A_45 = vector.load %arg18[%swap3A, %swap3A_44] : memref<1000x4xf32, #tpu.memory_space<vmem>>, vector<1000x4xf32>
    tpu.vector_store %arg18[%swap3A, %swap3A_44], %tanh3A_43 {strides = array<i32>} : memref<1000x4xf32, #tpu.memory_space<vmem>>, vector<1000x4xf32>,
    %get3A_46 = arith.constant 0 : index
    %get3A_47 = arith.constant 0 : index
    %get3A_48 = vector.load %arg10[%get3A_46, %get3A_47] : memref<160x128xf32, #tpu.memory_space<vmem>>, vector<160x128xf32>
    %dot_general3A_49 = arith.constant dense<0.000000e+00> : vector<1000x128xf32>
    %dot_general3A_50 = tpu.matmul %concatenate3A, %get3A_48, %dot_general3A_49 {dimension_numbers = #tpu.dot_dimension_numbers<[1], [0], [0], [1], [0, 0, 1, 1], [], []>, transpose_lhs_hint = false} : vector<1000x160xf32>, vector<160x128xf32>, vector<1000x128xf32> -> vector<1000x128xf32>
    %get3A_51 = arith.constant 0 : index
    %get3A_52 = arith.constant 0 : index
    %get3A_53 = vector.load %arg11[%get3A_51, %get3A_52] : memref<1x128xf32, #tpu.memory_space<vmem>>, vector<1x128xf32>
    %add3A_54 = vector.broadcast %get3A_53 : vector<1x128xf32> to vector<1000x128xf32>
    %add3A_55 = arith.addf %dot_general3A_50, %add3A_54 : vector<1000x128xf32>
    %tanh3A_56 = math.tanh %add3A_55 : vector<1000x128xf32>
    %get3A_57 = arith.constant 0 : index
    %get3A_58 = arith.constant 0 : index
    %get3A_59 = vector.load %arg12[%get3A_57, %get3A_58] : memref<128x1xf32, #tpu.memory_space<vmem>>, vector<128x1xf32>
    %dot_general3A_60 = arith.constant dense<0.000000e+00> : vector<1000x1xf32>
    %dot_general3A_61 = tpu.matmul %tanh3A_56, %get3A_59, %dot_general3A_60 {dimension_numbers = #tpu.dot_dimension_numbers<[1], [0], [0], [1], [0, 0, 1, 1], [], []>, transpose_lhs_hint = false} : vector<1000x128xf32>, vector<128x1xf32>, vector<1000x1xf32> -> vector<1000x1xf32>
    %get3A_62 = arith.constant 0 : index
    %get3A_63 = arith.constant 0 : index
    %get3A_64 = vector.load %arg13[%get3A_62, %get3A_63] : memref<1x1xf32, #tpu.memory_space<vmem>>, vector<1x1xf32>
    %add3A_65 = vector.broadcast %get3A_64 : vector<1x1xf32> to vector<1000x1xf32>
    %add3A_66 = arith.addf %dot_general3A_61, %add3A_65 : vector<1000x1xf32>
    %tanh3A_67 = math.tanh %add3A_66 : vector<1000x1xf32>
    %swap3A_68 = arith.constant 0 : index
    %swap3A_69 = arith.constant 0 : index
    %swap3A_70 = vector.load %arg19[%swap3A_68, %swap3A_69] : memref<1000x1xf32, #tpu.memory_space<vmem>>, vector<1000x1xf32>
    tpu.vector_store %arg19[%swap3A_68, %swap3A_69], %tanh3A_67 {strides = array<i32>} : memref<1000x1xf32, #tpu.memory_space<vmem>>, vector<1000x1xf32>,
    %get3A_71 = arith.constant 0 : index
    %get3A_72 = arith.constant 0 : index
    %get3A_73 = vector.load %arg14[%get3A_71, %get3A_72] : memref<160x128xf32, #tpu.memory_space<vmem>>, vector<160x128xf32>
    %dot_general3A_74 = arith.constant dense<0.000000e+00> : vector<1000x128xf32>
    %dot_general3A_75 = tpu.matmul %concatenate3A, %get3A_73, %dot_general3A_74 {dimension_numbers = #tpu.dot_dimension_numbers<[1], [0], [0], [1], [0, 0, 1, 1], [], []>, transpose_lhs_hint = false} : vector<1000x160xf32>, vector<160x128xf32>, vector<1000x128xf32> -> vector<1000x128xf32>
    %get3A_76 = arith.constant 0 : index
    %get3A_77 = arith.constant 0 : index
    %get3A_78 = vector.load %arg15[%get3A_76, %get3A_77] : memref<1x128xf32, #tpu.memory_space<vmem>>, vector<1x128xf32>
    %add3A_79 = vector.broadcast %get3A_78 : vector<1x128xf32> to vector<1000x128xf32>
    %add3A_80 = arith.addf %dot_general3A_75, %add3A_79 : vector<1000x128xf32>
    %tanh3A_81 = math.tanh %add3A_80 : vector<1000x128xf32>
    %get3A_82 = arith.constant 0 : index
    %get3A_83 = arith.constant 0 : index
    %get3A_84 = vector.load %arg16[%get3A_82, %get3A_83] : memref<128x1xf32, #tpu.memory_space<vmem>>, vector<128x1xf32>
    %dot_general3A_85 = arith.constant dense<0.000000e+00> : vector<1000x1xf32>
    %dot_general3A_86 = tpu.matmul %tanh3A_81, %get3A_84, %dot_general3A_85 {dimension_numbers = #tpu.dot_dimension_numbers<[1], [0], [0], [1], [0, 0, 1, 1], [], []>, transpose_lhs_hint = false} : vector<1000x128xf32>, vector<128x1xf32>, vector<1000x1xf32> -> vector<1000x1xf32>
    %get3A_87 = arith.constant 0 : index
    %get3A_88 = arith.constant 0 : index
    %get3A_89 = vector.load %arg17[%get3A_87, %get3A_88] : memref<1x1xf32, #tpu.memory_space<vmem>>, vector<1x1xf32>
    %add3A_90 = vector.broadcast %get3A_89 : vector<1x1xf32> to vector<1000x1xf32>
    %add3A_91 = arith.addf %dot_general3A_86, %add3A_90 : vector<1000x1xf32>
    %tanh3A_92 = math.tanh %add3A_91 : vector<1000x1xf32>
    %swap3A_93 = arith.constant 0 : index
    %swap3A_94 = arith.constant 0 : index
    %swap3A_95 = vector.load %arg20[%swap3A_93, %swap3A_94] : memref<1000x1xf32, #tpu.memory_space<vmem>>, vector<1000x1xf32>
    tpu.vector_store %arg20[%swap3A_93, %swap3A_94], %tanh3A_92 {strides = array<i32>} : memref<1000x1xf32, #tpu.memory_space<vmem>>, vector<1000x1xf32>,
    return
  }
  func.func @transform_0(%arg0: i32) -> (i32, i32) {
    %c0_i32 = arith.constant 0 : i32
    %c0_i32_0 = arith.constant 0 : i32
    return %arg0, %c0_i32 : i32, i32
  }
  func.func @transform_1(%arg0: i32) -> (i32, i32, i32) {
    %c0_i32 = arith.constant 0 : i32
    %c0_i32_0 = arith.constant 0 : i32
    %c0_i32_1 = arith.constant 0 : i32
    %c0_i32_2 = arith.constant 0 : i32
    return %c0_i32, %c0_i32_0, %c0_i32_1 : i32, i32, i32
  }
  func.func @transform_2(%arg0: i32) -> (i32, i32) {
    %c0_i32 = arith.constant 0 : i32
    %c0_i32_0 = arith.constant 0 : i32
    %c0_i32_1 = arith.constant 0 : i32
    return %c0_i32, %c0_i32_0 : i32, i32
  }
  func.func @transform_3(%arg0: i32) -> (i32, i32) {
    %c0_i32 = arith.constant 0 : i32
    %c0_i32_0 = arith.constant 0 : i32
    %c0_i32_1 = arith.constant 0 : i32
    return %c0_i32, %c0_i32_0 : i32, i32
  }
  func.func @transform_4(%arg0: i32) -> (i32, i32) {
    %c0_i32 = arith.constant 0 : i32
    %c0_i32_0 = arith.constant 0 : i32
    %c0_i32_1 = arith.constant 0 : i32
    return %c0_i32, %c0_i32_0 : i32, i32
  }
  func.func @transform_5(%arg0: i32) -> (i32, i32) {
    %c0_i32 = arith.constant 0 : i32
    %c0_i32_0 = arith.constant 0 : i32
    %c0_i32_1 = arith.constant 0 : i32
    return %c0_i32, %c0_i32_0 : i32, i32
  }
  func.func @transform_6(%arg0: i32) -> (i32, i32) {
    %c0_i32 = arith.constant 0 : i32
    %c0_i32_0 = arith.constant 0 : i32
    %c0_i32_1 = arith.constant 0 : i32
    return %c0_i32, %c0_i32_0 : i32, i32
  }
  func.func @transform_7(%arg0: i32) -> (i32, i32) {
    %c0_i32 = arith.constant 0 : i32
    %c0_i32_0 = arith.constant 0 : i32
    %c0_i32_1 = arith.constant 0 : i32
    return %c0_i32, %c0_i32_0 : i32, i32
  }
  func.func @transform_8(%arg0: i32) -> (i32, i32) {
    %c0_i32 = arith.constant 0 : i32
    %c0_i32_0 = arith.constant 0 : i32
    %c0_i32_1 = arith.constant 0 : i32
    return %c0_i32, %c0_i32_0 : i32, i32
  }
  func.func @transform_9(%arg0: i32) -> (i32, i32) {
    %c0_i32 = arith.constant 0 : i32
    %c0_i32_0 = arith.constant 0 : i32
    %c0_i32_1 = arith.constant 0 : i32
    return %c0_i32, %c0_i32_0 : i32, i32
  }
  func.func @transform_10(%arg0: i32) -> (i32, i32) {
    %c0_i32 = arith.constant 0 : i32
    %c0_i32_0 = arith.constant 0 : i32
    %c0_i32_1 = arith.constant 0 : i32
    return %c0_i32, %c0_i32_0 : i32, i32
  }
  func.func @transform_11(%arg0: i32) -> (i32, i32) {
    %c0_i32 = arith.constant 0 : i32
    %c0_i32_0 = arith.constant 0 : i32
    %c0_i32_1 = arith.constant 0 : i32
    return %c0_i32, %c0_i32_0 : i32, i32
  }
  func.func @transform_12(%arg0: i32) -> (i32, i32) {
    %c0_i32 = arith.constant 0 : i32
    %c0_i32_0 = arith.constant 0 : i32
    %c0_i32_1 = arith.constant 0 : i32
    return %c0_i32, %c0_i32_0 : i32, i32
  }
  func.func @transform_13(%arg0: i32) -> (i32, i32) {
    %c0_i32 = arith.constant 0 : i32
    %c0_i32_0 = arith.constant 0 : i32
    %c0_i32_1 = arith.constant 0 : i32
    return %c0_i32, %c0_i32_0 : i32, i32
  }
  func.func @transform_14(%arg0: i32) -> (i32, i32) {
    %c0_i32 = arith.constant 0 : i32
    %c0_i32_0 = arith.constant 0 : i32
    %c0_i32_1 = arith.constant 0 : i32
    return %c0_i32, %c0_i32_0 : i32, i32
  }
  func.func @transform_15(%arg0: i32) -> (i32, i32) {
    %c0_i32 = arith.constant 0 : i32
    %c0_i32_0 = arith.constant 0 : i32
    %c0_i32_1 = arith.constant 0 : i32
    return %c0_i32, %c0_i32_0 : i32, i32
  }
  func.func @transform_16(%arg0: i32) -> (i32, i32) {
    %c0_i32 = arith.constant 0 : i32
    %c0_i32_0 = arith.constant 0 : i32
    %c0_i32_1 = arith.constant 0 : i32
    return %c0_i32, %c0_i32_0 : i32, i32
  }
  func.func @transform_17(%arg0: i32) -> (i32, i32) {
    %c0_i32 = arith.constant 0 : i32
    %c0_i32_0 = arith.constant 0 : i32
    return %arg0, %c0_i32 : i32, i32
  }
  func.func @transform_18(%arg0: i32) -> (i32, i32) {
    %c0_i32 = arith.constant 0 : i32
    %c0_i32_0 = arith.constant 0 : i32
    return %arg0, %c0_i32 : i32, i32
  }
  func.func @transform_19(%arg0: i32) -> (i32, i32) {
    %c0_i32 = arith.constant 0 : i32
    %c0_i32_0 = arith.constant 0 : i32
    return %arg0, %c0_i32 : i32, i32
  }
}

</mosaic_0001>

<sc_bundles>
// kernel: kernel.12.cloned.1.call-start
scs
__scs_entry_jumppad:
0x0: {  	(pc) =	sbr.rel $0x88, $3  }
0x1: {  	(tag) =	ssettag $0x0;
	lr =	simm.s32 $0x1  }
0x2: {  	[smem:$0x3F86] =	sst lr;
	_ =	strace $0xD0000000  }
0x3: {  	_ = 	snop  }
0x4: {  	_ = 	snop  }
0x5: {  	_ = 	snop  }
0x6: {  	_ = 	snop  }
0x7: {  	_ = 	snop  }
__scs_overlays_trampoline_lowered:
0x8: {  	[smem:$0x3F95] =	sst s0  }
0x9: {  	[smem:$0x3F96] =	sst s1  }
0xa: {  	[smem:$0x3F97] =	sst s2  }
0xb: {  	[smem:$0x3F98] =	sst s3  }
0xc: {  	[smem:$0x3F99] =	sst s4  }
0xd: {  	[smem:$0x3F9A] =	sst s5  }
0xe: {  	[smem:$0x3F9B] =	sst s6  }
0xf: {  	[smem:$0x3F9C] =	sst s7  }
0x10: {  	[smem:$0x3F9D] =	sst s8  }
0x11: {  	[smem:$0x3F9E] =	sst s9;
	s0 =	simm.s32 @!p0 $0x0  }
0x12: {  	s1 =	sld [smem:$0x3F84];
	s0 =	simm.s32 @p0 $0x1  }
0x13: {  	[smem:$0x3F9F] =	sst s0;
	s0 =	simm.s32 @!p1 $0x0  }
0x14: {  	s2 =	sld [smem:$0x3F83];
	s0 =	simm.s32 @p1 $0x1  }
0x15: {  	[smem:$0x3FA0] =	sst s0;
	s0 =	simm.s32 @!p2 $0x0  }
0x16: {  	s3 =	sld [smem:$0x3FDB];
	s0 =	simm.s32 @p2 $0x1  }
0x17: {  	s4 =	simm.s32 $0x1BF5;
	[smem:$0x3FA2] =	sst s0  }
0x18: {  	s0 =	sld [smem:$0x3F85];
	_ =	swait.ge [sflag:s4], $0x0  }
0x19: {  	s7 =	sld [smem:$0x3F86]  }
0x1a: {  	s8 =	sadd.s32 $0xFFFFE003, lr  }
0x1b: {  	s9 =	sadd.s32 $0xFFFFFEF7, lr;
	s5 =	simm.s32 $0xFFFFFFFF;
	p2 =	slt.u32 s8, $0xFFFFF086  }
0x1c: {  	p1 =	slt.u32 s9, $0xF7A;
	s5 =	simm.s32 @!p2 $0x0  }
0x1d: {  	s5 =	simm.s32 @p1 $0x1;
	p0 =	seq.s32 s7, s2  }
0x1e: {  	s7 =	smul.u32 @!p0 $0xF7A, s2;
	p2 =	seq.s32 @!p0 s5, $0x0  }
0x1f: {  	s9 =	smul.u32 $0xF7A, s1;
	s8 =	simm.s32 @!p0 $0x1BF5;
	p2 =	por !p2, p0  }
0x20: {  	[sflag:s8] =	ssyncset.s32 @!p0 $0xFFFFF086;
	s6 =	sadd.s32 @!p0 s3, s7;
	s7 =	simm.s32 @!p0 $0x108  }
0x21: {  	s3 =	sadd.s32 s3, s9;
	s6 =	sadd.s32 @!p0 $0x88, s6;
	s7 =	simm.s32 @p2 $0x1082  }
0x22: {  	[simem:s7], [sflag:s8] =	dma.local @!p0 [hbm:s6], $0xF7A  }
0x23: {  	s9 =	sor.u32 $0xD0000000, s2;
	s6 =	simm.s32 $0x108;
	_ =	swait.ge @!p0 [sflag:s8], $0x0  }
0x24: {  	s3 =	sadd.s32 $0x88, s3;
	s6 =	simm.s32 @!p1 $0x1082;
	[sflag:s4] =	ssyncset.s32 $0xFFFFF086  }
0x25: {  	[simem:s6], [sflag:s4] =	dma.local [hbm:s3], $0xF7A  }
0x26: {  	[smem:$0x3F86] =	sst s1;
	(tag) =	ssettag s2;
	_ =	strace s9  }
0x27: {  	s1 =	sld [smem:$0x3F96]  }
0x28: {  	s2 =	sld [smem:$0x3F97]  }
0x29: {  	s4 =	sld [smem:$0x3F99]  }
0x2a: {  	p0 =	seq.s32 s5, $0x0;
	s5 =	sld [smem:$0x3F9A]  }
0x2b: {  	s6 =	sld [smem:$0x3F9B]  }
0x2c: {  	s7 =	sld [smem:$0x3F9C]  }
0x2d: {  	s3 =	simm.s32 $0x108;
	s8 =	sld [smem:$0x3F9D]  }
0x2e: {  	s3 =	simm.s32 @!p0 $0x1082;
	s9 =	sld [smem:$0x3F9E]  }
0x2f: {  	lr =	sadd.s32 s0, s3;
	s0 =	sld [smem:$0x3F95]  }
0x30: {  	s3 =	sld [smem:$0x3F98]  }
0x31: {  	[smem:$0x3FA1] =	sst s10  }
0x32: {  	s10 =	sld [smem:$0x3F9F];
	_ =	sdelay $0x3  }
0x33: {  	p0 =	seq.s32 s10, $0x1;
	s10 =	sld [smem:$0x3FA1];
	_ =	sdelay $0x3  }
0x34: {  	[smem:$0x3FA1] =	sst s10  }
0x35: {  	s10 =	sld [smem:$0x3FA0];
	_ =	sdelay $0x3  }
0x36: {  	p1 =	seq.s32 s10, $0x1;
	s10 =	sld [smem:$0x3FA1];
	_ =	sdelay $0x3  }
0x37: {  	[smem:$0x3FA1] =	sst s10  }
0x38: {  	s10 =	sld [smem:$0x3FA2]  }
0x39: {  	_ = 	snop;
	(pc) =	sbr.ind lr, $3  }
0x3a: {  	_ = 	snop  }
0x3b: {  	_ = 	snop  }
0x3c: {  	p2 =	seq.s32 s10, $0x1;
	s10 =	sld [smem:$0x3FA1]  }
0x3d: {  	_ =	shalt  }
0x3e: {  	_ =	shalt  }
0x3f: {  	_ =	shalt  }
0x40: {  	_ =	shalt  }
0x41: {  	_ =	shalt  }
0x42: {  	_ =	shalt  }
0x43: {  	_ =	shalt  }
0x44: {  	_ =	shalt  }
0x45: {  	_ =	shalt  }
0x46: {  	_ =	shalt  }
0x47: {  	_ =	shalt  }
0x48: {  	_ =	shalt  }
0x49: {  	_ =	shalt  }
0x4a: {  	_ =	shalt  }
0x4b: {  	_ =	shalt  }
0x4c: {  	_ =	shalt  }
0x4d: {  	_ =	shalt  }
0x4e: {  	_ =	shalt  }
0x4f: {  	_ =	shalt  }
0x50: {  	_ =	shalt  }
0x51: {  	_ =	shalt  }
0x52: {  	_ =	shalt  }
0x53: {  	_ =	shalt  }
0x54: {  	_ =	shalt  }
0x55: {  	_ =	shalt  }
0x56: {  	_ =	shalt  }
0x57: {  	_ =	shalt  }
0x58: {  	_ =	shalt  }
0x59: {  	_ =	shalt  }
0x5a: {  	_ =	shalt  }
0x5b: {  	_ =	shalt  }
0x5c: {  	_ =	shalt  }
0x5d: {  	_ =	shalt  }
0x5e: {  	_ =	shalt  }
0x5f: {  	_ =	shalt  }
0x60: {  	_ =	shalt  }
0x61: {  	_ =	shalt  }
0x62: {  	_ =	shalt  }
0x63: {  	_ =	shalt  }
0x64: {  	_ =	shalt  }
0x65: {  	_ =	shalt  }
0x66: {  	_ =	shalt  }
0x67: {  	_ =	shalt  }
0x68: {  	_ =	shalt  }
0x69: {  	_ =	shalt  }
0x6a: {  	_ =	shalt  }
0x6b: {  	_ =	shalt  }
0x6c: {  	_ =	shalt  }
0x6d: {  	_ =	shalt  }
0x6e: {  	_ =	shalt  }
0x6f: {  	_ =	shalt  }
0x70: {  	_ =	shalt  }
0x71: {  	_ =	shalt  }
0x72: {  	_ =	shalt  }
0x73: {  	_ =	shalt  }
0x74: {  	_ =	shalt  }
0x75: {  	_ =	shalt  }
0x76: {  	_ =	shalt  }
0x77: {  	_ =	shalt  }
0x78: {  	_ =	shalt  }
0x79: {  	_ =	shalt  }
0x7a: {  	_ =	shalt  }
0x7b: {  	_ =	shalt  }
0x7c: {  	_ =	shalt  }
0x7d: {  	_ =	shalt  }
0x7e: {  	_ =	shalt  }
0x7f: {  	_ =	shalt  }
0x80: {  	_ =	shalt  }
0x81: {  	_ =	shalt  }
0x82: {  	_ =	shalt  }
0x83: {  	_ =	shalt  }
0x84: {  	_ =	shalt  }
0x85: {  	_ =	shalt  }
0x86: {  	_ =	shalt  }
0x87: {  	_ =	shalt  }
.Lfunc_end0:
.L_simem_size_0:
called_computation.1_lowered:
.L_overlay_start_0:
0x88: {  	s2 =	sld [smem:$0x3FD9]  }
0x89: {  	s3 =	sld [smem:$0x3FFE];
	_ =	sdelay $0x1  }
0x8a: {  	s1 =	srdreg.scid  }
0x8b: {  	s0 =	sand.u32 $0x1, s1  }
0x8c: {  	s14 =	sshll.u32 s0, $0xA;
	s2 =	sadd.s32 s3, s2  }
0x8d: {  	s2 =	sadd.s32 s2, s14  }
0x8e: {  	[smem:$0x3FAD] =	sst s2  }
0x8f: {  	_ = 	snop  }
0x90: {  	s2 =	sld [smem:$0x3FD0];
	_ =	sdelay $0x2  }
0x91: {  	s15 =	simm.s32 $0xA;
	s4 =	simm.s32 $0x10  }
0x92: {  	[smem:s4], [sflag:s15] =	dma.local [hbm:s2], $0x1  }
0x93: {  	_ =	swait.eq [sflag:s15], $0x1  }
0x94: {  	[sflag:s15] =	ssyncset.done $0x0  }
0x95: {  	[sflag:s15] =	ssyncadd.s32 $0xFFFFFFFF  }
0x96: {  	s16 =	sld [smem:$0x12];
	(tm) =	ssettm $0x1  }
0x97: {  	s17 =	sld [smem:$0x3FFB];
	_ =	sdelay $0x3  }
0x98: {  	_ =	strace s17  }
0x99: {  	s3 =	sld [smem:$0x3FFC];
	_ =	sdelay $0x3  }
0x9a: {  	_ =	strace s3  }
0x9b: {  	s3 =	sld [smem:$0x3FFD];
	_ =	sdelay $0x3  }
0x9c: {  	_ =	strace s3  }
0x9d: {  	_ =	strace $0x8FFFFFFF  }
0x9e: {  	s18 =	sld [smem:$0x3FDB];
	_ =	sdelay $0x1  }
0x9f: {  	s19 =	simm.s32 $_scs_section_size  }
0xa0: {  	s5 =	simm.s32 $_size__tile_overlayer_lowered;
	s6 =	simm.s32 $_tile_overlayer_lowered  }
0xa1: {  	s22 =	simm.s32 $0x1BFF;
	s21 =	sshll.u32 s6, $0x1;
	s3 =	sadd.s32 s19, s18  }
0xa2: {  	s7 =	simm.s32 $0x0;
	s20 =	sshll.u32 s5, $0x1;
	s5 =	sadd.s32 s21, s3  }
0xa3: {  	[timem:s7], [sflag:s22] =	dma.local [hbm:s5], s20  }
0xa4: {  	_ =	swait.ge [sflag:s22], s20  }
0xa5: {  	s4 =	ssub.s32 $0x0, s20;
	[sflag:s22] =	ssyncset.done $0x0  }
0xa6: {  	[sflag:s22] =	ssyncadd.s32 s4;
	_ =	sdelay $0x1  }
0xa7: {  	s23 =	simm.s32 $0x1B8B  }
0xa8: {  	_ =	swait.ge [sflag:s23], $0x1  }
0xa9: {  	[sflag:s23] =	ssyncset.done $0x0  }
0xaa: {  	s25 =	simm.s32 $0x1B8E;
	s24 =	sld [smem:$0x3FFE];
	[sflag:s23] =	ssyncadd.s32 $0xFFFFFFFF  }
0xab: {  	s26 =	simm.s32 $execute0_lowered;
	[smem:$0x3FD2] =	sst s25  }
0xac: {  	s5 =	sshll.u32 s26, $0x1;
	_ =	strace $0x80000049;
	[dreg:$0x1] =	wrdreg $0xFFFFFFFF  }
0xad: {  	s28 =	simm.s32 $_size_execute0_lowered;
	s3 =	sadd.s32 s3, s5;
	[dreg:$0x0] =	wrdreg $0x0  }
0xae: {  	s5 =	sshll.u32 s28, $0x1;
	[dreg:$0x2] =	wrdreg s3  }
0xaf: {  	[dreg:$0x3] =	wrdreg s5  }
0xb0: {  	[dreg:$0x4] =	wrdreg $0xC0  }
0xb1: {  	_ =	task [dreg:s7], $0x5FFFF  }
0xb2: {  	[dreg:$0x1] =	wrdreg $0xFFFFFFFF  }
0xb3: {  	[dreg:$0x0] =	wrdreg $0x60  }
0xb4: {  	[dreg:$0x2] =	wrdreg s24  }
0xb5: {  	[dreg:$0x3] =	wrdreg s16  }
0xb6: {  	[dreg:$0x4] =	wrdreg $0xBC000  }
0xb7: {  	[dreg:$0x5] =	wrdreg $0x9  }
0xb8: {  	_ =	task.clear_ibuf [dreg:s7], $0x6FFFF;
	_ =	strace $0x90000049  }
0xb9: {  	s29 =	simm.s32 $0x9;
	_ =	strace $0x8000004B  }
0xba: {  	_ =	swait.ge [sflag:s29], $0x1  }
0xbb: {  	[sflag:s29] =	ssyncadd.s32 $0xFFFFFFFF  }
0xbc: {  	_ =	strace $0x9000004B  }
0xbd: {  	_ =	sfence  }
0xbe: {  	s30 =	sld [smem:$0x0];
	_ =	sdelay $0x2  }
0xbf: {  	s31 =	sshll.u32 s1, $0xD;
	s1 =	sshrl.u32 s1, $0x2  }
0xc0: {  	s3 =	sand.u32 $0x4000, s31;
	s1 =	sadd.s32 s1, s30  }
0xc1: {  	s0 =	sor.u32 s3, s0;
	s1 =	sshll.u32 s1, $0x11  }
0xc2: {  	s0 =	sor.u32 s1, s0  }
0xc3: {  	s0 =	sadd.s32 $0x8F2B, s0  }
0xc4: {  	[sflag:s0] =	ssyncadd.remote.s32 $0x1  }
0xc5: {  	_ =	sfence.sel $0xFFFF  }
0xc6: {  	[dreg:$0x0] =	wrdreg $0xFFFFFFFF;
	(pc) =	sbr.abs _section_cstart, $3  }
0xc7: {  	[dreg:$0x1] =	wrdreg $0xFFFFFFFF  }
0xc8: {  	_ =	task.clear_ibuf [dreg:s7], $0x2FFFF;
	_ =	strace $0x9FFFFFFF  }
0xc9: {  	(tm) =	ssettm $0x7FFFFFFF  }
tec
execute0_lowered:
.L_overlay_start_1:
0x0: {  	(tag) =	ssettag $0x1  }
0x1: {  	s11 =	rddreg [dreg:$0x0]  }
0x2: {  	s1 =	rddreg [dreg:$0x1]  }
0x3: {  	s3 =	rddreg [dreg:$0x2]  }
0x4: {  	s4 =	simm.s32 $0x0;
	s5 =	srdreg.scid;
	s0 =	stileid.u32  }
0x5: {  	s19 =	simm.s32 $0x68000;
	s21 =	simm.s32 $0xA;
	s22 =	simm.s32 $0xB  }
0x6: {  	s23 =	simm.s32 $0xC;
	s24 =	simm.s32 $0x0;
	[smem:$0x7FF] =	sst s4  }
0x7: {  	s10 =	sand.u32 $0x1, s5;
	s28 =	sshll.u32 s0, $0x1;
	s15 =	smul.u32 $0x4F000, s0  }
0x8: {  	s5 =	sadd.s32 $0x4A00, s11;
	s14 =	sadd.s32 $0x2BC00, s11;
	s16 =	smul.u32 $0x5280, s0  }
0x9: {  	s13 =	sadd.s32 $0x36200, s11;
	s17 =	sshll.u32 s0, $0x6;
	s20 =	smul.u32 $0x2780, s0  }
0xa: {  	_ =	strace $0x8000004A;
	s6 =	ssub.s32 $0x2, s10;
	s7 =	sor.u32 s10, s28  }
0xb: {  	s30 =	smul.u32 $0x2940, s10;
	p0 =	seq.s32 s10, $0x1;
	s10 =	sor.u32 $0x1C0D, s17  }
0xc: {  	s17 =	simm.s32 $0x480;
	s8 =	sshrl.u32 s6, $0x1;
	s7 =	smul.u32 $0x2940, s7  }
0xd: {  	s15 =	sshrl.u32 s15, $0x2;
	s19 =	simm.s32 @!p0 $0x40800;
	s12 =	ssub.s32 s6, s8  }
0xe: {  	s18 =	sadd.s32 s15, s3;
	s15 =	sadd.s32 s30, s16;
	s31 =	sadd.s32 s19, s11  }
0xf: {  	s16 =	simm.s32 $0x80;
	s19 =	simm.s32 $0xD;
	s29 =	sshrl.u32 s7, $0x3  }
0x10: {  	s9 =	sadd.s32 $0x78, s7;
	s15 =	sadd.s32 $0xF0, s15;
	s11 =	smax.u32 s12, $0x1  }
0x11: {  	s12 =	sadd.s32 s31, s20;
	s18 =	sshrl.u32 s18, $0x3;
	s20 =	simm.s32 $0x78  }
0x12: {  	s6 =	sadd.s32 s14, s29;
	s7 =	sadd.s32 s13, s29;
	s9 =	sshrl.u32 s9, $0x3  }
0x13: {  	s15 =	sshrl.u32 s15, $0x3;
	s8 =	sadd.s32 s14, s9;
	s9 =	sadd.s32 s13, s9  }
0x14: {  	s13 =	sadd.s32 s15, s13;
	s14 =	sadd.s32 s15, s14;
	s15 =	simm.s32 $0x400  }
.LBB2_1:
0x15: {  	[tilespmem:s4], [sflag:$0x1] =	stream.linear.gather [hbm4b:s6+s4], $0x78, $0x38;
	[tilespmem:$0x1F800] =	vst v63  }
0x16: {  	_ = 	snop  }
0x17: {  	[tilespmem:s15], [sflag:$0x1] =	stream.linear.gather [hbm4b:s7+s4], $0x78, $0x38;
	[tilespmem:$0x1F800] =	vst v63  }
0x18: {  	_ = 	snop  }
0x19: {  	[tilespmem:s16], [sflag:$0x2] =	stream.linear.gather [hbm4b:s8+s4], $0x78, $0x38;
	[tilespmem:$0x1F800] =	vst v63  }
0x1a: {  	_ = 	snop  }
0x1b: {  	[tilespmem:s17], [sflag:$0x2] =	stream.linear.gather [hbm4b:s9+s4], $0x78, $0x38;
	[tilespmem:$0x1F800] =	vst v63  }
0x1c: {  	[spmem:s18], [sflag:s10] =	dma.local [hbm:s1], $0x2780  }
0x1d: {  	_ =	swait.ge [sflag:s19], $0x2780  }
0x1e: {  	[sflag:s19] =	ssyncset.done $0x0  }
0x1f: {  	s25 =	simm.s32 $0x2;
	[sflag:s19] =	ssyncadd.s32 $0xFFFFD880  }
0x20: {  	s26 =	smov.u32 s14;
	s28 =	smov.u32 s13;
	[bflag:$0x0] =	sbarrier.arrive $0xFFFF  }
.LBB2_2:
0x21: {  	s29 =	sadd.s32 $0xFFFFFFFE, s25;
	p0 =	seq.s32 s25, $0x5A  }
0x22: {  	s30 =	smul.u32 @!p0 $0xAB, s29;
	_ =	sdelay $0x1  }
0x23: {  	s31 =	sshrl.u32 @!p0 s30, $0x9  }
0x24: {  	s31 =	sand.u32 @!p0 $0x7F, s31  }
0x25: {  	s31 =	smul.u32 @!p0 $0x3, s31  }
0x26: {  	s30 =	sshrl.u32 @!p0 s30, $0xA  }
0x27: {  	p1 =	slt.u32 @!p0 s29, $0x3;
	s30 =	sand.u32 @!p0 $0x3F, s30;
	s31 =	ssub.s32 @!p0 s29, s31  }
0x28: {  	p1 =	por p1, p0;
	s30 =	smul.u32 @!p0 $0x6, s30;
	s31 =	sand.u32 @!p0 $0xFF, s31  }
0x29: {  	s0 =	sadd.s32 @!p1 $0xA, s31  }
0x2a: {  	s30 =	ssub.s32 @!p0 s29, s30;
	_ =	swait.ge @!p1 [sflag:s0], $0x3C00  }
0x2b: {  	s30 =	sand.u32 @!p0 $0xFF, s30;
	[sflag:s0] =	ssyncset.done @!p1 $0x0  }
0x2c: {  	[sflag:s0] =	ssyncadd.s32 @!p1 $0xFFFFC400;
	s0 =	sadd.s32 @!p0 $0x1, s30  }
0x2d: {  	p1 =	sgt.u32 @!p0 s29, $0x55;
	_ =	swait.ge @!p0 [sflag:s0], $0x78  }
0x2e: {  	s29 =	smul.u32 @!p0 $0xF000, s31;
	p1 =	por p0, p1;
	[sflag:s0] =	ssyncset.done @!p0 $0x0  }
0x2f: {  	s2 =	smul.u32 @!p1 $0xAB, s25;
	[sflag:s0] =	ssyncadd.s32 @!p0 $0xFFFFFF88  }
0x30: {  	s30 =	sshll.u32 @!p0 s30, $0x7;
	_ =	swait.ge @!p0 [sflag:s0], $0x78  }
0x31: {  	s29 =	sshrl.u32 @!p0 s29, $0x2;
	s2 =	sshrl.u32 @!p1 s2, $0xA;
	[sflag:s0] =	ssyncset.done @!p0 $0x0  }
0x32: {  	s2 =	sand.u32 @!p1 $0x3F, s2;
	[sflag:s0] =	ssyncadd.s32 @!p0 $0xFFFFFF88;
	s0 =	sadd.s32 @!p0 $0x800, s29  }
0x33: {  	s29 =	sadd.s32 @!p0 $0x7, s31;
	s31 =	simm.s32 @!p0 $0x78;
	s2 =	smul.u32 @!p1 $0x6, s2  }
0x34: {  	[tilespmem:s0], [sflag:s29] =	stream.indirect.gather @!p0 [hbm4b:s5+s31], $0x80, s30, s31, $0xb8;
	[tilespmem:$0x1F800] =	vst v63  }
0x35: {  	s0 =	ssub.s32 @!p1 s25, s2  }
0x36: {  	s0 =	sand.u32 @!p1 $0xFF, s0  }
0x37: {  	s29 =	simm.s32 @!p1 $0x0;
	s2 =	sadd.s32 @!p1 $0x1, s0;
	s0 =	sshll.u32 @!p1 s0, $0x7  }
0x38: {  	[tilespmem:s0], [sflag:s2] =	stream.linear.gather @!p1 [hbm4b:s26+s29], $0x78, $0x38;
	[tilespmem:$0x1F800] =	vst v63  }
0x39: {  	s0 =	sor.u32 @!p1 $0x400, s0  }
0x3a: {  	[tilespmem:s0], [sflag:s2] =	stream.linear.gather @!p1 [hbm4b:s28+s29], $0x78, $0x38;
	[tilespmem:$0x1F800] =	vst v63  }
0x3b: {  	s0 =	sadd.s32 @!p1 $0xFFFFFFFD, s25  }
0x3c: {  	p0 =	sgt.u32 @!p1 s0, $0x57  }
0x3d: {  	p0 =	por p1, !p0  }
0x3e: {  	s0 =	sadd.s32 @p0 $0xFFFFFFFD, s25  }
0x3f: {  	s2 =	sand.u32 @p0 $0xFF, s0  }
0x40: {  	s2 =	smul.u32 @p0 $0xAB, s2;
	_ =	sdelay $0x1  }
0x41: {  	s29 =	sshrl.u32 @p0 s2, $0x9  }
0x42: {  	s2 =	sshrl.u32 @p0 s2, $0xA;
	s29 =	smul.u32 @p0 $0x3, s29  }
0x43: {  	s2 =	smul.u32 @p0 $0x6, s2  }
0x44: {  	s29 =	ssub.s32 @p0 s0, s29  }
0x45: {  	s0 =	ssub.s32 @p0 s0, s2;
	s29 =	sand.u32 @p0 $0xFF, s29  }
0x46: {  	s0 =	sand.u32 @p0 $0xF7, s0;
	s30 =	sadd.s32 @p0 $0x7, s29;
	s2 =	smul.u32 @p0 $0xF000, s29  }
0x47: {  	s25 =	sadd.s32 $0x1, s25;
	s0 =	sshll.u32 @p0 s0, $0x7;
	_ =	swait.ge @p0 [sflag:s30], $0x3C00  }
0x48: {  	s29 =	sadd.s32 @p0 $0xA, s29;
	[sflag:s30] =	ssyncset.done @p0 $0x0;
	s2 =	sshrl.u32 @p0 s2, $0x2  }
0x49: {  	s0 =	sor.u32 @p0 $0x400, s0;
	[sflag:s30] =	ssyncadd.s32 @p0 $0xFFFFC400;
	s2 =	sadd.s32 @p0 $0x800, s2  }
0x4a: {  	[spmem:s3] =	stream.indirect.scatter.add.f32 @p0 [tilespmem:s2], [sflag:s29], $0x80, s0, s20, $0xb8;
	[tilespmem:$0x1F800] =	vst v63  }
0x4b: {  	p0 =	sne.s32 s25, $0x5B  }
.Ltmp0:
0x4c: {  	_ = 	snop;
	(pc) =	sbr.rel @p0 .LBB2_2-.Ltmp0, $2  }
0x4d: {  	_ =	sdelay $0x2  }
0x4e: {  	s26 =	sadd.s32 $0xF, s26;
	s28 =	sadd.s32 $0xF, s28  }
0x4f: {  	_ =	swait.ge [sflag:s21], $0x3C00  }
0x50: {  	[sflag:s21] =	ssyncset.done $0x0  }
0x51: {  	[sflag:s21] =	ssyncadd.s32 $0xFFFFC400  }
0x52: {  	_ =	swait.ge [sflag:s22], $0x3C00  }
0x53: {  	[sflag:s22] =	ssyncset.done $0x0  }
0x54: {  	[sflag:s22] =	ssyncadd.s32 $0xFFFFC400  }
0x55: {  	_ =	swait.ge [sflag:s23], $0x3C00  }
0x56: {  	s24 =	sadd.s32 $0x1, s24;
	[sflag:s23] =	ssyncset.done $0x0  }
0x57: {  	p0 =	sne.s32 s24, s11;
	[sflag:s23] =	ssyncadd.s32 $0xFFFFC400  }
.Ltmp1:
0x58: {  	[bflag:$0x0] =	sbarrier.arrive $0xFFFF;
	(pc) =	sbr.rel @p0 .LBB2_1-.Ltmp1, $4  }
0x59: {  	[hbm:s12], [sflag:s10] =	dma.local [spmem:s18], $0x2780  }
0x5a: {  	_ =	swait.ge [sflag:s19], $0x2780  }
0x5b: {  	[sflag:s19] =	ssyncset.done $0x0  }
0x5c: {  	[sflag:s19] =	ssyncadd.s32 $0xFFFFD880  }
0x5d: {  	_ =	sfence.sel $0x180000  }
0x5e: {  	[bflag:$0x0] =	sbarrier.arrive $0xFFFF  }
0x5f: {  	_ =	strace $0x9000004A  }
0x60: {  	s0 =	stileid.u32;
	[bflag:$0x2] =	sbarrier.arrive $0xFFFF  }
0x61: {  	p0 =	sne.s32 s0, $0x0;
	s0 =	rddreg [dreg:$0x3]  }
0x62: {  	s0 =	sadd.s32 @!p0 $0x100000, s0  }
0x63: {  	[sflag:s0] =	ssyncadd.tile.s32 @!p0 $0x1;
	_ =	shalt  }
.Lfunc_end2:
_tile_overlayer_lowered:
.L_overlay_start_2:
0x64: {  	(tag) =	ssettag $0x2  }
0x65: {  	s0 =	rddreg [dreg:$0x0];
	s2 =	stileid.u32  }
0x66: {  	s1 =	rddreg [dreg:$0x1];
	p0 =	sne.s32 s2, $0x0  }
0x67: {  	s3 =	rddreg [dreg:$0x2];
	[bflag:$0x3] =	sbarrier.arrive $0xFFFF;
	s2 =	simm.s32 @!p0 $0x1C0D  }
0x68: {  	[timem:s3], [sflag:s2] =	dma.local @!p0 [hbm:s0], s1  }
0x69: {  	s0 =	simm.s32 @!p0 $0xD  }
0x6a: {  	_ =	swait.ge @!p0 [sflag:s0], s1  }
0x6b: {  	s1 =	ssub.s32 @!p0 $0x0, s1;
	[sflag:s0] =	ssyncset.done @!p0 $0x0  }
0x6c: {  	[sflag:s0] =	ssyncadd.s32 @!p0 s1  }
0x6d: {  	[bflag:$0x3] =	sbarrier.arrive $0xFFFF  }
0x6e: {  	_ =	shalt  }

// kernel: kernel.15.cloned.1.call-start
scs
__scs_entry_jumppad:
0x0: {  	(pc) =	sbr.rel $0x88, $3  }
0x1: {  	(tag) =	ssettag $0x0;
	lr =	simm.s32 $0x1  }
0x2: {  	[smem:$0x3F86] =	sst lr;
	_ =	strace $0xD0000000  }
0x3: {  	_ = 	snop  }
0x4: {  	_ = 	snop  }
0x5: {  	_ = 	snop  }
0x6: {  	_ = 	snop  }
0x7: {  	_ = 	snop  }
__scs_overlays_trampoline_lowered:
0x8: {  	[smem:$0x3F95] =	sst s0  }
0x9: {  	[smem:$0x3F96] =	sst s1  }
0xa: {  	[smem:$0x3F97] =	sst s2  }
0xb: {  	[smem:$0x3F98] =	sst s3  }
0xc: {  	[smem:$0x3F99] =	sst s4  }
0xd: {  	[smem:$0x3F9A] =	sst s5  }
0xe: {  	[smem:$0x3F9B] =	sst s6  }
0xf: {  	[smem:$0x3F9C] =	sst s7  }
0x10: {  	[smem:$0x3F9D] =	sst s8  }
0x11: {  	[smem:$0x3F9E] =	sst s9;
	s0 =	simm.s32 @!p0 $0x0  }
0x12: {  	s1 =	sld [smem:$0x3F84];
	s0 =	simm.s32 @p0 $0x1  }
0x13: {  	[smem:$0x3F9F] =	sst s0;
	s0 =	simm.s32 @!p1 $0x0  }
0x14: {  	s2 =	sld [smem:$0x3F83];
	s0 =	simm.s32 @p1 $0x1  }
0x15: {  	[smem:$0x3FA0] =	sst s0;
	s0 =	simm.s32 @!p2 $0x0  }
0x16: {  	s3 =	sld [smem:$0x3FDB];
	s0 =	simm.s32 @p2 $0x1  }
0x17: {  	s4 =	simm.s32 $0x1BF5;
	[smem:$0x3FA2] =	sst s0  }
0x18: {  	s0 =	sld [smem:$0x3F85];
	_ =	swait.ge [sflag:s4], $0x0  }
0x19: {  	s7 =	sld [smem:$0x3F86]  }
0x1a: {  	s8 =	sadd.s32 $0xFFFFE003, lr  }
0x1b: {  	s9 =	sadd.s32 $0xFFFFFEF7, lr;
	s5 =	simm.s32 $0xFFFFFFFF;
	p2 =	slt.u32 s8, $0xFFFFF086  }
0x1c: {  	p1 =	slt.u32 s9, $0xF7A;
	s5 =	simm.s32 @!p2 $0x0  }
0x1d: {  	s5 =	simm.s32 @p1 $0x1;
	p0 =	seq.s32 s7, s2  }
0x1e: {  	s7 =	smul.u32 @!p0 $0xF7A, s2;
	p2 =	seq.s32 @!p0 s5, $0x0  }
0x1f: {  	s9 =	smul.u32 $0xF7A, s1;
	s8 =	simm.s32 @!p0 $0x1BF5;
	p2 =	por !p2, p0  }
0x20: {  	[sflag:s8] =	ssyncset.s32 @!p0 $0xFFFFF086;
	s6 =	sadd.s32 @!p0 s3, s7;
	s7 =	simm.s32 @!p0 $0x108  }
0x21: {  	s3 =	sadd.s32 s3, s9;
	s6 =	sadd.s32 @!p0 $0x88, s6;
	s7 =	simm.s32 @p2 $0x1082  }
0x22: {  	[simem:s7], [sflag:s8] =	dma.local @!p0 [hbm:s6], $0xF7A  }
0x23: {  	s9 =	sor.u32 $0xD0000000, s2;
	s6 =	simm.s32 $0x108;
	_ =	swait.ge @!p0 [sflag:s8], $0x0  }
0x24: {  	s3 =	sadd.s32 $0x88, s3;
	s6 =	simm.s32 @!p1 $0x1082;
	[sflag:s4] =	ssyncset.s32 $0xFFFFF086  }
0x25: {  	[simem:s6], [sflag:s4] =	dma.local [hbm:s3], $0xF7A  }
0x26: {  	[smem:$0x3F86] =	sst s1;
	(tag) =	ssettag s2;
	_ =	strace s9  }
0x27: {  	s1 =	sld [smem:$0x3F96]  }
0x28: {  	s2 =	sld [smem:$0x3F97]  }
0x29: {  	s4 =	sld [smem:$0x3F99]  }
0x2a: {  	p0 =	seq.s32 s5, $0x0;
	s5 =	sld [smem:$0x3F9A]  }
0x2b: {  	s6 =	sld [smem:$0x3F9B]  }
0x2c: {  	s7 =	sld [smem:$0x3F9C]  }
0x2d: {  	s3 =	simm.s32 $0x108;
	s8 =	sld [smem:$0x3F9D]  }
0x2e: {  	s3 =	simm.s32 @!p0 $0x1082;
	s9 =	sld [smem:$0x3F9E]  }
0x2f: {  	lr =	sadd.s32 s0, s3;
	s0 =	sld [smem:$0x3F95]  }
0x30: {  	s3 =	sld [smem:$0x3F98]  }
0x31: {  	[smem:$0x3FA1] =	sst s10  }
0x32: {  	s10 =	sld [smem:$0x3F9F];
	_ =	sdelay $0x3  }
0x33: {  	p0 =	seq.s32 s10, $0x1;
	s10 =	sld [smem:$0x3FA1];
	_ =	sdelay $0x3  }
0x34: {  	[smem:$0x3FA1] =	sst s10  }
0x35: {  	s10 =	sld [smem:$0x3FA0];
	_ =	sdelay $0x3  }
0x36: {  	p1 =	seq.s32 s10, $0x1;
	s10 =	sld [smem:$0x3FA1];
	_ =	sdelay $0x3  }
0x37: {  	[smem:$0x3FA1] =	sst s10  }
0x38: {  	s10 =	sld [smem:$0x3FA2]  }
0x39: {  	_ = 	snop;
	(pc) =	sbr.ind lr, $3  }
0x3a: {  	_ = 	snop  }
0x3b: {  	_ = 	snop  }
0x3c: {  	p2 =	seq.s32 s10, $0x1;
	s10 =	sld [smem:$0x3FA1]  }
0x3d: {  	_ =	shalt  }
0x3e: {  	_ =	shalt  }
0x3f: {  	_ =	shalt  }
0x40: {  	_ =	shalt  }
0x41: {  	_ =	shalt  }
0x42: {  	_ =	shalt  }
0x43: {  	_ =	shalt  }
0x44: {  	_ =	shalt  }
0x45: {  	_ =	shalt  }
0x46: {  	_ =	shalt  }
0x47: {  	_ =	shalt  }
0x48: {  	_ =	shalt  }
0x49: {  	_ =	shalt  }
0x4a: {  	_ =	shalt  }
0x4b: {  	_ =	shalt  }
0x4c: {  	_ =	shalt  }
0x4d: {  	_ =	shalt  }
0x4e: {  	_ =	shalt  }
0x4f: {  	_ =	shalt  }
0x50: {  	_ =	shalt  }
0x51: {  	_ =	shalt  }
0x52: {  	_ =	shalt  }
0x53: {  	_ =	shalt  }
0x54: {  	_ =	shalt  }
0x55: {  	_ =	shalt  }
0x56: {  	_ =	shalt  }
0x57: {  	_ =	shalt  }
0x58: {  	_ =	shalt  }
0x59: {  	_ =	shalt  }
0x5a: {  	_ =	shalt  }
0x5b: {  	_ =	shalt  }
0x5c: {  	_ =	shalt  }
0x5d: {  	_ =	shalt  }
0x5e: {  	_ =	shalt  }
0x5f: {  	_ =	shalt  }
0x60: {  	_ =	shalt  }
0x61: {  	_ =	shalt  }
0x62: {  	_ =	shalt  }
0x63: {  	_ =	shalt  }
0x64: {  	_ =	shalt  }
0x65: {  	_ =	shalt  }
0x66: {  	_ =	shalt  }
0x67: {  	_ =	shalt  }
0x68: {  	_ =	shalt  }
0x69: {  	_ =	shalt  }
0x6a: {  	_ =	shalt  }
0x6b: {  	_ =	shalt  }
0x6c: {  	_ =	shalt  }
0x6d: {  	_ =	shalt  }
0x6e: {  	_ =	shalt  }
0x6f: {  	_ =	shalt  }
0x70: {  	_ =	shalt  }
0x71: {  	_ =	shalt  }
0x72: {  	_ =	shalt  }
0x73: {  	_ =	shalt  }
0x74: {  	_ =	shalt  }
0x75: {  	_ =	shalt  }
0x76: {  	_ =	shalt  }
0x77: {  	_ =	shalt  }
0x78: {  	_ =	shalt  }
0x79: {  	_ =	shalt  }
0x7a: {  	_ =	shalt  }
0x7b: {  	_ =	shalt  }
0x7c: {  	_ =	shalt  }
0x7d: {  	_ =	shalt  }
0x7e: {  	_ =	shalt  }
0x7f: {  	_ =	shalt  }
0x80: {  	_ =	shalt  }
0x81: {  	_ =	shalt  }
0x82: {  	_ =	shalt  }
0x83: {  	_ =	shalt  }
0x84: {  	_ =	shalt  }
0x85: {  	_ =	shalt  }
0x86: {  	_ =	shalt  }
0x87: {  	_ =	shalt  }
.Lfunc_end0:
.L_simem_size_0:
called_computation.2_lowered:
.L_overlay_start_0:
0x88: {  	s2 =	sld [smem:$0x3FD9]  }
0x89: {  	s3 =	sld [smem:$0x3FFE];
	_ =	sdelay $0x1  }
0x8a: {  	s1 =	srdreg.scid  }
0x8b: {  	s0 =	sand.u32 $0x1, s1  }
0x8c: {  	s14 =	sshll.u32 s0, $0xA;
	s2 =	sadd.s32 s3, s2  }
0x8d: {  	s2 =	sadd.s32 s2, s14  }
0x8e: {  	[smem:$0x3FAD] =	sst s2  }
0x8f: {  	_ = 	snop  }
0x90: {  	s2 =	sld [smem:$0x3FD0];
	_ =	sdelay $0x2  }
0x91: {  	s15 =	simm.s32 $0xA;
	s4 =	simm.s32 $0x10  }
0x92: {  	[smem:s4], [sflag:s15] =	dma.local [hbm:s2], $0x1  }
0x93: {  	_ =	swait.eq [sflag:s15], $0x1  }
0x94: {  	s16 =	sld [smem:$0x10];
	[sflag:s15] =	ssyncset.done $0x0  }
0x95: {  	s17 =	sld [smem:$0x11];
	[sflag:s15] =	ssyncadd.s32 $0xFFFFFFFF  }
0x96: {  	s18 =	sld [smem:$0x12];
	(tm) =	ssettm $0x1  }
0x97: {  	s5 =	sld [smem:$0x3FFB];
	_ =	sdelay $0x3  }
0x98: {  	_ =	strace s5  }
0x99: {  	s5 =	sld [smem:$0x3FFC];
	_ =	sdelay $0x3  }
0x9a: {  	_ =	strace s5  }
0x9b: {  	s5 =	sld [smem:$0x3FFD];
	_ =	sdelay $0x3  }
0x9c: {  	_ =	strace s5  }
0x9d: {  	_ =	strace $0x8FFFFFFF  }
0x9e: {  	s19 =	sld [smem:$0x3FDB];
	_ =	sdelay $0x1  }
0x9f: {  	s6 =	simm.s32 $_scs_section_size  }
0xa0: {  	s7 =	simm.s32 $_size__tile_overlayer_lowered;
	s8 =	simm.s32 $_tile_overlayer_lowered  }
0xa1: {  	s22 =	simm.s32 $0x1BFF;
	s21 =	sshll.u32 s8, $0x1;
	s5 =	sadd.s32 s6, s19  }
0xa2: {  	s9 =	simm.s32 $0x0;
	s20 =	sshll.u32 s7, $0x1;
	s7 =	sadd.s32 s21, s5  }
0xa3: {  	[timem:s9], [sflag:s22] =	dma.local [hbm:s7], s20  }
0xa4: {  	_ =	swait.ge [sflag:s22], s20  }
0xa5: {  	s6 =	ssub.s32 $0x0, s20;
	[sflag:s22] =	ssyncset.done $0x0  }
0xa6: {  	[sflag:s22] =	ssyncadd.s32 s6;
	_ =	sdelay $0x1  }
0xa7: {  	s23 =	simm.s32 $0x1B8B  }
0xa8: {  	_ =	swait.ge [sflag:s23], $0x1  }
0xa9: {  	[sflag:s23] =	ssyncset.done $0x0  }
0xaa: {  	s25 =	simm.s32 $0x1B8E;
	s24 =	sld [smem:$0x3FFE];
	[sflag:s23] =	ssyncadd.s32 $0xFFFFFFFF  }
0xab: {  	s26 =	simm.s32 $execute0_lowered;
	[smem:$0x3FD2] =	sst s25  }
0xac: {  	s7 =	sshll.u32 s26, $0x1;
	_ =	strace $0x8000004C;
	[dreg:$0x1] =	wrdreg $0xFFFFFFFF  }
0xad: {  	s28 =	simm.s32 $_size_execute0_lowered;
	s5 =	sadd.s32 s5, s7;
	[dreg:$0x0] =	wrdreg $0x0  }
0xae: {  	s7 =	sshll.u32 s28, $0x1;
	[dreg:$0x2] =	wrdreg s5  }
0xaf: {  	[dreg:$0x3] =	wrdreg s7  }
0xb0: {  	[dreg:$0x4] =	wrdreg $0xC0  }
0xb1: {  	_ =	task [dreg:s9], $0x5FFFF  }
0xb2: {  	[dreg:$0x1] =	wrdreg $0xFFFFFFFF  }
0xb3: {  	[dreg:$0x0] =	wrdreg $0x60  }
0xb4: {  	[dreg:$0x2] =	wrdreg s24  }
0xb5: {  	[dreg:$0x3] =	wrdreg s16  }
0xb6: {  	[dreg:$0x4] =	wrdreg s17  }
0xb7: {  	[dreg:$0x5] =	wrdreg s18  }
0xb8: {  	[dreg:$0x6] =	wrdreg $0x9  }
0xb9: {  	_ =	task.clear_ibuf [dreg:s9], $0x7FFFF;
	_ =	strace $0x9000004C  }
0xba: {  	s29 =	simm.s32 $0x9;
	_ =	strace $0x8000004E  }
0xbb: {  	_ =	swait.ge [sflag:s29], $0x1  }
0xbc: {  	[sflag:s29] =	ssyncadd.s32 $0xFFFFFFFF  }
0xbd: {  	_ =	strace $0x9000004E  }
0xbe: {  	_ =	sfence  }
0xbf: {  	s30 =	sld [smem:$0x0];
	_ =	sdelay $0x2  }
0xc0: {  	s31 =	sshll.u32 s1, $0xD;
	s1 =	sshrl.u32 s1, $0x2  }
0xc1: {  	s3 =	sand.u32 $0x4000, s31;
	s1 =	sadd.s32 s1, s30  }
0xc2: {  	s0 =	sor.u32 s3, s0;
	s1 =	sshll.u32 s1, $0x11  }
0xc3: {  	s0 =	sor.u32 s1, s0  }
0xc4: {  	s0 =	sadd.s32 $0x8F2B, s0  }
0xc5: {  	[sflag:s0] =	ssyncadd.remote.s32 $0x1  }
0xc6: {  	_ =	sfence.sel $0xFFFF  }
0xc7: {  	[dreg:$0x0] =	wrdreg $0xFFFFFFFF;
	(pc) =	sbr.abs _section_cstart, $3  }
0xc8: {  	[dreg:$0x1] =	wrdreg $0xFFFFFFFF  }
0xc9: {  	_ =	task.clear_ibuf [dreg:s9], $0x2FFFF;
	_ =	strace $0x9FFFFFFF  }
0xca: {  	(tm) =	ssettm $0x7FFFFFFF  }
0xcb: {  	_ =	shalt  }
tec
execute0_lowered:
.L_overlay_start_1:
0x0: {  	(tag) =	ssettag $0x1  }
0x1: {  	s1 =	srdreg.scid;
	s6 =	rddreg [dreg:$0x0]  }
0x2: {  	s0 =	stileid.u32;
	s8 =	rddreg [dreg:$0x1];
	vm0 =	vcmask $0x1F14;
	vm1 =	vcmask $0xF04  }
0x3: {  	s10 =	rddreg [dreg:$0x2];
	vm14 =	vcmask $0x2F24;
	s5 =	sand.u32 $0x1, s1;
	s30 =	sshll.u32 s0, $0x1;
	vm0 =	vmor vm1, vm0  }
0x4: {  	s11 =	rddreg [dreg:$0x3];
	vm15 =	vcmask $0x3F34;
	s2 =	simm.s32 $0x0;
	s9 =	sor.u32 s5, s30;
	vm0 =	vmor vm0, vm14  }
0x5: {  	v21 =	vlaneseq.u32;
	s1 =	rddreg [dreg:$0x4];
	s12 =	sshll.u32 s9, $0x8;
	vm0 =	vmor vm0, vm15;
	s28 =	sshll.u32 s9, $0x6  }
0x6: {  	[smem:$0x7FF] =	sst s2;
	s3 =	sadd.s32 $0x4A00, s6;
	s4 =	sadd.s32 $0x5E00, s6;
	v0 =	vmov s12;
	v1 =	vor.u32 s12, v21;
	v17 =	vor.u32 s28, v21  }
0x7: {  	s14 =	sor.u32 $0x10, s12;
	s17 =	sor.u32 $0x30, s12;
	s18 =	sor.u32 $0x40, s12;
	vm2 =	veq.s32 v0, v21;
	v0 =	vimm.s32 $0x0;
	v2 =	vshrl.u32 v1, $0x2  }
0x8: {  	s19 =	sor.u32 $0x60, s12;
	s20 =	sor.u32 $0x70, s12;
	s21 =	sor.u32 $0x80, s12;
	v3 =	vor.u32 s14, v21;
	v4 =	vor.u32 s17, v21;
	v5 =	vor.u32 s18, v21  }
0x9: {  	s22 =	sor.u32 $0x90, s12;
	s23 =	sor.u32 $0xA0, s12;
	s24 =	sor.u32 $0xB0, s12;
	v7 =	vor.u32 s19, v21;
	v8 =	vor.u32 s20, v21;
	v9 =	vor.u32 s21, v21  }
0xa: {  	s25 =	sor.u32 $0xE0, s12;
	s29 =	sor.u32 $0x10, s28;
	s30 =	sor.u32 $0x20, s28;
	v10 =	vor.u32 s22, v21;
	v11 =	vor.u32 s23, v21;
	v12 =	vor.u32 s24, v21  }
0xb: {  	_ =	strace $0x8000004D;
	s7 =	ssub.s32 $0x2, s5;
	s5 =	sadd.s32 $0x6400, s6;
	v15 =	vor.u32 s25, v21;
	v18 =	vor.u32 s29, v21;
	v19 =	vor.u32 s30, v21  }
0xc: {  	s13 =	smul.u32 $0x188, s9;
	s16 =	sshrl.u32 s7, $0x1;
	s18 =	sor.u32 $0x50, s12;
	vm0 =	vmand vm2, vm0;
	v4 =	vshrl.u32 v4, $0x2;
	v5 =	vshrl.u32 v5, $0x2  }
0xd: {  	s26 =	sshll.u32 s9, $0x5;
	s9 =	sshll.u32 s9, $0x3;
	s31 =	sor.u32 $0x20, s12;
	v6 =	vor.u32 s18, v21;
	v7 =	vshrl.u32 v7, $0x2;
	v8 =	vshrl.u32 v8, $0x2  }
0xe: {  	s16 =	ssub.s32 s7, s16;
	s19 =	sor.u32 $0xC0, s12;
	s20 =	sor.u32 $0xD0, s12;
	v9 =	vshrl.u32 v9, $0x2;
	v10 =	vshrl.u32 v10, $0x2;
	v11 =	vshrl.u32 v11, $0x2  }
0xf: {  	s8 =	sadd.s32 s8, s26;
	s9 =	sadd.s32 s10, s9;
	s12 =	sor.u32 $0xF0, s12;
	v12 =	vshrl.u32 v12, $0x2;
	v13 =	vor.u32 s19, v21;
	v14 =	vor.u32 s20, v21  }
0x10: {  	s15 =	sadd.s32 s13, s6;
	s6 =	sadd.s32 $0x92A00, s6;
	s10 =	sadd.s32 s11, s13;
	v15 =	vshrl.u32 v15, $0x2;
	v16 =	vor.u32 s12, v21;
	v0 =	vsel vm0, $0xFFFFFFFF, v0  }
0x11: {  	s11 =	smax.u32 s16, $0x1;
	s13 =	simm.s32 $0x9C80;
	s14 =	simm.s32 $0xC400;
	v6 =	vshrl.u32 v6, $0x2;
	v13 =	vshrl.u32 v13, $0x2;
	v0 =	vadd.s32 v0, v2  }
0x12: {  	s16 =	simm.s32 $0xF380;
	s17 =	simm.s32 $0x10000;
	s7 =	sadd.s32 $0x8F800, s15;
	v14 =	vshrl.u32 v14, $0x2;
	v16 =	vshrl.u32 v16, $0x2;
	v2 =	vshll.u32 v0, $0x2  }
0x13: {  	s12 =	simm.s32 $0x1;
	s15 =	simm.s32 $0xEB80;
	v1 =	vsub.s32 v1, v2;
	v2 =	vshrl.u32 v3, $0x2;
	v3 =	vor.u32 s31, v21;
	s31 =	sor.u32 $0x30, s28  }
0x14: {  	s18 =	simm.s32 $0x10100;
	s19 =	simm.s32 $0x10180;
	s20 =	simm.s32 $0x0;
	v3 =	vshrl.u32 v3, $0x2;
	v20 =	vor.u32 s31, v21;
	v21 =	vand.u32 $0x3, v21  }
.LBB2_1:
0x15: {  	[tilespmem:s2], [sflag:$0x1] =	stream.linear.gather [hbm4b:s3+s2], $0x9C80, $0x38;
	[tilespmem:$0x10E00] =	vst v63  }
0x16: {  	_ =	swait.ge [sflag:s12], $0x9C80  }
0x17: {  	[sflag:s12] =	ssyncset.done $0x0  }
0x18: {  	[sflag:s12] =	ssyncadd.s32 $0xFFFF6380  }
0x19: {  	[tilespmem:s13], [sflag:$0x1] =	stream.linear.gather [hbm4b:s4+s2], $0x2780, $0x38;
	[tilespmem:$0x10E00] =	vst v63  }
0x1a: {  	_ =	swait.ge [sflag:s12], $0x2780  }
0x1b: {  	[sflag:s12] =	ssyncset.done $0x0  }
0x1c: {  	[sflag:s12] =	ssyncadd.s32 $0xFFFFD880  }
0x1d: {  	[tilespmem:s14], [sflag:$0x1] =	stream.linear.gather [hbm4b:s5+s2], $0x2780, $0x38;
	[tilespmem:$0x10E00] =	vst v63  }
0x1e: {  	_ =	swait.ge [sflag:s12], $0x2780  }
0x1f: {  	[sflag:s12] =	ssyncset.done $0x0  }
0x20: {  	[sflag:s12] =	ssyncadd.s32 $0xFFFFD880  }
0x21: {  	[tilespmem:s15], [sflag:$0x1] =	stream.linear.gather [hbm4b:s6+s2], $0x800, $0x38;
	[tilespmem:$0x10E00] =	vst v63  }
0x22: {  	_ =	swait.ge [sflag:s12], $0x800  }
0x23: {  	[sflag:s12] =	ssyncset.done $0x0  }
0x24: {  	[sflag:s12] =	ssyncadd.s32 $0xFFFFF800  }
0x25: {  	[tilespmem:s16], [sflag:$0x1] =	stream.linear.gather [hbm4b:s7+s2], $0xC40, $0x38;
	[tilespmem:$0x10E00] =	vst v63  }
0x26: {  	_ =	swait.ge [sflag:s12], $0xC40  }
0x27: {  	[sflag:s12] =	ssyncset.done $0x0  }
0x28: {  	[sflag:s12] =	ssyncadd.s32 $0xFFFFF3C0  }
0x29: {  	v22 =	vld.idx.msk [tilespmem:v0+s15+$0x0], $0xffff;
	_ =	sdelay $0x4  }
0x2a: {  	v22 =	vshll.u32 v22, $0x2  }
0x2b: {  	v22 =	vadd.s32 v22, v1;
	_ =	sdelay $0x4  }
0x2c: {  	v22 =	vld.idx.msk [tilespmem:v22+s2+$0x0], $0xffff;
	_ =	sdelay $0x4  }
0x2d: {  	[tilespmem:$0x10000] =	vst v22  }
0x2e: {  	v22 =	vld.idx.msk [tilespmem:v2+s15+$0x0], $0xffff;
	_ =	sdelay $0x4  }
0x2f: {  	v22 =	vshll.u32 v22, $0x2  }
0x30: {  	v22 =	vor.u32 v21, v22;
	_ =	sdelay $0x4  }
0x31: {  	v22 =	vld.idx.msk [tilespmem:v22+s2+$0x0], $0xffff;
	_ =	sdelay $0x4  }
0x32: {  	[tilespmem:$0x10010] =	vst v22  }
0x33: {  	v22 =	vld.idx.msk [tilespmem:v3+s15+$0x0], $0xffff;
	_ =	sdelay $0x4  }
0x34: {  	v22 =	vshll.u32 v22, $0x2  }
0x35: {  	v22 =	vor.u32 v21, v22;
	_ =	sdelay $0x4  }
0x36: {  	v22 =	vld.idx.msk [tilespmem:v22+s2+$0x0], $0xffff;
	_ =	sdelay $0x4  }
0x37: {  	[tilespmem:$0x10020] =	vst v22  }
0x38: {  	v22 =	vld.idx.msk [tilespmem:v4+s15+$0x0], $0xffff;
	_ =	sdelay $0x4  }
0x39: {  	v22 =	vshll.u32 v22, $0x2  }
0x3a: {  	v22 =	vor.u32 v21, v22;
	_ =	sdelay $0x4  }
0x3b: {  	v22 =	vld.idx.msk [tilespmem:v22+s2+$0x0], $0xffff;
	_ =	sdelay $0x4  }
0x3c: {  	[tilespmem:$0x10030] =	vst v22  }
0x3d: {  	v22 =	vld.idx.msk [tilespmem:v5+s15+$0x0], $0xffff;
	_ =	sdelay $0x4  }
0x3e: {  	v22 =	vshll.u32 v22, $0x2  }
0x3f: {  	v22 =	vor.u32 v21, v22;
	_ =	sdelay $0x4  }
0x40: {  	v22 =	vld.idx.msk [tilespmem:v22+s2+$0x0], $0xffff;
	_ =	sdelay $0x4  }
0x41: {  	[tilespmem:$0x10040] =	vst v22  }
0x42: {  	v22 =	vld.idx.msk [tilespmem:v6+s15+$0x0], $0xffff;
	_ =	sdelay $0x4  }
0x43: {  	v22 =	vshll.u32 v22, $0x2  }
0x44: {  	v22 =	vor.u32 v21, v22;
	_ =	sdelay $0x4  }
0x45: {  	v22 =	vld.idx.msk [tilespmem:v22+s2+$0x0], $0xffff;
	_ =	sdelay $0x4  }
0x46: {  	[tilespmem:$0x10050] =	vst v22  }
0x47: {  	v22 =	vld.idx.msk [tilespmem:v7+s15+$0x0], $0xffff;
	_ =	sdelay $0x4  }
0x48: {  	v22 =	vshll.u32 v22, $0x2  }
0x49: {  	v22 =	vor.u32 v21, v22;
	_ =	sdelay $0x4  }
0x4a: {  	v22 =	vld.idx.msk [tilespmem:v22+s2+$0x0], $0xffff;
	_ =	sdelay $0x4  }
0x4b: {  	[tilespmem:$0x10060] =	vst v22  }
0x4c: {  	v22 =	vld.idx.msk [tilespmem:v8+s15+$0x0], $0xffff;
	_ =	sdelay $0x4  }
0x4d: {  	v22 =	vshll.u32 v22, $0x2  }
0x4e: {  	v22 =	vor.u32 v21, v22;
	_ =	sdelay $0x4  }
0x4f: {  	v22 =	vld.idx.msk [tilespmem:v22+s2+$0x0], $0xffff;
	_ =	sdelay $0x4  }
0x50: {  	[tilespmem:$0x10070] =	vst v22  }
0x51: {  	v22 =	vld.idx.msk [tilespmem:v9+s15+$0x0], $0xffff;
	_ =	sdelay $0x4  }
0x52: {  	v22 =	vshll.u32 v22, $0x2  }
0x53: {  	v22 =	vor.u32 v21, v22;
	_ =	sdelay $0x4  }
0x54: {  	v22 =	vld.idx.msk [tilespmem:v22+s2+$0x0], $0xffff;
	_ =	sdelay $0x4  }
0x55: {  	[tilespmem:$0x10080] =	vst v22  }
0x56: {  	v22 =	vld.idx.msk [tilespmem:v10+s15+$0x0], $0xffff;
	_ =	sdelay $0x4  }
0x57: {  	v22 =	vshll.u32 v22, $0x2  }
0x58: {  	v22 =	vor.u32 v21, v22;
	_ =	sdelay $0x4  }
0x59: {  	v22 =	vld.idx.msk [tilespmem:v22+s2+$0x0], $0xffff;
	_ =	sdelay $0x4  }
0x5a: {  	[tilespmem:$0x10090] =	vst v22  }
0x5b: {  	v22 =	vld.idx.msk [tilespmem:v11+s15+$0x0], $0xffff;
	_ =	sdelay $0x4  }
0x5c: {  	v22 =	vshll.u32 v22, $0x2  }
0x5d: {  	v22 =	vor.u32 v21, v22;
	_ =	sdelay $0x4  }
0x5e: {  	v22 =	vld.idx.msk [tilespmem:v22+s2+$0x0], $0xffff;
	_ =	sdelay $0x4  }
0x5f: {  	[tilespmem:$0x100A0] =	vst v22  }
0x60: {  	v22 =	vld.idx.msk [tilespmem:v12+s15+$0x0], $0xffff;
	_ =	sdelay $0x4  }
0x61: {  	v22 =	vshll.u32 v22, $0x2  }
0x62: {  	v22 =	vor.u32 v21, v22;
	_ =	sdelay $0x4  }
0x63: {  	v22 =	vld.idx.msk [tilespmem:v22+s2+$0x0], $0xffff;
	_ =	sdelay $0x4  }
0x64: {  	[tilespmem:$0x100B0] =	vst v22  }
0x65: {  	v22 =	vld.idx.msk [tilespmem:v13+s15+$0x0], $0xffff;
	_ =	sdelay $0x4  }
0x66: {  	v22 =	vshll.u32 v22, $0x2  }
0x67: {  	v22 =	vor.u32 v21, v22;
	_ =	sdelay $0x4  }
0x68: {  	v22 =	vld.idx.msk [tilespmem:v22+s2+$0x0], $0xffff;
	_ =	sdelay $0x4  }
0x69: {  	[tilespmem:$0x100C0] =	vst v22  }
0x6a: {  	v22 =	vld.idx.msk [tilespmem:v14+s15+$0x0], $0xffff;
	_ =	sdelay $0x4  }
0x6b: {  	v22 =	vshll.u32 v22, $0x2  }
0x6c: {  	v22 =	vor.u32 v21, v22;
	_ =	sdelay $0x4  }
0x6d: {  	v22 =	vld.idx.msk [tilespmem:v22+s2+$0x0], $0xffff;
	_ =	sdelay $0x4  }
0x6e: {  	[tilespmem:$0x100D0] =	vst v22  }
0x6f: {  	v22 =	vld.idx.msk [tilespmem:v15+s15+$0x0], $0xffff;
	_ =	sdelay $0x4  }
0x70: {  	v22 =	vshll.u32 v22, $0x2  }
0x71: {  	v22 =	vor.u32 v21, v22;
	_ =	sdelay $0x4  }
0x72: {  	v22 =	vld.idx.msk [tilespmem:v22+s2+$0x0], $0xffff;
	_ =	sdelay $0x4  }
0x73: {  	[tilespmem:$0x100E0] =	vst v22  }
0x74: {  	v22 =	vld.idx.msk [tilespmem:v16+s15+$0x0], $0xffff;
	_ =	sdelay $0x4  }
0x75: {  	v22 =	vshll.u32 v22, $0x2  }
0x76: {  	v22 =	vor.u32 v21, v22;
	_ =	sdelay $0x4  }
0x77: {  	v22 =	vld.idx.msk [tilespmem:v22+s2+$0x0], $0xffff;
	_ =	sdelay $0x4  }
0x78: {  	[tilespmem:$0x100F0] =	vst v22  }
0x79: {  	[hbm4b:s8+s2] =	stream.linear.scatter [tilespmem:s17], [sflag:$0x1], $0x100, $0x38;
	[tilespmem:$0x10E00] =	vst v63  }
0x7a: {  	_ =	swait.ge [sflag:s12], $0x100  }
0x7b: {  	[sflag:s12] =	ssyncset.done $0x0  }
0x7c: {  	[sflag:s12] =	ssyncadd.s32 $0xFFFFFF00  }
0x7d: {  	v22 =	vld.idx.msk [tilespmem:v17+s15+$0x0], $0xffff;
	_ =	sdelay $0x7  }
0x7e: {  	v22 =	vld.idx.msk [tilespmem:v22+s13+$0x0], $0xffff;
	_ =	sdelay $0x4  }
0x7f: {  	[tilespmem:$0x10100] =	vst v22  }
0x80: {  	v22 =	vld.idx.msk [tilespmem:v18+s15+$0x0], $0xffff;
	_ =	sdelay $0x7  }
0x81: {  	v22 =	vld.idx.msk [tilespmem:v22+s13+$0x0], $0xffff;
	_ =	sdelay $0x4  }
0x82: {  	[tilespmem:$0x10110] =	vst v22  }
0x83: {  	v22 =	vld.idx.msk [tilespmem:v19+s15+$0x0], $0xffff;
	_ =	sdelay $0x7  }
0x84: {  	v22 =	vld.idx.msk [tilespmem:v22+s13+$0x0], $0xffff;
	_ =	sdelay $0x4  }
0x85: {  	[tilespmem:$0x10120] =	vst v22  }
0x86: {  	v22 =	vld.idx.msk [tilespmem:v20+s15+$0x0], $0xffff;
	_ =	sdelay $0x7  }
0x87: {  	v22 =	vld.idx.msk [tilespmem:v22+s13+$0x0], $0xffff;
	_ =	sdelay $0x4  }
0x88: {  	[tilespmem:$0x10130] =	vst v22  }
0x89: {  	[hbm4b:s9+s2] =	stream.linear.scatter [tilespmem:s18], [sflag:$0x1], $0x40, $0x38;
	[tilespmem:$0x10E00] =	vst v63  }
0x8a: {  	_ =	swait.ge [sflag:s12], $0x40  }
0x8b: {  	[sflag:s12] =	ssyncset.done $0x0  }
0x8c: {  	s21 =	simm.s32 $0x0;
	[sflag:s12] =	ssyncadd.s32 $0xFFFFFFC0  }
0x8d: {  	v22 =	vld [tilespmem:s21+$0xF380];
	_ =	sdelay $0x7  }
0x8e: {  	s22 =	simm.s32 $0x10;
	s23 =	simm.s32 $0x80;
	v22 =	vld.idx.msk [tilespmem:v22+s14+$0x0], $0xffff  }
.LBB2_2:
0x8f: {  	p0 =	sne.s32 s23, $0x30C0;
	v23 =	vld [tilespmem:s22+$0xF380];
	_ =	sdelay $0x3  }
.Ltmp0:
0x90: {  	(pc) =	sbr.rel @p0 .LBB2_2-.Ltmp0, $2  }
0x91: {  	[tilespmem:s21+$0x10180] =	vst v22;
	s21 =	smov.u32 s22;
	_ =	sdelay $0x2  }
0x92: {  	s22 =	sshra.s32 s23, $0x2;
	s23 =	sadd.s32 $0x40, s23;
	v22 =	vld.idx.msk [tilespmem:v23+s14+$0x0], $0xffff  }
0x93: {  	v23 =	vld [tilespmem:s22+$0xF380];
	_ =	sdelay $0x6  }
0x94: {  	[tilespmem:s21+$0x10180] =	vst v22  }
0x95: {  	v22 =	vld.idx.msk [tilespmem:v23+s14+$0x0], $0xffff;
	_ =	sdelay $0x2  }
0x96: {  	s20 =	sadd.s32 $0x1, s20  }
0x97: {  	p0 =	sne.s32 s20, s11  }
.Ltmp1:
0x98: {  	[tilespmem:s22+$0x10180] =	vst v22;
	(pc) =	sbr.rel @p0 .LBB2_1-.Ltmp1, $4  }
0x99: {  	[hbm4b:s10+s2] =	stream.linear.scatter [tilespmem:s19], [sflag:$0x1], $0xC40, $0x38;
	[tilespmem:$0x10E00] =	vst v63  }
0x9a: {  	_ =	swait.ge [sflag:s12], $0xC40  }
0x9b: {  	[sflag:s12] =	ssyncset.done $0x0  }
0x9c: {  	[sflag:s12] =	ssyncadd.s32 $0xFFFFF3C0  }
0x9d: {  	_ =	sfence.sel $0x180000  }
0x9e: {  	[bflag:$0x0] =	sbarrier.arrive $0xFFFF  }
0x9f: {  	p0 =	sne.s32 s0, $0x0;
	_ =	strace $0x9000004D  }
0xa0: {  	s0 =	sadd.s32 @!p0 $0x100000, s1;
	[bflag:$0x2] =	sbarrier.arrive $0xFFFF  }
0xa1: {  	[sflag:s0] =	ssyncadd.tile.s32 @!p0 $0x1;
	_ =	shalt  }
.Lfunc_end2:
_tile_overlayer_lowered:
.L_overlay_start_2:
0xa2: {  	(tag) =	ssettag $0x2  }
0xa3: {  	s0 =	rddreg [dreg:$0x0];
	s2 =	stileid.u32  }
0xa4: {  	s1 =	rddreg [dreg:$0x1];
	p0 =	sne.s32 s2, $0x0  }
0xa5: {  	s3 =	rddreg [dreg:$0x2];
	[bflag:$0x3] =	sbarrier.arrive $0xFFFF;
	s2 =	simm.s32 @!p0 $0x1C01  }
0xa6: {  	[timem:s3], [sflag:s2] =	dma.local @!p0 [hbm:s0], s1  }
0xa7: {  	s0 =	simm.s32 @!p0 $0x1  }
0xa8: {  	_ =	swait.ge @!p0 [sflag:s0], s1  }
0xa9: {  	s1 =	ssub.s32 @!p0 $0x0, s1;
	[sflag:s0] =	ssyncset.done @!p0 $0x0  }
0xaa: {  	[sflag:s0] =	ssyncadd.s32 @!p0 s1  }
0xab: {  	[bflag:$0x3] =	sbarrier.arrive $0xFFFF  }
0xac: {  	_ =	shalt  }

// kernel: kernel.9.cloned.1.call-start
scs
__scs_entry_jumppad:
0x0: {  	(pc) =	sbr.rel $0x88, $3  }
0x1: {  	(tag) =	ssettag $0x0;
	lr =	simm.s32 $0x1  }
0x2: {  	[smem:$0x3F86] =	sst lr;
	_ =	strace $0xD0000000  }
0x3: {  	_ = 	snop  }
0x4: {  	_ = 	snop  }
0x5: {  	_ = 	snop  }
0x6: {  	_ = 	snop  }
0x7: {  	_ = 	snop  }
__scs_overlays_trampoline_lowered:
0x8: {  	[smem:$0x3F95] =	sst s0  }
0x9: {  	[smem:$0x3F96] =	sst s1  }
0xa: {  	[smem:$0x3F97] =	sst s2  }
0xb: {  	[smem:$0x3F98] =	sst s3  }
0xc: {  	[smem:$0x3F99] =	sst s4  }
0xd: {  	[smem:$0x3F9A] =	sst s5  }
0xe: {  	[smem:$0x3F9B] =	sst s6  }
0xf: {  	[smem:$0x3F9C] =	sst s7  }
0x10: {  	[smem:$0x3F9D] =	sst s8  }
0x11: {  	[smem:$0x3F9E] =	sst s9;
	s0 =	simm.s32 @!p0 $0x0  }
0x12: {  	s1 =	sld [smem:$0x3F84];
	s0 =	simm.s32 @p0 $0x1  }
0x13: {  	[smem:$0x3F9F] =	sst s0;
	s0 =	simm.s32 @!p1 $0x0  }
0x14: {  	s2 =	sld [smem:$0x3F83];
	s0 =	simm.s32 @p1 $0x1  }
0x15: {  	[smem:$0x3FA0] =	sst s0;
	s0 =	simm.s32 @!p2 $0x0  }
0x16: {  	s3 =	sld [smem:$0x3FDB];
	s0 =	simm.s32 @p2 $0x1  }
0x17: {  	s4 =	simm.s32 $0x1BF5;
	[smem:$0x3FA2] =	sst s0  }
0x18: {  	s0 =	sld [smem:$0x3F85];
	_ =	swait.ge [sflag:s4], $0x0  }
0x19: {  	s7 =	sld [smem:$0x3F86]  }
0x1a: {  	s8 =	sadd.s32 $0xFFFFE003, lr  }
0x1b: {  	s9 =	sadd.s32 $0xFFFFFEF7, lr;
	s5 =	simm.s32 $0xFFFFFFFF;
	p2 =	slt.u32 s8, $0xFFFFF086  }
0x1c: {  	p1 =	slt.u32 s9, $0xF7A;
	s5 =	simm.s32 @!p2 $0x0  }
0x1d: {  	s5 =	simm.s32 @p1 $0x1;
	p0 =	seq.s32 s7, s2  }
0x1e: {  	s7 =	smul.u32 @!p0 $0xF7A, s2;
	p2 =	seq.s32 @!p0 s5, $0x0  }
0x1f: {  	s9 =	smul.u32 $0xF7A, s1;
	s8 =	simm.s32 @!p0 $0x1BF5;
	p2 =	por !p2, p0  }
0x20: {  	[sflag:s8] =	ssyncset.s32 @!p0 $0xFFFFF086;
	s6 =	sadd.s32 @!p0 s3, s7;
	s7 =	simm.s32 @!p0 $0x108  }
0x21: {  	s3 =	sadd.s32 s3, s9;
	s6 =	sadd.s32 @!p0 $0x88, s6;
	s7 =	simm.s32 @p2 $0x1082  }
0x22: {  	[simem:s7], [sflag:s8] =	dma.local @!p0 [hbm:s6], $0xF7A  }
0x23: {  	s9 =	sor.u32 $0xD0000000, s2;
	s6 =	simm.s32 $0x108;
	_ =	swait.ge @!p0 [sflag:s8], $0x0  }
0x24: {  	s3 =	sadd.s32 $0x88, s3;
	s6 =	simm.s32 @!p1 $0x1082;
	[sflag:s4] =	ssyncset.s32 $0xFFFFF086  }
0x25: {  	[simem:s6], [sflag:s4] =	dma.local [hbm:s3], $0xF7A  }
0x26: {  	[smem:$0x3F86] =	sst s1;
	(tag) =	ssettag s2;
	_ =	strace s9  }
0x27: {  	s1 =	sld [smem:$0x3F96]  }
0x28: {  	s2 =	sld [smem:$0x3F97]  }
0x29: {  	s4 =	sld [smem:$0x3F99]  }
0x2a: {  	p0 =	seq.s32 s5, $0x0;
	s5 =	sld [smem:$0x3F9A]  }
0x2b: {  	s6 =	sld [smem:$0x3F9B]  }
0x2c: {  	s7 =	sld [smem:$0x3F9C]  }
0x2d: {  	s3 =	simm.s32 $0x108;
	s8 =	sld [smem:$0x3F9D]  }
0x2e: {  	s3 =	simm.s32 @!p0 $0x1082;
	s9 =	sld [smem:$0x3F9E]  }
0x2f: {  	lr =	sadd.s32 s0, s3;
	s0 =	sld [smem:$0x3F95]  }
0x30: {  	s3 =	sld [smem:$0x3F98]  }
0x31: {  	[smem:$0x3FA1] =	sst s10  }
0x32: {  	s10 =	sld [smem:$0x3F9F];
	_ =	sdelay $0x3  }
0x33: {  	p0 =	seq.s32 s10, $0x1;
	s10 =	sld [smem:$0x3FA1];
	_ =	sdelay $0x3  }
0x34: {  	[smem:$0x3FA1] =	sst s10  }
0x35: {  	s10 =	sld [smem:$0x3FA0];
	_ =	sdelay $0x3  }
0x36: {  	p1 =	seq.s32 s10, $0x1;
	s10 =	sld [smem:$0x3FA1];
	_ =	sdelay $0x3  }
0x37: {  	[smem:$0x3FA1] =	sst s10  }
0x38: {  	s10 =	sld [smem:$0x3FA2]  }
0x39: {  	_ = 	snop;
	(pc) =	sbr.ind lr, $3  }
0x3a: {  	_ = 	snop  }
0x3b: {  	_ = 	snop  }
0x3c: {  	p2 =	seq.s32 s10, $0x1;
	s10 =	sld [smem:$0x3FA1]  }
0x3d: {  	_ =	shalt  }
0x3e: {  	_ =	shalt  }
0x3f: {  	_ =	shalt  }
0x40: {  	_ =	shalt  }
0x41: {  	_ =	shalt  }
0x42: {  	_ =	shalt  }
0x43: {  	_ =	shalt  }
0x44: {  	_ =	shalt  }
0x45: {  	_ =	shalt  }
0x46: {  	_ =	shalt  }
0x47: {  	_ =	shalt  }
0x48: {  	_ =	shalt  }
0x49: {  	_ =	shalt  }
0x4a: {  	_ =	shalt  }
0x4b: {  	_ =	shalt  }
0x4c: {  	_ =	shalt  }
0x4d: {  	_ =	shalt  }
0x4e: {  	_ =	shalt  }
0x4f: {  	_ =	shalt  }
0x50: {  	_ =	shalt  }
0x51: {  	_ =	shalt  }
0x52: {  	_ =	shalt  }
0x53: {  	_ =	shalt  }
0x54: {  	_ =	shalt  }
0x55: {  	_ =	shalt  }
0x56: {  	_ =	shalt  }
0x57: {  	_ =	shalt  }
0x58: {  	_ =	shalt  }
0x59: {  	_ =	shalt  }
0x5a: {  	_ =	shalt  }
0x5b: {  	_ =	shalt  }
0x5c: {  	_ =	shalt  }
0x5d: {  	_ =	shalt  }
0x5e: {  	_ =	shalt  }
0x5f: {  	_ =	shalt  }
0x60: {  	_ =	shalt  }
0x61: {  	_ =	shalt  }
0x62: {  	_ =	shalt  }
0x63: {  	_ =	shalt  }
0x64: {  	_ =	shalt  }
0x65: {  	_ =	shalt  }
0x66: {  	_ =	shalt  }
0x67: {  	_ =	shalt  }
0x68: {  	_ =	shalt  }
0x69: {  	_ =	shalt  }
0x6a: {  	_ =	shalt  }
0x6b: {  	_ =	shalt  }
0x6c: {  	_ =	shalt  }
0x6d: {  	_ =	shalt  }
0x6e: {  	_ =	shalt  }
0x6f: {  	_ =	shalt  }
0x70: {  	_ =	shalt  }
0x71: {  	_ =	shalt  }
0x72: {  	_ =	shalt  }
0x73: {  	_ =	shalt  }
0x74: {  	_ =	shalt  }
0x75: {  	_ =	shalt  }
0x76: {  	_ =	shalt  }
0x77: {  	_ =	shalt  }
0x78: {  	_ =	shalt  }
0x79: {  	_ =	shalt  }
0x7a: {  	_ =	shalt  }
0x7b: {  	_ =	shalt  }
0x7c: {  	_ =	shalt  }
0x7d: {  	_ =	shalt  }
0x7e: {  	_ =	shalt  }
0x7f: {  	_ =	shalt  }
0x80: {  	_ =	shalt  }
0x81: {  	_ =	shalt  }
0x82: {  	_ =	shalt  }
0x83: {  	_ =	shalt  }
0x84: {  	_ =	shalt  }
0x85: {  	_ =	shalt  }
0x86: {  	_ =	shalt  }
0x87: {  	_ =	shalt  }
.Lfunc_end0:
.L_simem_size_0:
called_computation_lowered:
.L_overlay_start_0:
0x88: {  	s2 =	sld [smem:$0x3FD9]  }
0x89: {  	s3 =	sld [smem:$0x3FFE];
	_ =	sdelay $0x1  }
0x8a: {  	s1 =	srdreg.scid  }
0x8b: {  	s0 =	sand.u32 $0x1, s1  }
0x8c: {  	s14 =	sshll.u32 s0, $0xA;
	s2 =	sadd.s32 s3, s2  }
0x8d: {  	s2 =	sadd.s32 s2, s14  }
0x8e: {  	[smem:$0x3FAD] =	sst s2  }
0x8f: {  	_ = 	snop  }
0x90: {  	s2 =	sld [smem:$0x3FD0];
	_ =	sdelay $0x2  }
0x91: {  	s15 =	simm.s32 $0xA;
	s4 =	simm.s32 $0x10  }
0x92: {  	[smem:s4], [sflag:s15] =	dma.local [hbm:s2], $0x1  }
0x93: {  	_ =	swait.eq [sflag:s15], $0x1  }
0x94: {  	[sflag:s15] =	ssyncset.done $0x0  }
0x95: {  	[sflag:s15] =	ssyncadd.s32 $0xFFFFFFFF  }
0x96: {  	s16 =	sld [smem:$0x12];
	(tm) =	ssettm $0x1  }
0x97: {  	s17 =	sld [smem:$0x3FFB];
	_ =	sdelay $0x3  }
0x98: {  	_ =	strace s17  }
0x99: {  	s3 =	sld [smem:$0x3FFC];
	_ =	sdelay $0x3  }
0x9a: {  	_ =	strace s3  }
0x9b: {  	s3 =	sld [smem:$0x3FFD];
	_ =	sdelay $0x3  }
0x9c: {  	_ =	strace s3  }
0x9d: {  	_ =	strace $0x8FFFFFFF  }
0x9e: {  	s18 =	sld [smem:$0x3FDB];
	_ =	sdelay $0x1  }
0x9f: {  	s19 =	simm.s32 $_scs_section_size  }
0xa0: {  	s5 =	simm.s32 $_size__tile_overlayer_lowered;
	s6 =	simm.s32 $_tile_overlayer_lowered  }
0xa1: {  	s22 =	simm.s32 $0x1BFF;
	s21 =	sshll.u32 s6, $0x1;
	s3 =	sadd.s32 s19, s18  }
0xa2: {  	s7 =	simm.s32 $0x0;
	s20 =	sshll.u32 s5, $0x1;
	s5 =	sadd.s32 s21, s3  }
0xa3: {  	[timem:s7], [sflag:s22] =	dma.local [hbm:s5], s20  }
0xa4: {  	_ =	swait.ge [sflag:s22], s20  }
0xa5: {  	s4 =	ssub.s32 $0x0, s20;
	[sflag:s22] =	ssyncset.done $0x0  }
0xa6: {  	[sflag:s22] =	ssyncadd.s32 s4;
	_ =	sdelay $0x1  }
0xa7: {  	s23 =	simm.s32 $0x1B8B  }
0xa8: {  	_ =	swait.ge [sflag:s23], $0x1  }
0xa9: {  	[sflag:s23] =	ssyncset.done $0x0  }
0xaa: {  	s25 =	simm.s32 $0x1B8E;
	s24 =	sld [smem:$0x3FFE];
	[sflag:s23] =	ssyncadd.s32 $0xFFFFFFFF  }
0xab: {  	s26 =	simm.s32 $execute0_lowered;
	[smem:$0x3FD2] =	sst s25  }
0xac: {  	s5 =	sshll.u32 s26, $0x1;
	_ =	strace $0x80000046;
	[dreg:$0x1] =	wrdreg $0xFFFFFFFF  }
0xad: {  	s28 =	simm.s32 $_size_execute0_lowered;
	s3 =	sadd.s32 s3, s5;
	[dreg:$0x0] =	wrdreg $0x0  }
0xae: {  	s5 =	sshll.u32 s28, $0x1;
	[dreg:$0x2] =	wrdreg s3  }
0xaf: {  	[dreg:$0x3] =	wrdreg s5  }
0xb0: {  	[dreg:$0x4] =	wrdreg $0xC0  }
0xb1: {  	_ =	task [dreg:s7], $0x5FFFF  }
0xb2: {  	[dreg:$0x1] =	wrdreg $0xFFFFFFFF  }
0xb3: {  	[dreg:$0x0] =	wrdreg $0x60  }
0xb4: {  	[dreg:$0x2] =	wrdreg s24  }
0xb5: {  	[dreg:$0x3] =	wrdreg s16  }
0xb6: {  	[dreg:$0x4] =	wrdreg $0xBC000  }
0xb7: {  	[dreg:$0x5] =	wrdreg $0x9  }
0xb8: {  	_ =	task.clear_ibuf [dreg:s7], $0x6FFFF;
	_ =	strace $0x90000046  }
0xb9: {  	s29 =	simm.s32 $0x9;
	_ =	strace $0x80000048  }
0xba: {  	_ =	swait.ge [sflag:s29], $0x1  }
0xbb: {  	[sflag:s29] =	ssyncadd.s32 $0xFFFFFFFF  }
0xbc: {  	_ =	strace $0x90000048  }
0xbd: {  	_ =	sfence  }
0xbe: {  	s30 =	sld [smem:$0x0];
	_ =	sdelay $0x2  }
0xbf: {  	s31 =	sshll.u32 s1, $0xD;
	s1 =	sshrl.u32 s1, $0x2  }
0xc0: {  	s3 =	sand.u32 $0x4000, s31;
	s1 =	sadd.s32 s1, s30  }
0xc1: {  	s0 =	sor.u32 s3, s0;
	s1 =	sshll.u32 s1, $0x11  }
0xc2: {  	s0 =	sor.u32 s1, s0  }
0xc3: {  	s0 =	sadd.s32 $0x8F2B, s0  }
0xc4: {  	[sflag:s0] =	ssyncadd.remote.s32 $0x1  }
0xc5: {  	_ =	sfence.sel $0xFFFF  }
0xc6: {  	[dreg:$0x0] =	wrdreg $0xFFFFFFFF;
	(pc) =	sbr.abs _section_cstart, $3  }
0xc7: {  	[dreg:$0x1] =	wrdreg $0xFFFFFFFF  }
0xc8: {  	_ =	task.clear_ibuf [dreg:s7], $0x2FFFF;
	_ =	strace $0x9FFFFFFF  }
0xc9: {  	(tm) =	ssettm $0x7FFFFFFF  }
tec
execute0_lowered:
.L_overlay_start_1:
0x0: {  	(tag) =	ssettag $0x1  }
0x1: {  	s11 =	rddreg [dreg:$0x0]  }
0x2: {  	s1 =	rddreg [dreg:$0x1]  }
0x3: {  	s3 =	rddreg [dreg:$0x2]  }
0x4: {  	s4 =	simm.s32 $0x0;
	s5 =	srdreg.scid;
	s0 =	stileid.u32  }
0x5: {  	s19 =	simm.s32 $0x68000;
	s21 =	simm.s32 $0xA;
	s22 =	simm.s32 $0xB  }
0x6: {  	s23 =	simm.s32 $0xC;
	s24 =	simm.s32 $0x0;
	[smem:$0x7FF] =	sst s4  }
0x7: {  	s10 =	sand.u32 $0x1, s5;
	s28 =	sshll.u32 s0, $0x1;
	s15 =	smul.u32 $0x4F000, s0  }
0x8: {  	s5 =	sadd.s32 $0x4A00, s11;
	s14 =	sadd.s32 $0x2BC00, s11;
	s16 =	smul.u32 $0x5280, s0  }
0x9: {  	s13 =	sadd.s32 $0x36200, s11;
	s17 =	sshll.u32 s0, $0x6;
	s20 =	smul.u32 $0x2780, s0  }
0xa: {  	_ =	strace $0x80000047;
	s6 =	ssub.s32 $0x2, s10;
	s7 =	sor.u32 s10, s28  }
0xb: {  	s30 =	smul.u32 $0x2940, s10;
	p0 =	seq.s32 s10, $0x1;
	s10 =	sor.u32 $0x1C0D, s17  }
0xc: {  	s17 =	simm.s32 $0x480;
	s8 =	sshrl.u32 s6, $0x1;
	s7 =	smul.u32 $0x2940, s7  }
0xd: {  	s15 =	sshrl.u32 s15, $0x2;
	s19 =	simm.s32 @!p0 $0x40800;
	s12 =	ssub.s32 s6, s8  }
0xe: {  	s18 =	sadd.s32 s15, s3;
	s15 =	sadd.s32 s30, s16;
	s31 =	sadd.s32 s19, s11  }
0xf: {  	s16 =	simm.s32 $0x80;
	s19 =	simm.s32 $0xD;
	s29 =	sshrl.u32 s7, $0x3  }
0x10: {  	s9 =	sadd.s32 $0x78, s7;
	s15 =	sadd.s32 $0xF0, s15;
	s11 =	smax.u32 s12, $0x1  }
0x11: {  	s12 =	sadd.s32 s31, s20;
	s18 =	sshrl.u32 s18, $0x3;
	s20 =	simm.s32 $0x78  }
0x12: {  	s6 =	sadd.s32 s14, s29;
	s7 =	sadd.s32 s13, s29;
	s9 =	sshrl.u32 s9, $0x3  }
0x13: {  	s15 =	sshrl.u32 s15, $0x3;
	s8 =	sadd.s32 s14, s9;
	s9 =	sadd.s32 s13, s9  }
0x14: {  	s13 =	sadd.s32 s15, s13;
	s14 =	sadd.s32 s15, s14;
	s15 =	simm.s32 $0x400  }
.LBB2_1:
0x15: {  	[tilespmem:s4], [sflag:$0x1] =	stream.linear.gather [hbm4b:s6+s4], $0x78, $0x38;
	[tilespmem:$0x1F800] =	vst v63  }
0x16: {  	_ = 	snop  }
0x17: {  	[tilespmem:s15], [sflag:$0x1] =	stream.linear.gather [hbm4b:s7+s4], $0x78, $0x38;
	[tilespmem:$0x1F800] =	vst v63  }
0x18: {  	_ = 	snop  }
0x19: {  	[tilespmem:s16], [sflag:$0x2] =	stream.linear.gather [hbm4b:s8+s4], $0x78, $0x38;
	[tilespmem:$0x1F800] =	vst v63  }
0x1a: {  	_ = 	snop  }
0x1b: {  	[tilespmem:s17], [sflag:$0x2] =	stream.linear.gather [hbm4b:s9+s4], $0x78, $0x38;
	[tilespmem:$0x1F800] =	vst v63  }
0x1c: {  	[spmem:s18], [sflag:s10] =	dma.local [hbm:s1], $0x2780  }
0x1d: {  	_ =	swait.ge [sflag:s19], $0x2780  }
0x1e: {  	[sflag:s19] =	ssyncset.done $0x0  }
0x1f: {  	s25 =	simm.s32 $0x2;
	[sflag:s19] =	ssyncadd.s32 $0xFFFFD880  }
0x20: {  	s26 =	smov.u32 s14;
	s28 =	smov.u32 s13;
	[bflag:$0x0] =	sbarrier.arrive $0xFFFF  }
.LBB2_2:
0x21: {  	s29 =	sadd.s32 $0xFFFFFFFE, s25;
	p0 =	seq.s32 s25, $0x5A  }
0x22: {  	s30 =	smul.u32 @!p0 $0xAB, s29;
	_ =	sdelay $0x1  }
0x23: {  	s31 =	sshrl.u32 @!p0 s30, $0x9  }
0x24: {  	s31 =	sand.u32 @!p0 $0x7F, s31  }
0x25: {  	s31 =	smul.u32 @!p0 $0x3, s31  }
0x26: {  	s30 =	sshrl.u32 @!p0 s30, $0xA  }
0x27: {  	p1 =	slt.u32 @!p0 s29, $0x3;
	s30 =	sand.u32 @!p0 $0x3F, s30;
	s31 =	ssub.s32 @!p0 s29, s31  }
0x28: {  	p1 =	por p1, p0;
	s30 =	smul.u32 @!p0 $0x6, s30;
	s31 =	sand.u32 @!p0 $0xFF, s31  }
0x29: {  	s0 =	sadd.s32 @!p1 $0xA, s31  }
0x2a: {  	s30 =	ssub.s32 @!p0 s29, s30;
	_ =	swait.ge @!p1 [sflag:s0], $0x3C00  }
0x2b: {  	s30 =	sand.u32 @!p0 $0xFF, s30;
	[sflag:s0] =	ssyncset.done @!p1 $0x0  }
0x2c: {  	[sflag:s0] =	ssyncadd.s32 @!p1 $0xFFFFC400;
	s0 =	sadd.s32 @!p0 $0x1, s30  }
0x2d: {  	p1 =	sgt.u32 @!p0 s29, $0x55;
	_ =	swait.ge @!p0 [sflag:s0], $0x78  }
0x2e: {  	s29 =	smul.u32 @!p0 $0xF000, s31;
	p1 =	por p0, p1;
	[sflag:s0] =	ssyncset.done @!p0 $0x0  }
0x2f: {  	s2 =	smul.u32 @!p1 $0xAB, s25;
	[sflag:s0] =	ssyncadd.s32 @!p0 $0xFFFFFF88  }
0x30: {  	s30 =	sshll.u32 @!p0 s30, $0x7;
	_ =	swait.ge @!p0 [sflag:s0], $0x78  }
0x31: {  	s29 =	sshrl.u32 @!p0 s29, $0x2;
	s2 =	sshrl.u32 @!p1 s2, $0xA;
	[sflag:s0] =	ssyncset.done @!p0 $0x0  }
0x32: {  	s2 =	sand.u32 @!p1 $0x3F, s2;
	[sflag:s0] =	ssyncadd.s32 @!p0 $0xFFFFFF88;
	s0 =	sadd.s32 @!p0 $0x800, s29  }
0x33: {  	s29 =	sadd.s32 @!p0 $0x7, s31;
	s31 =	simm.s32 @!p0 $0x78;
	s2 =	smul.u32 @!p1 $0x6, s2  }
0x34: {  	[tilespmem:s0], [sflag:s29] =	stream.indirect.gather @!p0 [hbm4b:s5+s31], $0x80, s30, s31, $0xb8;
	[tilespmem:$0x1F800] =	vst v63  }
0x35: {  	s0 =	ssub.s32 @!p1 s25, s2  }
0x36: {  	s0 =	sand.u32 @!p1 $0xFF, s0  }
0x37: {  	s29 =	simm.s32 @!p1 $0x0;
	s2 =	sadd.s32 @!p1 $0x1, s0;
	s0 =	sshll.u32 @!p1 s0, $0x7  }
0x38: {  	[tilespmem:s0], [sflag:s2] =	stream.linear.gather @!p1 [hbm4b:s26+s29], $0x78, $0x38;
	[tilespmem:$0x1F800] =	vst v63  }
0x39: {  	s0 =	sor.u32 @!p1 $0x400, s0  }
0x3a: {  	[tilespmem:s0], [sflag:s2] =	stream.linear.gather @!p1 [hbm4b:s28+s29], $0x78, $0x38;
	[tilespmem:$0x1F800] =	vst v63  }
0x3b: {  	s0 =	sadd.s32 @!p1 $0xFFFFFFFD, s25  }
0x3c: {  	p0 =	sgt.u32 @!p1 s0, $0x57  }
0x3d: {  	p0 =	por p1, !p0  }
0x3e: {  	s0 =	sadd.s32 @p0 $0xFFFFFFFD, s25  }
0x3f: {  	s2 =	sand.u32 @p0 $0xFF, s0  }
0x40: {  	s2 =	smul.u32 @p0 $0xAB, s2;
	_ =	sdelay $0x1  }
0x41: {  	s29 =	sshrl.u32 @p0 s2, $0x9  }
0x42: {  	s2 =	sshrl.u32 @p0 s2, $0xA;
	s29 =	smul.u32 @p0 $0x3, s29  }
0x43: {  	s2 =	smul.u32 @p0 $0x6, s2  }
0x44: {  	s29 =	ssub.s32 @p0 s0, s29  }
0x45: {  	s0 =	ssub.s32 @p0 s0, s2;
	s29 =	sand.u32 @p0 $0xFF, s29  }
0x46: {  	s0 =	sand.u32 @p0 $0xF7, s0;
	s30 =	sadd.s32 @p0 $0x7, s29;
	s2 =	smul.u32 @p0 $0xF000, s29  }
0x47: {  	s25 =	sadd.s32 $0x1, s25;
	s0 =	sshll.u32 @p0 s0, $0x7;
	_ =	swait.ge @p0 [sflag:s30], $0x3C00  }
0x48: {  	s29 =	sadd.s32 @p0 $0xA, s29;
	[sflag:s30] =	ssyncset.done @p0 $0x0;
	s2 =	sshrl.u32 @p0 s2, $0x2  }
0x49: {  	s0 =	sor.u32 @p0 $0x400, s0;
	[sflag:s30] =	ssyncadd.s32 @p0 $0xFFFFC400;
	s2 =	sadd.s32 @p0 $0x800, s2  }
0x4a: {  	[spmem:s3] =	stream.indirect.scatter.add.f32 @p0 [tilespmem:s2], [sflag:s29], $0x80, s0, s20, $0xb8;
	[tilespmem:$0x1F800] =	vst v63  }
0x4b: {  	p0 =	sne.s32 s25, $0x5B  }
.Ltmp0:
0x4c: {  	_ = 	snop;
	(pc) =	sbr.rel @p0 .LBB2_2-.Ltmp0, $2  }
0x4d: {  	_ =	sdelay $0x2  }
0x4e: {  	s26 =	sadd.s32 $0xF, s26;
	s28 =	sadd.s32 $0xF, s28  }
0x4f: {  	_ =	swait.ge [sflag:s21], $0x3C00  }
0x50: {  	[sflag:s21] =	ssyncset.done $0x0  }
0x51: {  	[sflag:s21] =	ssyncadd.s32 $0xFFFFC400  }
0x52: {  	_ =	swait.ge [sflag:s22], $0x3C00  }
0x53: {  	[sflag:s22] =	ssyncset.done $0x0  }
0x54: {  	[sflag:s22] =	ssyncadd.s32 $0xFFFFC400  }
0x55: {  	_ =	swait.ge [sflag:s23], $0x3C00  }
0x56: {  	s24 =	sadd.s32 $0x1, s24;
	[sflag:s23] =	ssyncset.done $0x0  }
0x57: {  	p0 =	sne.s32 s24, s11;
	[sflag:s23] =	ssyncadd.s32 $0xFFFFC400  }
.Ltmp1:
0x58: {  	[bflag:$0x0] =	sbarrier.arrive $0xFFFF;
	(pc) =	sbr.rel @p0 .LBB2_1-.Ltmp1, $4  }
0x59: {  	[hbm:s12], [sflag:s10] =	dma.local [spmem:s18], $0x2780  }
0x5a: {  	_ =	swait.ge [sflag:s19], $0x2780  }
0x5b: {  	[sflag:s19] =	ssyncset.done $0x0  }
0x5c: {  	[sflag:s19] =	ssyncadd.s32 $0xFFFFD880  }
0x5d: {  	_ =	sfence.sel $0x180000  }
0x5e: {  	[bflag:$0x0] =	sbarrier.arrive $0xFFFF  }
0x5f: {  	_ =	strace $0x90000047  }
0x60: {  	s0 =	stileid.u32;
	[bflag:$0x2] =	sbarrier.arrive $0xFFFF  }
0x61: {  	p0 =	sne.s32 s0, $0x0;
	s0 =	rddreg [dreg:$0x3]  }
0x62: {  	s0 =	sadd.s32 @!p0 $0x100000, s0  }
0x63: {  	[sflag:s0] =	ssyncadd.tile.s32 @!p0 $0x1;
	_ =	shalt  }
.Lfunc_end2:
_tile_overlayer_lowered:
.L_overlay_start_2:
0x64: {  	(tag) =	ssettag $0x2  }
0x65: {  	s0 =	rddreg [dreg:$0x0];
	s2 =	stileid.u32  }
0x66: {  	s1 =	rddreg [dreg:$0x1];
	p0 =	sne.s32 s2, $0x0  }
0x67: {  	s3 =	rddreg [dreg:$0x2];
	[bflag:$0x3] =	sbarrier.arrive $0xFFFF;
	s2 =	simm.s32 @!p0 $0x1C0D  }
0x68: {  	[timem:s3], [sflag:s2] =	dma.local @!p0 [hbm:s0], s1  }
0x69: {  	s0 =	simm.s32 @!p0 $0xD  }
0x6a: {  	_ =	swait.ge @!p0 [sflag:s0], s1  }
0x6b: {  	s1 =	ssub.s32 @!p0 $0x0, s1;
	[sflag:s0] =	ssyncset.done @!p0 $0x0  }
0x6c: {  	[sflag:s0] =	ssyncadd.s32 @!p0 s1  }
0x6d: {  	[bflag:$0x3] =	sbarrier.arrive $0xFFFF  }
0x6e: {  	_ =	shalt  }

</sc_bundles>
